<compile_context>
chip_gen: v7x
topology: tpu7x:2x2x1
jax: 0.10.2.dev20260603
libtpu: 0.0.44.dev20260713+nightly
codegen_flags: <defaults>
</compile_context>

<pallas_src>
import dataclasses
import functools

import jax
import jax.numpy as jnp
from jax import lax
from jax.experimental import pallas as pl
from jax.experimental.pallas import tpu as pltpu
from jax.experimental.pallas import tpu_sc as plsc

N_NODES = 10000
DIM_IN = 128
DIM_OUT = 64
NUM_EDGES = 320000

NUM_CORES = 2
NUM_SUBCORES = 16
NW = NUM_CORES * NUM_SUBCORES

CH = 128
NCHUNK = 80
EPT = NCHUNK * CH
PAD_EDGES = NW * EPT - NUM_EDGES
NCHUNK_MP = 160
CCOL = DIM_OUT // NUM_CORES
DUMMY = N_NODES
NPAD = N_NODES + 8
HIST = N_NODES + 16
ACC_ROWS = 10240
SLAB = ACC_ROWS // NUM_SUBCORES
NPIECE = SLAB // CH

ROWS_PER_MM_BLOCK = 1000
NBUF = 8
AHEAD = 4


def _vector_mesh():
    return plsc.VectorSubcoreMesh(core_axis_name="c", subcore_axis_name="s")


def _sc_compiler_params():
    cp = pltpu.CompilerParams()
    fields = pltpu.CompilerParams.__dataclass_fields__
    if "needs_layout_passes" in fields:
        cp = dataclasses.replace(cp, needs_layout_passes=False)
    if "use_tc_tiling_on_sc" in fields:
        cp = dataclasses.replace(cp, use_tc_tiling_on_sc=False)
    return cp


def _sc_degree(dst3d):

    @functools.partial(
        pl.kernel,
        out_type=jax.ShapeDtypeStruct((NUM_SUBCORES, HIST), jnp.float32),
        mesh=plsc.VectorSubcoreMesh(
            core_axis_name="c", subcore_axis_name="s", num_cores=1),
        compiler_params=_sc_compiler_params(),
        scratch_types=[
            pltpu.VMEM((NCHUNK_MP, CH), jnp.int32),
            pltpu.VMEM((HIST,), jnp.float32),
        ],
    )
    def deg_kernel(dst_hbm, out_hbm, idx_v, hist_v):
        sid = lax.axis_index("s")

        zeros16 = jnp.zeros((16,), jnp.float32)

        @pl.loop(0, HIST, step=16)
        def _(i):
            hist_v[pl.ds(i, 16)] = zeros16

        pltpu.sync_copy(dst_hbm.at[sid], idx_v)

        ones16 = jnp.ones((16,), jnp.float32)

        @pl.loop(0, NCHUNK_MP)
        def _(j):
            @pl.loop(0, CH, step=16)
            def _(k):
                idx = idx_v.at[j][pl.ds(k, 16)]
                plsc.addupdate_scatter(hist_v, [idx], ones16)

        pltpu.sync_copy(hist_v, out_hbm.at[sid])

    return deg_kernel(dst3d)


def _sc_scatter(g2, src3d, dst3d):

    @functools.partial(
        pl.kernel,
        out_type=jax.ShapeDtypeStruct((NUM_CORES, ACC_ROWS, CCOL), jnp.float32),
        mesh=_vector_mesh(),
        compiler_params=_sc_compiler_params(),
        scratch_types=[
            pltpu.VMEM((NCHUNK_MP, CH), jnp.int32),
            pltpu.VMEM((NCHUNK_MP, CH), jnp.int32),
            pltpu.VMEM((NBUF, CH, CCOL), jnp.float32),
            pltpu.VMEM_SHARED((ACC_ROWS, CCOL), jnp.float32),
            pltpu.VMEM_SHARED((ACC_ROWS, CCOL), jnp.float32),
            pltpu.SemaphoreType.DMA((NBUF,)),
            pltpu.SemaphoreType.DMA((NBUF,)),
        ],
    )
    def mp_kernel(g_hbm, src_hbm, dst_hbm, out_hbm,
                  src_v, dst_v, rows_v, acc_sh, g_sh, semg, sems):
        cid = lax.axis_index("c")
        sid = lax.axis_index("s")

        zeros16 = jnp.zeros((16,), jnp.float32)

        @pl.loop(0, CH)
        def _(r):
            @pl.loop(0, CCOL, step=16)
            def _(k):
                rows_v.at[0][r, pl.ds(k, 16)] = zeros16

        @pl.loop(0, NPIECE)
        def _(q):
            pltpu.sync_copy(rows_v.at[0],
                            acc_sh.at[pl.ds(sid * SLAB + q * CH, CH)])

        @pl.loop(0, NPIECE)
        def _(q):
            base = sid * SLAB + q * CH
            pltpu.sync_copy(g_hbm.at[cid].at[pl.ds(base, CH)],
                            g_sh.at[pl.ds(base, CH)])

        plsc.subcore_barrier()

        pltpu.sync_copy(src_hbm.at[sid], src_v)
        pltpu.sync_copy(dst_hbm.at[sid], dst_v)

        for b in range(AHEAD):
            pltpu.async_copy(g_sh.at[src_v.at[b]], rows_v.at[b], semg.at[b])

        for c in range(NBUF):
            pltpu.make_async_copy(
                g_sh.at[src_v.at[c]], rows_v.at[c], semg.at[c]).wait()
            pltpu.async_copy(
                rows_v.at[c], acc_sh.at[dst_v.at[c]], sems.at[c], add=True)
            n = c + AHEAD
            nb = n % NBUF
            if n >= NBUF:
                pltpu.make_async_copy(
                    rows_v.at[nb], acc_sh.at[dst_v.at[0]], sems.at[nb]).wait()
            pltpu.async_copy(g_sh.at[src_v.at[n]], rows_v.at[nb], semg.at[nb])

        @pl.loop(NBUF, NCHUNK_MP, step=NBUF)
        def _(j):
            for b in range(NBUF):
                nb = (b + AHEAD) % NBUF
                pltpu.make_async_copy(
                    g_sh.at[src_v.at[j + b]], rows_v.at[b], semg.at[b]).wait()
                pltpu.async_copy(
                    rows_v.at[b], acc_sh.at[dst_v.at[j + b]], sems.at[b],
                    add=True)
                pltpu.make_async_copy(
                    rows_v.at[nb], acc_sh.at[dst_v.at[0]], sems.at[nb]).wait()

                @pl.when(j + b + AHEAD < NCHUNK_MP)
                def _(j=j, b=b, nb=nb):
                    pltpu.async_copy(
                        g_sh.at[src_v.at[j + b + AHEAD]], rows_v.at[nb],
                        semg.at[nb])

        for b in range(NBUF - AHEAD, NBUF):
            pltpu.make_async_copy(
                rows_v.at[b], acc_sh.at[dst_v.at[0]], sems.at[b]).wait()

        plsc.subcore_barrier()

        @pl.loop(0, NPIECE)
        def _(q):
            base = sid * SLAB + q * CH
            pltpu.sync_copy(acc_sh.at[pl.ds(base, CH)],
                            out_hbm.at[cid].at[pl.ds(base, CH)])

    return mp_kernel(g2, src3d, dst3d)


def _tc_matmul(x, W):
    def body(x_ref, w_ref, o_ref):
        o_ref[...] = jnp.dot(x_ref[...], w_ref[...],
                             preferred_element_type=jnp.float32)

    nblk = N_NODES // ROWS_PER_MM_BLOCK
    return pl.pallas_call(
        body,
        out_shape=jax.ShapeDtypeStruct((N_NODES, DIM_OUT), jnp.float32),
        grid=(nblk,),
        in_specs=[
            pl.BlockSpec((ROWS_PER_MM_BLOCK, DIM_IN), lambda i: (i, 0)),
            pl.BlockSpec((DIM_IN, DIM_OUT), lambda i: (0, 0)),
        ],
        out_specs=pl.BlockSpec((ROWS_PER_MM_BLOCK, DIM_OUT), lambda i: (i, 0)),
    )(x, W)


def _tc_degsum(partials):
    def body(p_ref, o_ref):
        o_ref[...] = jnp.sum(p_ref[...], axis=0, keepdims=True) + 2.0

    return pl.pallas_call(
        body,
        out_shape=jax.ShapeDtypeStruct((1, HIST), jnp.float32),
    )(partials)


def _tc_scale(h, deg_col):
    def body(h_ref, d_ref, o_ref):
        o_ref[...] = h_ref[...] * lax.rsqrt(d_ref[...])

    nblk = N_NODES // ROWS_PER_MM_BLOCK
    return pl.pallas_call(
        body,
        out_shape=jax.ShapeDtypeStruct((N_NODES, DIM_OUT), jnp.float32),
        grid=(nblk,),
        in_specs=[
            pl.BlockSpec((ROWS_PER_MM_BLOCK, DIM_OUT), lambda i: (i, 0)),
            pl.BlockSpec((ROWS_PER_MM_BLOCK, 1), lambda i: (i, 0)),
        ],
        out_specs=pl.BlockSpec((ROWS_PER_MM_BLOCK, DIM_OUT), lambda i: (i, 0)),
    )(h, deg_col)


def _tc_final(a0, a1, g, deg_col, b2, lw2, lb2):
    def body(a0_ref, a1_ref, g_ref, d_ref, b_ref, lw_ref, lb_ref, o_ref):
        dis = lax.rsqrt(d_ref[...])
        acc = jnp.concatenate([a0_ref[...], a1_ref[...]], axis=1)
        out = dis * (acc + 2.0 * g_ref[...]) + b_ref[...]
        out = jnp.where(out >= 0, out, 0.01 * out)
        mu = jnp.mean(out, axis=1, keepdims=True)
        cen = out - mu
        var = jnp.mean(cen * cen, axis=1, keepdims=True)
        o_ref[...] = cen * lax.rsqrt(var + 1e-5) * lw_ref[...] + lb_ref[...]

    nblk = N_NODES // ROWS_PER_MM_BLOCK
    row_spec = pl.BlockSpec((ROWS_PER_MM_BLOCK, DIM_OUT), lambda i: (i, 0))
    half_spec = pl.BlockSpec((ROWS_PER_MM_BLOCK, CCOL), lambda i: (i, 0))
    vec_spec = pl.BlockSpec((1, DIM_OUT), lambda i: (0, 0))
    return pl.pallas_call(
        body,
        out_shape=jax.ShapeDtypeStruct((N_NODES, DIM_OUT), jnp.float32),
        grid=(nblk,),
        in_specs=[half_spec, half_spec, row_spec,
                  pl.BlockSpec((ROWS_PER_MM_BLOCK, 1), lambda i: (i, 0)),
                  vec_spec, vec_spec, vec_spec],
        out_specs=row_spec,
    )(a0, a1, g, deg_col, b2, lw2, lb2)


@jax.jit
def _run(x, edge_index, W, b, ln_w, ln_b):
    src = edge_index[0]
    dst = edge_index[1]
    pad = jnp.full((PAD_EDGES,), DUMMY, jnp.int32)
    src_flat = jnp.concatenate([src, pad])
    dst_flat = jnp.concatenate([dst, pad])
    src3d_mp = src_flat.reshape(NUM_SUBCORES, NCHUNK_MP, CH)
    dst3d_mp = dst_flat.reshape(NUM_SUBCORES, NCHUNK_MP, CH)

    partials = _sc_degree(dst3d_mp)
    h = _tc_matmul(x, W)
    deg_col = _tc_degsum(partials).reshape(HIST, 1)[:N_NODES]
    g = _tc_scale(h, deg_col)
    g_pad = jnp.pad(g, ((0, ACC_ROWS - N_NODES), (0, 0)))
    g2 = jnp.stack([g_pad[:, :CCOL], g_pad[:, CCOL:]], axis=0)
    acc = _sc_scatter(g2, src3d_mp, dst3d_mp)

    b2 = b.reshape(1, DIM_OUT)
    lw2 = ln_w.reshape(1, DIM_OUT)
    lb2 = ln_b.reshape(1, DIM_OUT)
    return _tc_final(acc[0], acc[1], g, deg_col, b2, lw2, lb2)


def kernel(x, edge_index, W, b, ln_w, ln_b):
    return _run(x, edge_index, W, b, ln_w, ln_b)

# --- scband reference (transcript-rebuilt; emitter-appended) ---
"""Pipeline reference for scband-gnnencoder-70497593197361 (READ-ONLY COPY).

The authoritative reference and input builder live on the scoring server;
editing this copy changes nothing except your own understanding.
"""

import jax, jax.numpy as jnp
import numpy as np

N = 10000
E = 320000
D = 128
C = 64

def setup_inputs(seed: int = 0) -> dict:
    key = jax.random.key(seed)
    k1, k2, k3 = jax.random.split(key, 3)
    x = jax.random.normal(k1, (N, D), dtype=jnp.float32)
    edge_index = jax.random.randint(k2, (2, E), 0, N, dtype=jnp.int32)
    W = jax.random.normal(k3, (D, C), dtype=jnp.float32) * 0.05
    b = jnp.zeros((C,), dtype=jnp.float32)
    ln_w = jnp.ones((C,), dtype=jnp.float32)
    ln_b = jnp.zeros((C,), dtype=jnp.float32)
    return {"x": x, "edge_index": edge_index, "W": W, "b": b, "ln_w": ln_w, "ln_b": ln_b}


def reference(x, edge_index, W, b, ln_w, ln_b):
    n = x.shape[0]
    loops = jnp.arange(n, dtype=edge_index.dtype)
    self_loops = jnp.stack([loops, loops], axis=0)
    # outer add_self_loops in GNNEncoder.forward
    ei = jnp.concatenate([edge_index, self_loops], axis=1)
    # GCNConv's internal gcn_norm adds self loops again (edge_weight=None -> ones)
    ei2 = jnp.concatenate([ei, self_loops], axis=1)
    src, dst = ei2[0], ei2[1]
    w = jnp.ones((ei2.shape[1],), dtype=x.dtype)
    deg = jnp.zeros((n,), dtype=x.dtype).at[dst].add(w)
    deg_inv_sqrt = jnp.where(deg > 0, deg ** -0.5, 0.0)
    norm = deg_inv_sqrt[src] * deg_inv_sqrt[dst]
    h = x @ W
    msg = h[src] * norm[:, None]
    out = jnp.zeros((n, h.shape[1]), dtype=x.dtype).at[dst].add(msg) + b
    # F.leaky_relu default negative_slope=0.01
    out = jnp.where(out >= 0, out, 0.01 * out)
    # LayerNorm(num_communities)
    mu = out.mean(axis=-1, keepdims=True)
    var = out.var(axis=-1, keepdims=True)
    out = (out - mu) / jnp.sqrt(var + 1e-5) * ln_w + ln_b
    return out

if __name__ == "__main__":
    import jax
    _d = setup_inputs()
    print(jax.jit(kernel)(*tuple(_d.values())))

</pallas_src>

<mosaic_0001>
#map = affine_map<(d0, d1) -> (0, 0, 0)>
module attributes {stable_mosaic.version = 14 : i64} {
  func.func @mp_kernel(%arg0: i32, %arg1: i32, %arg2: memref<2x10240x32xf32, #tpu.memory_space<hbm>>, %arg3: memref<16x160x128xi32, #tpu.memory_space<hbm>>, %arg4: memref<16x160x128xi32, #tpu.memory_space<hbm>>, %arg5: memref<2x10240x32xf32, #tpu.memory_space<hbm>>, %arg6: memref<160x128xi32, #tpu.memory_space<vmem>>, %arg7: memref<160x128xi32, #tpu.memory_space<vmem>>, %arg8: memref<8x128x32xf32, #tpu.memory_space<vmem>>, %arg9: memref<10240x32xf32, #tpu.memory_space<vmem_shared>>, %arg10: memref<10240x32xf32, #tpu.memory_space<vmem_shared>>, %arg11: memref<8x!tpu.dma_semaphore, #tpu.memory_space<semaphore_mem>>, %arg12: memref<8x!tpu.dma_semaphore, #tpu.memory_space<semaphore_mem>>) attributes {dimension_semantics = [#tpu.dimension_semantics<core_parallel>, #tpu.dimension_semantics<subcore_parallel>], iteration_bounds = array<i64: 2, 16>, scalar_prefetch = 0 : i64, scratch_operands = 7 : i64, tpu.core_type = #tpu.core_type<sc_vector_subcore>, window_params = [{transform_indices = #map}, {transform_indices = #map}, {transform_indices = #map}, {transform_indices = #map}]} {
    %broadcast_in_dim3A = arith.constant 0.000000e+00 : f32
    %broadcast_in_dim3A_0 = vector.broadcast %broadcast_in_dim3A : f32 to vector<16xf32>
    %scan3A = arith.constant 0 : i32
    %scan3A_1 = arith.constant 128 : i32
    %scan3A_2 = arith.addi %scan3A, %scan3A_1 : i32
    %scan3A_3 = arith.constant 1 : i32
    scf.for %scan3A_564 = %scan3A to %scan3A_2 step %scan3A_3  : i32 {
      %mul3A = arith.constant 1 : i32
      %mul3A_565 = arith.muli %scan3A_564, %mul3A : i32
      %add3A = arith.constant 0 : i32
      %add3A_566 = arith.addi %add3A, %mul3A_565 : i32
      %scan3A_567 = arith.constant 0 : i32
      %scan3A_568 = arith.constant 2 : i32
      %scan3A_569 = arith.addi %scan3A_567, %scan3A_568 : i32
      %scan3A_570 = arith.constant 1 : i32
      scf.for %scan3A_572 = %scan3A_567 to %scan3A_569 step %scan3A_570  : i32 {
        %mul3A_573 = arith.constant 16 : i32
        %mul3A_574 = arith.muli %scan3A_572, %mul3A_573 : i32
        %add3A_575 = arith.constant 0 : i32
        %add3A_576 = arith.addi %add3A_575, %mul3A_574 : i32
        %swap3A = arith.constant 0 : i32
        %swap3A_577 = arith.constant 0 : i32
        %swap3A_578 = arith.constant 0 : i32
        %swap3A_579 = tpu.memref_slice %arg8[%swap3A, %swap3A_577, %swap3A_578] : memref<8x128x32xf32, #tpu.memory_space<vmem>> -> memref<1x128x32xf32, #tpu.memory_space<vmem>>
        %swap3A_580 = tpu.memref_squeeze %swap3A_579 : memref<1x128x32xf32, #tpu.memory_space<vmem>> -> memref<128x32xf32, #tpu.memory_space<vmem>>
        %swap3A_581 = arith.index_cast %add3A_566 : i32 to index
        %swap3A_582 = arith.index_cast %add3A_576 : i32 to index
        %swap3A_583 = tpu.vector_load %swap3A_580[%swap3A_581, %swap3A_582] {strides = array<i32>} : memref<128x32xf32, #tpu.memory_space<vmem>>, vector<16xf32>,
        tpu.vector_store %swap3A_580[%swap3A_581, %swap3A_582], %broadcast_in_dim3A_0 {strides = array<i32>} : memref<128x32xf32, #tpu.memory_space<vmem>>, vector<16xf32>,
      }
      %scan3A_571 = arith.constant 2 : i32
    }
    %scan3A_4 = arith.constant 128 : i32
    %scan3A_5 = arith.constant 0 : i32
    %scan3A_6 = arith.constant 5 : i32
    %scan3A_7 = arith.addi %scan3A_5, %scan3A_6 : i32
    %scan3A_8 = arith.constant 1 : i32
    scf.for %scan3A_564 = %scan3A_5 to %scan3A_7 step %scan3A_8  : i32 {
      %mul3A = arith.constant 1 : i32
      %mul3A_565 = arith.muli %scan3A_564, %mul3A : i32
      %add3A = arith.constant 0 : i32
      %add3A_566 = arith.addi %add3A, %mul3A_565 : i32
      %mul3A_567 = arith.constant 640 : i32
      %mul3A_568 = arith.muli %arg1, %mul3A_567 : i32
      %mul3A_569 = arith.constant 128 : i32
      %mul3A_570 = arith.muli %add3A_566, %mul3A_569 : i32
      %add3A_571 = arith.addi %mul3A_568, %mul3A_570 : i32
      %run_scoped3A = arith.constant 0 : i32
      "tpu.region"() ({
        %run_scoped3A_572 = tpu.sem_alloc : memref<!tpu.dma_semaphore, #tpu.memory_space<semaphore_mem>>
        %dma_start3A_573 = arith.constant 0 : i32
        %dma_start3A_574 = arith.constant 0 : i32
        %dma_start3A_575 = tpu.memref_slice %arg8[%run_scoped3A, %dma_start3A_573, %dma_start3A_574] : memref<8x128x32xf32, #tpu.memory_space<vmem>> -> memref<1x128x32xf32, #tpu.memory_space<vmem>>
        %dma_start3A_576 = tpu.memref_squeeze %dma_start3A_575 : memref<1x128x32xf32, #tpu.memory_space<vmem>> -> memref<128x32xf32, #tpu.memory_space<vmem>>
        %dma_start3A_577 = arith.constant 0 : i32
        %dma_start3A_578 = tpu.memref_slice %arg9[%add3A_571, %dma_start3A_577] : memref<10240x32xf32, #tpu.memory_space<vmem_shared>> -> memref<128x32xf32, #tpu.memory_space<vmem_shared>>
        %dma_start3A_579 = arith.constant 0 : i32
        %dma_start3A_580 = tpu.memref_slice %arg9[%add3A_571, %dma_start3A_579] : memref<10240x32xf32, #tpu.memory_space<vmem_shared>> -> memref<128x32xf32, #tpu.memory_space<vmem_shared>>
        %dma_start3A_581 = arith.constant 0 : i32
        %dma_start3A_582 = arith.constant 0 : i32
        %dma_start3A_583 = tpu.memref_slice %arg8[%run_scoped3A, %dma_start3A_581, %dma_start3A_582] : memref<8x128x32xf32, #tpu.memory_space<vmem>> -> memref<1x128x32xf32, #tpu.memory_space<vmem>>
        %dma_start3A_584 = tpu.memref_squeeze %dma_start3A_583 : memref<1x128x32xf32, #tpu.memory_space<vmem>> -> memref<128x32xf32, #tpu.memory_space<vmem>>
        tpu.enqueue_dma source(%dma_start3A_584 : memref<128x32xf32, #tpu.memory_space<vmem>>) target(%dma_start3A_580 : memref<128x32xf32, #tpu.memory_space<vmem_shared>>) target_semaphore(%run_scoped3A_572 : memref<!tpu.dma_semaphore, #tpu.memory_space<semaphore_mem>>)
        %dma_wait3A_585 = arith.constant 0 : i32
        %dma_wait3A_586 = arith.constant 0 : i32
        %dma_wait3A_587 = tpu.memref_slice %arg8[%run_scoped3A, %dma_wait3A_585, %dma_wait3A_586] : memref<8x128x32xf32, #tpu.memory_space<vmem>> -> memref<1x128x32xf32, #tpu.memory_space<vmem>>
        %dma_wait3A_588 = tpu.memref_squeeze %dma_wait3A_587 : memref<1x128x32xf32, #tpu.memory_space<vmem>> -> memref<128x32xf32, #tpu.memory_space<vmem>>
        %dma_wait3A_589 = arith.constant 0 : i32
        %dma_wait3A_590 = tpu.memref_slice %arg9[%add3A_571, %dma_wait3A_589] : memref<10240x32xf32, #tpu.memory_space<vmem_shared>> -> memref<128x32xf32, #tpu.memory_space<vmem_shared>>
        %dma_wait3A_591 = arith.constant 0 : i32
        %dma_wait3A_592 = tpu.memref_slice %arg9[%add3A_571, %dma_wait3A_591] : memref<10240x32xf32, #tpu.memory_space<vmem_shared>> -> memref<128x32xf32, #tpu.memory_space<vmem_shared>>
        %dma_wait3A_593 = arith.constant 0 : i32
        %dma_wait3A_594 = arith.constant 0 : i32
        %dma_wait3A_595 = tpu.memref_slice %arg8[%run_scoped3A, %dma_wait3A_593, %dma_wait3A_594] : memref<8x128x32xf32, #tpu.memory_space<vmem>> -> memref<1x128x32xf32, #tpu.memory_space<vmem>>
        %dma_wait3A_596 = tpu.memref_squeeze %dma_wait3A_595 : memref<1x128x32xf32, #tpu.memory_space<vmem>> -> memref<128x32xf32, #tpu.memory_space<vmem>>
        tpu.wait_dma2 semaphore(%run_scoped3A_572 : memref<!tpu.dma_semaphore, #tpu.memory_space<semaphore_mem>>) src(%dma_wait3A_596 : memref<128x32xf32, #tpu.memory_space<vmem>>) dst(%dma_wait3A_592 : memref<128x32xf32, #tpu.memory_space<vmem_shared>>)
        tpu.yield
      }) : () -> ()
    }
    %scan3A_9 = arith.constant 5 : i32
    %scan3A_10 = arith.constant 0 : i32
    %scan3A_11 = arith.constant 5 : i32
    %scan3A_12 = arith.addi %scan3A_10, %scan3A_11 : i32
    %scan3A_13 = arith.constant 1 : i32
    scf.for %scan3A_564 = %scan3A_10 to %scan3A_12 step %scan3A_13  : i32 {
      %mul3A = arith.constant 1 : i32
      %mul3A_565 = arith.muli %scan3A_564, %mul3A : i32
      %add3A = arith.constant 0 : i32
      %add3A_566 = arith.addi %add3A, %mul3A_565 : i32
      %mul3A_567 = arith.constant 640 : i32
      %mul3A_568 = arith.muli %arg1, %mul3A_567 : i32
      %mul3A_569 = arith.constant 128 : i32
      %mul3A_570 = arith.muli %add3A_566, %mul3A_569 : i32
      %add3A_571 = arith.addi %mul3A_568, %mul3A_570 : i32
      "tpu.region"() ({
        %run_scoped3A = tpu.sem_alloc : memref<!tpu.dma_semaphore, #tpu.memory_space<semaphore_mem>>
        %dma_start3A_572 = arith.constant 0 : i32
        %dma_start3A_573 = tpu.memref_slice %arg10[%add3A_571, %dma_start3A_572] : memref<10240x32xf32, #tpu.memory_space<vmem_shared>> -> memref<128x32xf32, #tpu.memory_space<vmem_shared>>
        %dma_start3A_574 = arith.constant 0 : i32
        %dma_start3A_575 = arith.constant 0 : i32
        %dma_start3A_576 = tpu.memref_slice %arg2[%arg0, %dma_start3A_574, %dma_start3A_575] : memref<2x10240x32xf32, #tpu.memory_space<hbm>> -> memref<1x10240x32xf32, #tpu.memory_space<hbm>>
        %dma_start3A_577 = tpu.memref_squeeze %dma_start3A_576 : memref<1x10240x32xf32, #tpu.memory_space<hbm>> -> memref<10240x32xf32, #tpu.memory_space<hbm>>
        %dma_start3A_578 = arith.constant 0 : i32
        %dma_start3A_579 = tpu.memref_slice %dma_start3A_577[%add3A_571, %dma_start3A_578] : memref<10240x32xf32, #tpu.memory_space<hbm>> -> memref<128x32xf32, #tpu.memory_space<hbm>>
        tpu.enqueue_dma source(%dma_start3A_579 : memref<128x32xf32, #tpu.memory_space<hbm>>) target(%dma_start3A_573 : memref<128x32xf32, #tpu.memory_space<vmem_shared>>) target_semaphore(%run_scoped3A : memref<!tpu.dma_semaphore, #tpu.memory_space<semaphore_mem>>)
        %dma_wait3A_580 = arith.constant 0 : i32
        %dma_wait3A_581 = tpu.memref_slice %arg10[%add3A_571, %dma_wait3A_580] : memref<10240x32xf32, #tpu.memory_space<vmem_shared>> -> memref<128x32xf32, #tpu.memory_space<vmem_shared>>
        %dma_wait3A_582 = arith.constant 0 : i32
        %dma_wait3A_583 = arith.constant 0 : i32
        %dma_wait3A_584 = tpu.memref_slice %arg2[%arg0, %dma_wait3A_582, %dma_wait3A_583] : memref<2x10240x32xf32, #tpu.memory_space<hbm>> -> memref<1x10240x32xf32, #tpu.memory_space<hbm>>
        %dma_wait3A_585 = tpu.memref_squeeze %dma_wait3A_584 : memref<1x10240x32xf32, #tpu.memory_space<hbm>> -> memref<10240x32xf32, #tpu.memory_space<hbm>>
        %dma_wait3A_586 = arith.constant 0 : i32
        %dma_wait3A_587 = tpu.memref_slice %dma_wait3A_585[%add3A_571, %dma_wait3A_586] : memref<10240x32xf32, #tpu.memory_space<hbm>> -> memref<128x32xf32, #tpu.memory_space<hbm>>
        tpu.wait_dma2 semaphore(%run_scoped3A : memref<!tpu.dma_semaphore, #tpu.memory_space<semaphore_mem>>) src(%dma_wait3A_587 : memref<128x32xf32, #tpu.memory_space<hbm>>) dst(%dma_wait3A_581 : memref<128x32xf32, #tpu.memory_space<vmem_shared>>)
        tpu.yield
      }) : () -> ()
    }
    %scan3A_14 = arith.constant 5 : i32
    %barrier3A = arith.constant 0 : index
    tpu.barrier barrier_id(%barrier3A)
    "tpu.region"() ({
      %run_scoped3A = tpu.sem_alloc : memref<!tpu.dma_semaphore, #tpu.memory_space<semaphore_mem>>
      %dma_start3A_564 = arith.constant 0 : i32
      %dma_start3A_565 = arith.constant 0 : i32
      %dma_start3A_566 = tpu.memref_slice %arg3[%arg1, %dma_start3A_564, %dma_start3A_565] : memref<16x160x128xi32, #tpu.memory_space<hbm>> -> memref<1x160x128xi32, #tpu.memory_space<hbm>>
      %dma_start3A_567 = tpu.memref_squeeze %dma_start3A_566 : memref<1x160x128xi32, #tpu.memory_space<hbm>> -> memref<160x128xi32, #tpu.memory_space<hbm>>
      %dma_start3A_568 = arith.constant 0 : i32
      %dma_start3A_569 = arith.constant 0 : i32
      %dma_start3A_570 = tpu.memref_slice %arg3[%arg1, %dma_start3A_568, %dma_start3A_569] : memref<16x160x128xi32, #tpu.memory_space<hbm>> -> memref<1x160x128xi32, #tpu.memory_space<hbm>>
      %dma_start3A_571 = tpu.memref_squeeze %dma_start3A_570 : memref<1x160x128xi32, #tpu.memory_space<hbm>> -> memref<160x128xi32, #tpu.memory_space<hbm>>
      tpu.enqueue_dma source(%dma_start3A_571 : memref<160x128xi32, #tpu.memory_space<hbm>>) target(%arg6 : memref<160x128xi32, #tpu.memory_space<vmem>>) target_semaphore(%run_scoped3A : memref<!tpu.dma_semaphore, #tpu.memory_space<semaphore_mem>>)
      %dma_wait3A_572 = arith.constant 0 : i32
      %dma_wait3A_573 = arith.constant 0 : i32
      %dma_wait3A_574 = tpu.memref_slice %arg3[%arg1, %dma_wait3A_572, %dma_wait3A_573] : memref<16x160x128xi32, #tpu.memory_space<hbm>> -> memref<1x160x128xi32, #tpu.memory_space<hbm>>
      %dma_wait3A_575 = tpu.memref_squeeze %dma_wait3A_574 : memref<1x160x128xi32, #tpu.memory_space<hbm>> -> memref<160x128xi32, #tpu.memory_space<hbm>>
      %dma_wait3A_576 = arith.constant 0 : i32
      %dma_wait3A_577 = arith.constant 0 : i32
      %dma_wait3A_578 = tpu.memref_slice %arg3[%arg1, %dma_wait3A_576, %dma_wait3A_577] : memref<16x160x128xi32, #tpu.memory_space<hbm>> -> memref<1x160x128xi32, #tpu.memory_space<hbm>>
      %dma_wait3A_579 = tpu.memref_squeeze %dma_wait3A_578 : memref<1x160x128xi32, #tpu.memory_space<hbm>> -> memref<160x128xi32, #tpu.memory_space<hbm>>
      tpu.wait_dma2 semaphore(%run_scoped3A : memref<!tpu.dma_semaphore, #tpu.memory_space<semaphore_mem>>) src(%dma_wait3A_579 : memref<160x128xi32, #tpu.memory_space<hbm>>) dst(%arg6 : memref<160x128xi32, #tpu.memory_space<vmem>>)
      tpu.yield
    }) : () -> ()
    "tpu.region"() ({
      %run_scoped3A = tpu.sem_alloc : memref<!tpu.dma_semaphore, #tpu.memory_space<semaphore_mem>>
      %dma_start3A_564 = arith.constant 0 : i32
      %dma_start3A_565 = arith.constant 0 : i32
      %dma_start3A_566 = tpu.memref_slice %arg4[%arg1, %dma_start3A_564, %dma_start3A_565] : memref<16x160x128xi32, #tpu.memory_space<hbm>> -> memref<1x160x128xi32, #tpu.memory_space<hbm>>
      %dma_start3A_567 = tpu.memref_squeeze %dma_start3A_566 : memref<1x160x128xi32, #tpu.memory_space<hbm>> -> memref<160x128xi32, #tpu.memory_space<hbm>>
      %dma_start3A_568 = arith.constant 0 : i32
      %dma_start3A_569 = arith.constant 0 : i32
      %dma_start3A_570 = tpu.memref_slice %arg4[%arg1, %dma_start3A_568, %dma_start3A_569] : memref<16x160x128xi32, #tpu.memory_space<hbm>> -> memref<1x160x128xi32, #tpu.memory_space<hbm>>
      %dma_start3A_571 = tpu.memref_squeeze %dma_start3A_570 : memref<1x160x128xi32, #tpu.memory_space<hbm>> -> memref<160x128xi32, #tpu.memory_space<hbm>>
      tpu.enqueue_dma source(%dma_start3A_571 : memref<160x128xi32, #tpu.memory_space<hbm>>) target(%arg7 : memref<160x128xi32, #tpu.memory_space<vmem>>) target_semaphore(%run_scoped3A : memref<!tpu.dma_semaphore, #tpu.memory_space<semaphore_mem>>)
      %dma_wait3A_572 = arith.constant 0 : i32
      %dma_wait3A_573 = arith.constant 0 : i32
      %dma_wait3A_574 = tpu.memref_slice %arg4[%arg1, %dma_wait3A_572, %dma_wait3A_573] : memref<16x160x128xi32, #tpu.memory_space<hbm>> -> memref<1x160x128xi32, #tpu.memory_space<hbm>>
      %dma_wait3A_575 = tpu.memref_squeeze %dma_wait3A_574 : memref<1x160x128xi32, #tpu.memory_space<hbm>> -> memref<160x128xi32, #tpu.memory_space<hbm>>
      %dma_wait3A_576 = arith.constant 0 : i32
      %dma_wait3A_577 = arith.constant 0 : i32
      %dma_wait3A_578 = tpu.memref_slice %arg4[%arg1, %dma_wait3A_576, %dma_wait3A_577] : memref<16x160x128xi32, #tpu.memory_space<hbm>> -> memref<1x160x128xi32, #tpu.memory_space<hbm>>
      %dma_wait3A_579 = tpu.memref_squeeze %dma_wait3A_578 : memref<1x160x128xi32, #tpu.memory_space<hbm>> -> memref<160x128xi32, #tpu.memory_space<hbm>>
      tpu.wait_dma2 semaphore(%run_scoped3A : memref<!tpu.dma_semaphore, #tpu.memory_space<semaphore_mem>>) src(%dma_wait3A_579 : memref<160x128xi32, #tpu.memory_space<hbm>>) dst(%arg7 : memref<160x128xi32, #tpu.memory_space<vmem>>)
      tpu.yield
    }) : () -> ()
    %dma_start3A = arith.constant 0 : i32
    %dma_start3A_15 = arith.constant 0 : i32
    %dma_start3A_16 = arith.constant 0 : i32
    %dma_start3A_17 = arith.constant 0 : i32
    %dma_start3A_18 = arith.constant 0 : i32
    %dma_start3A_19 = tpu.memref_slice %arg8[%dma_start3A_15, %dma_start3A_17, %dma_start3A_18] : memref<8x128x32xf32, #tpu.memory_space<vmem>> -> memref<1x128x32xf32, #tpu.memory_space<vmem>>
    %dma_start3A_20 = tpu.memref_squeeze %dma_start3A_19 : memref<1x128x32xf32, #tpu.memory_space<vmem>> -> memref<128x32xf32, #tpu.memory_space<vmem>>
    %dma_start3A_21 = arith.constant 0 : i32
    %dma_start3A_22 = tpu.memref_slice %arg6[%dma_start3A, %dma_start3A_21] : memref<160x128xi32, #tpu.memory_space<vmem>> -> memref<1x128xi32, #tpu.memory_space<vmem>>
    %dma_start3A_23 = tpu.memref_squeeze %dma_start3A_22 : memref<1x128xi32, #tpu.memory_space<vmem>> -> memref<128xi32, #tpu.memory_space<vmem>>
    %dma_start3A_24 = arith.constant 0 : i32
    %dma_start3A_25 = arith.constant 0 : i32
    %dma_start3A_26 = tpu.memref_slice %arg10[%dma_start3A_24, %dma_start3A_25] : memref<10240x32xf32, #tpu.memory_space<vmem_shared>> -> memref<10240x32xf32, #tpu.memory_space<vmem_shared>>
    %dma_start3A_27 = tpu.memref_slice %arg11[%dma_start3A_16] : memref<8x!tpu.dma_semaphore, #tpu.memory_space<semaphore_mem>> -> memref<1x!tpu.dma_semaphore, #tpu.memory_space<semaphore_mem>>
    %dma_start3A_28 = tpu.memref_squeeze %dma_start3A_27 : memref<1x!tpu.dma_semaphore, #tpu.memory_space<semaphore_mem>> -> memref<!tpu.dma_semaphore, #tpu.memory_space<semaphore_mem>>
    tpu.enqueue_indirect_dma source(%dma_start3A_26 : memref<10240x32xf32, #tpu.memory_space<vmem_shared>>) target(%dma_start3A_20 : memref<128x32xf32, #tpu.memory_space<vmem>>) offsets(%dma_start3A_23 : memref<128xi32, #tpu.memory_space<vmem>>) semaphore(%dma_start3A_28 : memref<!tpu.dma_semaphore, #tpu.memory_space<semaphore_mem>>)
    %dma_start3A_29 = arith.constant 1 : i32
    %dma_start3A_30 = arith.constant 1 : i32
    %dma_start3A_31 = arith.constant 1 : i32
    %dma_start3A_32 = arith.constant 0 : i32
    %dma_start3A_33 = arith.constant 0 : i32
    %dma_start3A_34 = tpu.memref_slice %arg8[%dma_start3A_30, %dma_start3A_32, %dma_start3A_33] : memref<8x128x32xf32, #tpu.memory_space<vmem>> -> memref<1x128x32xf32, #tpu.memory_space<vmem>>
    %dma_start3A_35 = tpu.memref_squeeze %dma_start3A_34 : memref<1x128x32xf32, #tpu.memory_space<vmem>> -> memref<128x32xf32, #tpu.memory_space<vmem>>
    %dma_start3A_36 = arith.constant 0 : i32
    %dma_start3A_37 = tpu.memref_slice %arg6[%dma_start3A_29, %dma_start3A_36] : memref<160x128xi32, #tpu.memory_space<vmem>> -> memref<1x128xi32, #tpu.memory_space<vmem>>
    %dma_start3A_38 = tpu.memref_squeeze %dma_start3A_37 : memref<1x128xi32, #tpu.memory_space<vmem>> -> memref<128xi32, #tpu.memory_space<vmem>>
    %dma_start3A_39 = arith.constant 0 : i32
    %dma_start3A_40 = arith.constant 0 : i32
    %dma_start3A_41 = tpu.memref_slice %arg10[%dma_start3A_39, %dma_start3A_40] : memref<10240x32xf32, #tpu.memory_space<vmem_shared>> -> memref<10240x32xf32, #tpu.memory_space<vmem_shared>>
    %dma_start3A_42 = tpu.memref_slice %arg11[%dma_start3A_31] : memref<8x!tpu.dma_semaphore, #tpu.memory_space<semaphore_mem>> -> memref<1x!tpu.dma_semaphore, #tpu.memory_space<semaphore_mem>>
    %dma_start3A_43 = tpu.memref_squeeze %dma_start3A_42 : memref<1x!tpu.dma_semaphore, #tpu.memory_space<semaphore_mem>> -> memref<!tpu.dma_semaphore, #tpu.memory_space<semaphore_mem>>
    tpu.enqueue_indirect_dma source(%dma_start3A_41 : memref<10240x32xf32, #tpu.memory_space<vmem_shared>>) target(%dma_start3A_35 : memref<128x32xf32, #tpu.memory_space<vmem>>) offsets(%dma_start3A_38 : memref<128xi32, #tpu.memory_space<vmem>>) semaphore(%dma_start3A_43 : memref<!tpu.dma_semaphore, #tpu.memory_space<semaphore_mem>>)
    %dma_start3A_44 = arith.constant 2 : i32
    %dma_start3A_45 = arith.constant 2 : i32
    %dma_start3A_46 = arith.constant 2 : i32
    %dma_start3A_47 = arith.constant 0 : i32
    %dma_start3A_48 = arith.constant 0 : i32
    %dma_start3A_49 = tpu.memref_slice %arg8[%dma_start3A_45, %dma_start3A_47, %dma_start3A_48] : memref<8x128x32xf32, #tpu.memory_space<vmem>> -> memref<1x128x32xf32, #tpu.memory_space<vmem>>
    %dma_start3A_50 = tpu.memref_squeeze %dma_start3A_49 : memref<1x128x32xf32, #tpu.memory_space<vmem>> -> memref<128x32xf32, #tpu.memory_space<vmem>>
    %dma_start3A_51 = arith.constant 0 : i32
    %dma_start3A_52 = tpu.memref_slice %arg6[%dma_start3A_44, %dma_start3A_51] : memref<160x128xi32, #tpu.memory_space<vmem>> -> memref<1x128xi32, #tpu.memory_space<vmem>>
    %dma_start3A_53 = tpu.memref_squeeze %dma_start3A_52 : memref<1x128xi32, #tpu.memory_space<vmem>> -> memref<128xi32, #tpu.memory_space<vmem>>
    %dma_start3A_54 = arith.constant 0 : i32
    %dma_start3A_55 = arith.constant 0 : i32
    %dma_start3A_56 = tpu.memref_slice %arg10[%dma_start3A_54, %dma_start3A_55] : memref<10240x32xf32, #tpu.memory_space<vmem_shared>> -> memref<10240x32xf32, #tpu.memory_space<vmem_shared>>
    %dma_start3A_57 = tpu.memref_slice %arg11[%dma_start3A_46] : memref<8x!tpu.dma_semaphore, #tpu.memory_space<semaphore_mem>> -> memref<1x!tpu.dma_semaphore, #tpu.memory_space<semaphore_mem>>
    %dma_start3A_58 = tpu.memref_squeeze %dma_start3A_57 : memref<1x!tpu.dma_semaphore, #tpu.memory_space<semaphore_mem>> -> memref<!tpu.dma_semaphore, #tpu.memory_space<semaphore_mem>>
    tpu.enqueue_indirect_dma source(%dma_start3A_56 : memref<10240x32xf32, #tpu.memory_space<vmem_shared>>) target(%dma_start3A_50 : memref<128x32xf32, #tpu.memory_space<vmem>>) offsets(%dma_start3A_53 : memref<128xi32, #tpu.memory_space<vmem>>) semaphore(%dma_start3A_58 : memref<!tpu.dma_semaphore, #tpu.memory_space<semaphore_mem>>)
    %dma_start3A_59 = arith.constant 3 : i32
    %dma_start3A_60 = arith.constant 3 : i32
    %dma_start3A_61 = arith.constant 3 : i32
    %dma_start3A_62 = arith.constant 0 : i32
    %dma_start3A_63 = arith.constant 0 : i32
    %dma_start3A_64 = tpu.memref_slice %arg8[%dma_start3A_60, %dma_start3A_62, %dma_start3A_63] : memref<8x128x32xf32, #tpu.memory_space<vmem>> -> memref<1x128x32xf32, #tpu.memory_space<vmem>>
    %dma_start3A_65 = tpu.memref_squeeze %dma_start3A_64 : memref<1x128x32xf32, #tpu.memory_space<vmem>> -> memref<128x32xf32, #tpu.memory_space<vmem>>
    %dma_start3A_66 = arith.constant 0 : i32
    %dma_start3A_67 = tpu.memref_slice %arg6[%dma_start3A_59, %dma_start3A_66] : memref<160x128xi32, #tpu.memory_space<vmem>> -> memref<1x128xi32, #tpu.memory_space<vmem>>
    %dma_start3A_68 = tpu.memref_squeeze %dma_start3A_67 : memref<1x128xi32, #tpu.memory_space<vmem>> -> memref<128xi32, #tpu.memory_space<vmem>>
    %dma_start3A_69 = arith.constant 0 : i32
    %dma_start3A_70 = arith.constant 0 : i32
    %dma_start3A_71 = tpu.memref_slice %arg10[%dma_start3A_69, %dma_start3A_70] : memref<10240x32xf32, #tpu.memory_space<vmem_shared>> -> memref<10240x32xf32, #tpu.memory_space<vmem_shared>>
    %dma_start3A_72 = tpu.memref_slice %arg11[%dma_start3A_61] : memref<8x!tpu.dma_semaphore, #tpu.memory_space<semaphore_mem>> -> memref<1x!tpu.dma_semaphore, #tpu.memory_space<semaphore_mem>>
    %dma_start3A_73 = tpu.memref_squeeze %dma_start3A_72 : memref<1x!tpu.dma_semaphore, #tpu.memory_space<semaphore_mem>> -> memref<!tpu.dma_semaphore, #tpu.memory_space<semaphore_mem>>
    tpu.enqueue_indirect_dma source(%dma_start3A_71 : memref<10240x32xf32, #tpu.memory_space<vmem_shared>>) target(%dma_start3A_65 : memref<128x32xf32, #tpu.memory_space<vmem>>) offsets(%dma_start3A_68 : memref<128xi32, #tpu.memory_space<vmem>>) semaphore(%dma_start3A_73 : memref<!tpu.dma_semaphore, #tpu.memory_space<semaphore_mem>>)
    %dma_wait3A = arith.constant 0 : i32
    %dma_wait3A_74 = arith.constant 0 : i32
    %dma_wait3A_75 = arith.constant 0 : i32
    %dma_wait3A_76 = arith.constant 0 : i32
    %dma_wait3A_77 = arith.constant 0 : i32
    %dma_wait3A_78 = tpu.memref_slice %arg8[%dma_wait3A_74, %dma_wait3A_76, %dma_wait3A_77] : memref<8x128x32xf32, #tpu.memory_space<vmem>> -> memref<1x128x32xf32, #tpu.memory_space<vmem>>
    %dma_wait3A_79 = tpu.memref_squeeze %dma_wait3A_78 : memref<1x128x32xf32, #tpu.memory_space<vmem>> -> memref<128x32xf32, #tpu.memory_space<vmem>>
    %dma_wait3A_80 = arith.constant 0 : i32
    %dma_wait3A_81 = tpu.memref_slice %arg6[%dma_wait3A, %dma_wait3A_80] : memref<160x128xi32, #tpu.memory_space<vmem>> -> memref<1x128xi32, #tpu.memory_space<vmem>>
    %dma_wait3A_82 = tpu.memref_squeeze %dma_wait3A_81 : memref<1x128xi32, #tpu.memory_space<vmem>> -> memref<128xi32, #tpu.memory_space<vmem>>
    %dma_wait3A_83 = arith.constant 0 : i32
    %dma_wait3A_84 = arith.constant 0 : i32
    %dma_wait3A_85 = tpu.memref_slice %arg10[%dma_wait3A_83, %dma_wait3A_84] : memref<10240x32xf32, #tpu.memory_space<vmem_shared>> -> memref<10240x32xf32, #tpu.memory_space<vmem_shared>>
    %dma_wait3A_86 = tpu.memref_slice %arg11[%dma_wait3A_75] : memref<8x!tpu.dma_semaphore, #tpu.memory_space<semaphore_mem>> -> memref<1x!tpu.dma_semaphore, #tpu.memory_space<semaphore_mem>>
    %dma_wait3A_87 = tpu.memref_squeeze %dma_wait3A_86 : memref<1x!tpu.dma_semaphore, #tpu.memory_space<semaphore_mem>> -> memref<!tpu.dma_semaphore, #tpu.memory_space<semaphore_mem>>
    tpu.wait_indirect_dma semaphore(%dma_wait3A_87 : memref<!tpu.dma_semaphore, #tpu.memory_space<semaphore_mem>>) src(%dma_wait3A_85 : memref<10240x32xf32, #tpu.memory_space<vmem_shared>>) dst(%dma_wait3A_79 : memref<128x32xf32, #tpu.memory_space<vmem>>)
    %dma_start3A_88 = arith.constant 0 : i32
    %dma_start3A_89 = arith.constant 0 : i32
    %dma_start3A_90 = arith.constant 0 : i32
    %dma_start3A_91 = arith.constant 0 : i32
    %dma_start3A_92 = arith.constant 0 : i32
    %dma_start3A_93 = tpu.memref_slice %arg8[%dma_start3A_88, %dma_start3A_91, %dma_start3A_92] : memref<8x128x32xf32, #tpu.memory_space<vmem>> -> memref<1x128x32xf32, #tpu.memory_space<vmem>>
    %dma_start3A_94 = tpu.memref_squeeze %dma_start3A_93 : memref<1x128x32xf32, #tpu.memory_space<vmem>> -> memref<128x32xf32, #tpu.memory_space<vmem>>
    %dma_start3A_95 = arith.constant 0 : i32
    %dma_start3A_96 = tpu.memref_slice %arg7[%dma_start3A_89, %dma_start3A_95] : memref<160x128xi32, #tpu.memory_space<vmem>> -> memref<1x128xi32, #tpu.memory_space<vmem>>
    %dma_start3A_97 = tpu.memref_squeeze %dma_start3A_96 : memref<1x128xi32, #tpu.memory_space<vmem>> -> memref<128xi32, #tpu.memory_space<vmem>>
    %dma_start3A_98 = arith.constant 0 : i32
    %dma_start3A_99 = arith.constant 0 : i32
    %dma_start3A_100 = tpu.memref_slice %arg9[%dma_start3A_98, %dma_start3A_99] : memref<10240x32xf32, #tpu.memory_space<vmem_shared>> -> memref<10240x32xf32, #tpu.memory_space<vmem_shared>>
    %dma_start3A_101 = tpu.memref_slice %arg12[%dma_start3A_90] : memref<8x!tpu.dma_semaphore, #tpu.memory_space<semaphore_mem>> -> memref<1x!tpu.dma_semaphore, #tpu.memory_space<semaphore_mem>>
    %dma_start3A_102 = tpu.memref_squeeze %dma_start3A_101 : memref<1x!tpu.dma_semaphore, #tpu.memory_space<semaphore_mem>> -> memref<!tpu.dma_semaphore, #tpu.memory_space<semaphore_mem>>
    tpu.enqueue_indirect_dma source(%dma_start3A_94 : memref<128x32xf32, #tpu.memory_space<vmem>>) target(%dma_start3A_100 : memref<10240x32xf32, #tpu.memory_space<vmem_shared>>) offsets(%dma_start3A_97 : memref<128xi32, #tpu.memory_space<vmem>>) semaphore(%dma_start3A_102 : memref<!tpu.dma_semaphore, #tpu.memory_space<semaphore_mem>>) {add = true}
    %dma_start3A_103 = arith.constant 4 : i32
    %dma_start3A_104 = arith.constant 4 : i32
    %dma_start3A_105 = arith.constant 4 : i32
    %dma_start3A_106 = arith.constant 0 : i32
    %dma_start3A_107 = arith.constant 0 : i32
    %dma_start3A_108 = tpu.memref_slice %arg8[%dma_start3A_104, %dma_start3A_106, %dma_start3A_107] : memref<8x128x32xf32, #tpu.memory_space<vmem>> -> memref<1x128x32xf32, #tpu.memory_space<vmem>>
    %dma_start3A_109 = tpu.memref_squeeze %dma_start3A_108 : memref<1x128x32xf32, #tpu.memory_space<vmem>> -> memref<128x32xf32, #tpu.memory_space<vmem>>
    %dma_start3A_110 = arith.constant 0 : i32
    %dma_start3A_111 = tpu.memref_slice %arg6[%dma_start3A_103, %dma_start3A_110] : memref<160x128xi32, #tpu.memory_space<vmem>> -> memref<1x128xi32, #tpu.memory_space<vmem>>
    %dma_start3A_112 = tpu.memref_squeeze %dma_start3A_111 : memref<1x128xi32, #tpu.memory_space<vmem>> -> memref<128xi32, #tpu.memory_space<vmem>>
    %dma_start3A_113 = arith.constant 0 : i32
    %dma_start3A_114 = arith.constant 0 : i32
    %dma_start3A_115 = tpu.memref_slice %arg10[%dma_start3A_113, %dma_start3A_114] : memref<10240x32xf32, #tpu.memory_space<vmem_shared>> -> memref<10240x32xf32, #tpu.memory_space<vmem_shared>>
    %dma_start3A_116 = tpu.memref_slice %arg11[%dma_start3A_105] : memref<8x!tpu.dma_semaphore, #tpu.memory_space<semaphore_mem>> -> memref<1x!tpu.dma_semaphore, #tpu.memory_space<semaphore_mem>>
    %dma_start3A_117 = tpu.memref_squeeze %dma_start3A_116 : memref<1x!tpu.dma_semaphore, #tpu.memory_space<semaphore_mem>> -> memref<!tpu.dma_semaphore, #tpu.memory_space<semaphore_mem>>
    tpu.enqueue_indirect_dma source(%dma_start3A_115 : memref<10240x32xf32, #tpu.memory_space<vmem_shared>>) target(%dma_start3A_109 : memref<128x32xf32, #tpu.memory_space<vmem>>) offsets(%dma_start3A_112 : memref<128xi32, #tpu.memory_space<vmem>>) semaphore(%dma_start3A_117 : memref<!tpu.dma_semaphore, #tpu.memory_space<semaphore_mem>>)
    %dma_wait3A_118 = arith.constant 1 : i32
    %dma_wait3A_119 = arith.constant 1 : i32
    %dma_wait3A_120 = arith.constant 1 : i32
    %dma_wait3A_121 = arith.constant 0 : i32
    %dma_wait3A_122 = arith.constant 0 : i32
    %dma_wait3A_123 = tpu.memref_slice %arg8[%dma_wait3A_119, %dma_wait3A_121, %dma_wait3A_122] : memref<8x128x32xf32, #tpu.memory_space<vmem>> -> memref<1x128x32xf32, #tpu.memory_space<vmem>>
    %dma_wait3A_124 = tpu.memref_squeeze %dma_wait3A_123 : memref<1x128x32xf32, #tpu.memory_space<vmem>> -> memref<128x32xf32, #tpu.memory_space<vmem>>
    %dma_wait3A_125 = arith.constant 0 : i32
    %dma_wait3A_126 = tpu.memref_slice %arg6[%dma_wait3A_118, %dma_wait3A_125] : memref<160x128xi32, #tpu.memory_space<vmem>> -> memref<1x128xi32, #tpu.memory_space<vmem>>
    %dma_wait3A_127 = tpu.memref_squeeze %dma_wait3A_126 : memref<1x128xi32, #tpu.memory_space<vmem>> -> memref<128xi32, #tpu.memory_space<vmem>>
    %dma_wait3A_128 = arith.constant 0 : i32
    %dma_wait3A_129 = arith.constant 0 : i32
    %dma_wait3A_130 = tpu.memref_slice %arg10[%dma_wait3A_128, %dma_wait3A_129] : memref<10240x32xf32, #tpu.memory_space<vmem_shared>> -> memref<10240x32xf32, #tpu.memory_space<vmem_shared>>
    %dma_wait3A_131 = tpu.memref_slice %arg11[%dma_wait3A_120] : memref<8x!tpu.dma_semaphore, #tpu.memory_space<semaphore_mem>> -> memref<1x!tpu.dma_semaphore, #tpu.memory_space<semaphore_mem>>
    %dma_wait3A_132 = tpu.memref_squeeze %dma_wait3A_131 : memref<1x!tpu.dma_semaphore, #tpu.memory_space<semaphore_mem>> -> memref<!tpu.dma_semaphore, #tpu.memory_space<semaphore_mem>>
    tpu.wait_indirect_dma semaphore(%dma_wait3A_132 : memref<!tpu.dma_semaphore, #tpu.memory_space<semaphore_mem>>) src(%dma_wait3A_130 : memref<10240x32xf32, #tpu.memory_space<vmem_shared>>) dst(%dma_wait3A_124 : memref<128x32xf32, #tpu.memory_space<vmem>>)
    %dma_start3A_133 = arith.constant 1 : i32
    %dma_start3A_134 = arith.constant 1 : i32
    %dma_start3A_135 = arith.constant 1 : i32
    %dma_start3A_136 = arith.constant 0 : i32
    %dma_start3A_137 = arith.constant 0 : i32
    %dma_start3A_138 = tpu.memref_slice %arg8[%dma_start3A_133, %dma_start3A_136, %dma_start3A_137] : memref<8x128x32xf32, #tpu.memory_space<vmem>> -> memref<1x128x32xf32, #tpu.memory_space<vmem>>
    %dma_start3A_139 = tpu.memref_squeeze %dma_start3A_138 : memref<1x128x32xf32, #tpu.memory_space<vmem>> -> memref<128x32xf32, #tpu.memory_space<vmem>>
    %dma_start3A_140 = arith.constant 0 : i32
    %dma_start3A_141 = tpu.memref_slice %arg7[%dma_start3A_134, %dma_start3A_140] : memref<160x128xi32, #tpu.memory_space<vmem>> -> memref<1x128xi32, #tpu.memory_space<vmem>>
    %dma_start3A_142 = tpu.memref_squeeze %dma_start3A_141 : memref<1x128xi32, #tpu.memory_space<vmem>> -> memref<128xi32, #tpu.memory_space<vmem>>
    %dma_start3A_143 = arith.constant 0 : i32
    %dma_start3A_144 = arith.constant 0 : i32
    %dma_start3A_145 = tpu.memref_slice %arg9[%dma_start3A_143, %dma_start3A_144] : memref<10240x32xf32, #tpu.memory_space<vmem_shared>> -> memref<10240x32xf32, #tpu.memory_space<vmem_shared>>
    %dma_start3A_146 = tpu.memref_slice %arg12[%dma_start3A_135] : memref<8x!tpu.dma_semaphore, #tpu.memory_space<semaphore_mem>> -> memref<1x!tpu.dma_semaphore, #tpu.memory_space<semaphore_mem>>
    %dma_start3A_147 = tpu.memref_squeeze %dma_start3A_146 : memref<1x!tpu.dma_semaphore, #tpu.memory_space<semaphore_mem>> -> memref<!tpu.dma_semaphore, #tpu.memory_space<semaphore_mem>>
    tpu.enqueue_indirect_dma source(%dma_start3A_139 : memref<128x32xf32, #tpu.memory_space<vmem>>) target(%dma_start3A_145 : memref<10240x32xf32, #tpu.memory_space<vmem_shared>>) offsets(%dma_start3A_142 : memref<128xi32, #tpu.memory_space<vmem>>) semaphore(%dma_start3A_147 : memref<!tpu.dma_semaphore, #tpu.memory_space<semaphore_mem>>) {add = true}
    %dma_start3A_148 = arith.constant 5 : i32
    %dma_start3A_149 = arith.constant 5 : i32
    %dma_start3A_150 = arith.constant 5 : i32
    %dma_start3A_151 = arith.constant 0 : i32
    %dma_start3A_152 = arith.constant 0 : i32
    %dma_start3A_153 = tpu.memref_slice %arg8[%dma_start3A_149, %dma_start3A_151, %dma_start3A_152] : memref<8x128x32xf32, #tpu.memory_space<vmem>> -> memref<1x128x32xf32, #tpu.memory_space<vmem>>
    %dma_start3A_154 = tpu.memref_squeeze %dma_start3A_153 : memref<1x128x32xf32, #tpu.memory_space<vmem>> -> memref<128x32xf32, #tpu.memory_space<vmem>>
    %dma_start3A_155 = arith.constant 0 : i32
    %dma_start3A_156 = tpu.memref_slice %arg6[%dma_start3A_148, %dma_start3A_155] : memref<160x128xi32, #tpu.memory_space<vmem>> -> memref<1x128xi32, #tpu.memory_space<vmem>>
    %dma_start3A_157 = tpu.memref_squeeze %dma_start3A_156 : memref<1x128xi32, #tpu.memory_space<vmem>> -> memref<128xi32, #tpu.memory_space<vmem>>
    %dma_start3A_158 = arith.constant 0 : i32
    %dma_start3A_159 = arith.constant 0 : i32
    %dma_start3A_160 = tpu.memref_slice %arg10[%dma_start3A_158, %dma_start3A_159] : memref<10240x32xf32, #tpu.memory_space<vmem_shared>> -> memref<10240x32xf32, #tpu.memory_space<vmem_shared>>
    %dma_start3A_161 = tpu.memref_slice %arg11[%dma_start3A_150] : memref<8x!tpu.dma_semaphore, #tpu.memory_space<semaphore_mem>> -> memref<1x!tpu.dma_semaphore, #tpu.memory_space<semaphore_mem>>
    %dma_start3A_162 = tpu.memref_squeeze %dma_start3A_161 : memref<1x!tpu.dma_semaphore, #tpu.memory_space<semaphore_mem>> -> memref<!tpu.dma_semaphore, #tpu.memory_space<semaphore_mem>>
    tpu.enqueue_indirect_dma source(%dma_start3A_160 : memref<10240x32xf32, #tpu.memory_space<vmem_shared>>) target(%dma_start3A_154 : memref<128x32xf32, #tpu.memory_space<vmem>>) offsets(%dma_start3A_157 : memref<128xi32, #tpu.memory_space<vmem>>) semaphore(%dma_start3A_162 : memref<!tpu.dma_semaphore, #tpu.memory_space<semaphore_mem>>)
    %dma_wait3A_163 = arith.constant 2 : i32
    %dma_wait3A_164 = arith.constant 2 : i32
    %dma_wait3A_165 = arith.constant 2 : i32
    %dma_wait3A_166 = arith.constant 0 : i32
    %dma_wait3A_167 = arith.constant 0 : i32
    %dma_wait3A_168 = tpu.memref_slice %arg8[%dma_wait3A_164, %dma_wait3A_166, %dma_wait3A_167] : memref<8x128x32xf32, #tpu.memory_space<vmem>> -> memref<1x128x32xf32, #tpu.memory_space<vmem>>
    %dma_wait3A_169 = tpu.memref_squeeze %dma_wait3A_168 : memref<1x128x32xf32, #tpu.memory_space<vmem>> -> memref<128x32xf32, #tpu.memory_space<vmem>>
    %dma_wait3A_170 = arith.constant 0 : i32
    %dma_wait3A_171 = tpu.memref_slice %arg6[%dma_wait3A_163, %dma_wait3A_170] : memref<160x128xi32, #tpu.memory_space<vmem>> -> memref<1x128xi32, #tpu.memory_space<vmem>>
    %dma_wait3A_172 = tpu.memref_squeeze %dma_wait3A_171 : memref<1x128xi32, #tpu.memory_space<vmem>> -> memref<128xi32, #tpu.memory_space<vmem>>
    %dma_wait3A_173 = arith.constant 0 : i32
    %dma_wait3A_174 = arith.constant 0 : i32
    %dma_wait3A_175 = tpu.memref_slice %arg10[%dma_wait3A_173, %dma_wait3A_174] : memref<10240x32xf32, #tpu.memory_space<vmem_shared>> -> memref<10240x32xf32, #tpu.memory_space<vmem_shared>>
    %dma_wait3A_176 = tpu.memref_slice %arg11[%dma_wait3A_165] : memref<8x!tpu.dma_semaphore, #tpu.memory_space<semaphore_mem>> -> memref<1x!tpu.dma_semaphore, #tpu.memory_space<semaphore_mem>>
    %dma_wait3A_177 = tpu.memref_squeeze %dma_wait3A_176 : memref<1x!tpu.dma_semaphore, #tpu.memory_space<semaphore_mem>> -> memref<!tpu.dma_semaphore, #tpu.memory_space<semaphore_mem>>
    tpu.wait_indirect_dma semaphore(%dma_wait3A_177 : memref<!tpu.dma_semaphore, #tpu.memory_space<semaphore_mem>>) src(%dma_wait3A_175 : memref<10240x32xf32, #tpu.memory_space<vmem_shared>>) dst(%dma_wait3A_169 : memref<128x32xf32, #tpu.memory_space<vmem>>)
    %dma_start3A_178 = arith.constant 2 : i32
    %dma_start3A_179 = arith.constant 2 : i32
    %dma_start3A_180 = arith.constant 2 : i32
    %dma_start3A_181 = arith.constant 0 : i32
    %dma_start3A_182 = arith.constant 0 : i32
    %dma_start3A_183 = tpu.memref_slice %arg8[%dma_start3A_178, %dma_start3A_181, %dma_start3A_182] : memref<8x128x32xf32, #tpu.memory_space<vmem>> -> memref<1x128x32xf32, #tpu.memory_space<vmem>>
    %dma_start3A_184 = tpu.memref_squeeze %dma_start3A_183 : memref<1x128x32xf32, #tpu.memory_space<vmem>> -> memref<128x32xf32, #tpu.memory_space<vmem>>
    %dma_start3A_185 = arith.constant 0 : i32
    %dma_start3A_186 = tpu.memref_slice %arg7[%dma_start3A_179, %dma_start3A_185] : memref<160x128xi32, #tpu.memory_space<vmem>> -> memref<1x128xi32, #tpu.memory_space<vmem>>
    %dma_start3A_187 = tpu.memref_squeeze %dma_start3A_186 : memref<1x128xi32, #tpu.memory_space<vmem>> -> memref<128xi32, #tpu.memory_space<vmem>>
    %dma_start3A_188 = arith.constant 0 : i32
    %dma_start3A_189 = arith.constant 0 : i32
    %dma_start3A_190 = tpu.memref_slice %arg9[%dma_start3A_188, %dma_start3A_189] : memref<10240x32xf32, #tpu.memory_space<vmem_shared>> -> memref<10240x32xf32, #tpu.memory_space<vmem_shared>>
    %dma_start3A_191 = tpu.memref_slice %arg12[%dma_start3A_180] : memref<8x!tpu.dma_semaphore, #tpu.memory_space<semaphore_mem>> -> memref<1x!tpu.dma_semaphore, #tpu.memory_space<semaphore_mem>>
    %dma_start3A_192 = tpu.memref_squeeze %dma_start3A_191 : memref<1x!tpu.dma_semaphore, #tpu.memory_space<semaphore_mem>> -> memref<!tpu.dma_semaphore, #tpu.memory_space<semaphore_mem>>
    tpu.enqueue_indirect_dma source(%dma_start3A_184 : memref<128x32xf32, #tpu.memory_space<vmem>>) target(%dma_start3A_190 : memref<10240x32xf32, #tpu.memory_space<vmem_shared>>) offsets(%dma_start3A_187 : memref<128xi32, #tpu.memory_space<vmem>>) semaphore(%dma_start3A_192 : memref<!tpu.dma_semaphore, #tpu.memory_space<semaphore_mem>>) {add = true}
    %dma_start3A_193 = arith.constant 6 : i32
    %dma_start3A_194 = arith.constant 6 : i32
    %dma_start3A_195 = arith.constant 6 : i32
    %dma_start3A_196 = arith.constant 0 : i32
    %dma_start3A_197 = arith.constant 0 : i32
    %dma_start3A_198 = tpu.memref_slice %arg8[%dma_start3A_194, %dma_start3A_196, %dma_start3A_197] : memref<8x128x32xf32, #tpu.memory_space<vmem>> -> memref<1x128x32xf32, #tpu.memory_space<vmem>>
    %dma_start3A_199 = tpu.memref_squeeze %dma_start3A_198 : memref<1x128x32xf32, #tpu.memory_space<vmem>> -> memref<128x32xf32, #tpu.memory_space<vmem>>
    %dma_start3A_200 = arith.constant 0 : i32
    %dma_start3A_201 = tpu.memref_slice %arg6[%dma_start3A_193, %dma_start3A_200] : memref<160x128xi32, #tpu.memory_space<vmem>> -> memref<1x128xi32, #tpu.memory_space<vmem>>
    %dma_start3A_202 = tpu.memref_squeeze %dma_start3A_201 : memref<1x128xi32, #tpu.memory_space<vmem>> -> memref<128xi32, #tpu.memory_space<vmem>>
    %dma_start3A_203 = arith.constant 0 : i32
    %dma_start3A_204 = arith.constant 0 : i32
    %dma_start3A_205 = tpu.memref_slice %arg10[%dma_start3A_203, %dma_start3A_204] : memref<10240x32xf32, #tpu.memory_space<vmem_shared>> -> memref<10240x32xf32, #tpu.memory_space<vmem_shared>>
    %dma_start3A_206 = tpu.memref_slice %arg11[%dma_start3A_195] : memref<8x!tpu.dma_semaphore, #tpu.memory_space<semaphore_mem>> -> memref<1x!tpu.dma_semaphore, #tpu.memory_space<semaphore_mem>>
    %dma_start3A_207 = tpu.memref_squeeze %dma_start3A_206 : memref<1x!tpu.dma_semaphore, #tpu.memory_space<semaphore_mem>> -> memref<!tpu.dma_semaphore, #tpu.memory_space<semaphore_mem>>
    tpu.enqueue_indirect_dma source(%dma_start3A_205 : memref<10240x32xf32, #tpu.memory_space<vmem_shared>>) target(%dma_start3A_199 : memref<128x32xf32, #tpu.memory_space<vmem>>) offsets(%dma_start3A_202 : memref<128xi32, #tpu.memory_space<vmem>>) semaphore(%dma_start3A_207 : memref<!tpu.dma_semaphore, #tpu.memory_space<semaphore_mem>>)
    %dma_wait3A_208 = arith.constant 3 : i32
    %dma_wait3A_209 = arith.constant 3 : i32
    %dma_wait3A_210 = arith.constant 3 : i32
    %dma_wait3A_211 = arith.constant 0 : i32
    %dma_wait3A_212 = arith.constant 0 : i32
    %dma_wait3A_213 = tpu.memref_slice %arg8[%dma_wait3A_209, %dma_wait3A_211, %dma_wait3A_212] : memref<8x128x32xf32, #tpu.memory_space<vmem>> -> memref<1x128x32xf32, #tpu.memory_space<vmem>>
    %dma_wait3A_214 = tpu.memref_squeeze %dma_wait3A_213 : memref<1x128x32xf32, #tpu.memory_space<vmem>> -> memref<128x32xf32, #tpu.memory_space<vmem>>
    %dma_wait3A_215 = arith.constant 0 : i32
    %dma_wait3A_216 = tpu.memref_slice %arg6[%dma_wait3A_208, %dma_wait3A_215] : memref<160x128xi32, #tpu.memory_space<vmem>> -> memref<1x128xi32, #tpu.memory_space<vmem>>
    %dma_wait3A_217 = tpu.memref_squeeze %dma_wait3A_216 : memref<1x128xi32, #tpu.memory_space<vmem>> -> memref<128xi32, #tpu.memory_space<vmem>>
    %dma_wait3A_218 = arith.constant 0 : i32
    %dma_wait3A_219 = arith.constant 0 : i32
    %dma_wait3A_220 = tpu.memref_slice %arg10[%dma_wait3A_218, %dma_wait3A_219] : memref<10240x32xf32, #tpu.memory_space<vmem_shared>> -> memref<10240x32xf32, #tpu.memory_space<vmem_shared>>
    %dma_wait3A_221 = tpu.memref_slice %arg11[%dma_wait3A_210] : memref<8x!tpu.dma_semaphore, #tpu.memory_space<semaphore_mem>> -> memref<1x!tpu.dma_semaphore, #tpu.memory_space<semaphore_mem>>
    %dma_wait3A_222 = tpu.memref_squeeze %dma_wait3A_221 : memref<1x!tpu.dma_semaphore, #tpu.memory_space<semaphore_mem>> -> memref<!tpu.dma_semaphore, #tpu.memory_space<semaphore_mem>>
    tpu.wait_indirect_dma semaphore(%dma_wait3A_222 : memref<!tpu.dma_semaphore, #tpu.memory_space<semaphore_mem>>) src(%dma_wait3A_220 : memref<10240x32xf32, #tpu.memory_space<vmem_shared>>) dst(%dma_wait3A_214 : memref<128x32xf32, #tpu.memory_space<vmem>>)
    %dma_start3A_223 = arith.constant 3 : i32
    %dma_start3A_224 = arith.constant 3 : i32
    %dma_start3A_225 = arith.constant 3 : i32
    %dma_start3A_226 = arith.constant 0 : i32
    %dma_start3A_227 = arith.constant 0 : i32
    %dma_start3A_228 = tpu.memref_slice %arg8[%dma_start3A_223, %dma_start3A_226, %dma_start3A_227] : memref<8x128x32xf32, #tpu.memory_space<vmem>> -> memref<1x128x32xf32, #tpu.memory_space<vmem>>
    %dma_start3A_229 = tpu.memref_squeeze %dma_start3A_228 : memref<1x128x32xf32, #tpu.memory_space<vmem>> -> memref<128x32xf32, #tpu.memory_space<vmem>>
    %dma_start3A_230 = arith.constant 0 : i32
    %dma_start3A_231 = tpu.memref_slice %arg7[%dma_start3A_224, %dma_start3A_230] : memref<160x128xi32, #tpu.memory_space<vmem>> -> memref<1x128xi32, #tpu.memory_space<vmem>>
    %dma_start3A_232 = tpu.memref_squeeze %dma_start3A_231 : memref<1x128xi32, #tpu.memory_space<vmem>> -> memref<128xi32, #tpu.memory_space<vmem>>
    %dma_start3A_233 = arith.constant 0 : i32
    %dma_start3A_234 = arith.constant 0 : i32
    %dma_start3A_235 = tpu.memref_slice %arg9[%dma_start3A_233, %dma_start3A_234] : memref<10240x32xf32, #tpu.memory_space<vmem_shared>> -> memref<10240x32xf32, #tpu.memory_space<vmem_shared>>
    %dma_start3A_236 = tpu.memref_slice %arg12[%dma_start3A_225] : memref<8x!tpu.dma_semaphore, #tpu.memory_space<semaphore_mem>> -> memref<1x!tpu.dma_semaphore, #tpu.memory_space<semaphore_mem>>
    %dma_start3A_237 = tpu.memref_squeeze %dma_start3A_236 : memref<1x!tpu.dma_semaphore, #tpu.memory_space<semaphore_mem>> -> memref<!tpu.dma_semaphore, #tpu.memory_space<semaphore_mem>>
    tpu.enqueue_indirect_dma source(%dma_start3A_229 : memref<128x32xf32, #tpu.memory_space<vmem>>) target(%dma_start3A_235 : memref<10240x32xf32, #tpu.memory_space<vmem_shared>>) offsets(%dma_start3A_232 : memref<128xi32, #tpu.memory_space<vmem>>) semaphore(%dma_start3A_237 : memref<!tpu.dma_semaphore, #tpu.memory_space<semaphore_mem>>) {add = true}
    %dma_start3A_238 = arith.constant 7 : i32
    %dma_start3A_239 = arith.constant 7 : i32
    %dma_start3A_240 = arith.constant 7 : i32
    %dma_start3A_241 = arith.constant 0 : i32
    %dma_start3A_242 = arith.constant 0 : i32
    %dma_start3A_243 = tpu.memref_slice %arg8[%dma_start3A_239, %dma_start3A_241, %dma_start3A_242] : memref<8x128x32xf32, #tpu.memory_space<vmem>> -> memref<1x128x32xf32, #tpu.memory_space<vmem>>
    %dma_start3A_244 = tpu.memref_squeeze %dma_start3A_243 : memref<1x128x32xf32, #tpu.memory_space<vmem>> -> memref<128x32xf32, #tpu.memory_space<vmem>>
    %dma_start3A_245 = arith.constant 0 : i32
    %dma_start3A_246 = tpu.memref_slice %arg6[%dma_start3A_238, %dma_start3A_245] : memref<160x128xi32, #tpu.memory_space<vmem>> -> memref<1x128xi32, #tpu.memory_space<vmem>>
    %dma_start3A_247 = tpu.memref_squeeze %dma_start3A_246 : memref<1x128xi32, #tpu.memory_space<vmem>> -> memref<128xi32, #tpu.memory_space<vmem>>
    %dma_start3A_248 = arith.constant 0 : i32
    %dma_start3A_249 = arith.constant 0 : i32
    %dma_start3A_250 = tpu.memref_slice %arg10[%dma_start3A_248, %dma_start3A_249] : memref<10240x32xf32, #tpu.memory_space<vmem_shared>> -> memref<10240x32xf32, #tpu.memory_space<vmem_shared>>
    %dma_start3A_251 = tpu.memref_slice %arg11[%dma_start3A_240] : memref<8x!tpu.dma_semaphore, #tpu.memory_space<semaphore_mem>> -> memref<1x!tpu.dma_semaphore, #tpu.memory_space<semaphore_mem>>
    %dma_start3A_252 = tpu.memref_squeeze %dma_start3A_251 : memref<1x!tpu.dma_semaphore, #tpu.memory_space<semaphore_mem>> -> memref<!tpu.dma_semaphore, #tpu.memory_space<semaphore_mem>>
    tpu.enqueue_indirect_dma source(%dma_start3A_250 : memref<10240x32xf32, #tpu.memory_space<vmem_shared>>) target(%dma_start3A_244 : memref<128x32xf32, #tpu.memory_space<vmem>>) offsets(%dma_start3A_247 : memref<128xi32, #tpu.memory_space<vmem>>) semaphore(%dma_start3A_252 : memref<!tpu.dma_semaphore, #tpu.memory_space<semaphore_mem>>)
    %dma_wait3A_253 = arith.constant 4 : i32
    %dma_wait3A_254 = arith.constant 4 : i32
    %dma_wait3A_255 = arith.constant 4 : i32
    %dma_wait3A_256 = arith.constant 0 : i32
    %dma_wait3A_257 = arith.constant 0 : i32
    %dma_wait3A_258 = tpu.memref_slice %arg8[%dma_wait3A_254, %dma_wait3A_256, %dma_wait3A_257] : memref<8x128x32xf32, #tpu.memory_space<vmem>> -> memref<1x128x32xf32, #tpu.memory_space<vmem>>
    %dma_wait3A_259 = tpu.memref_squeeze %dma_wait3A_258 : memref<1x128x32xf32, #tpu.memory_space<vmem>> -> memref<128x32xf32, #tpu.memory_space<vmem>>
    %dma_wait3A_260 = arith.constant 0 : i32
    %dma_wait3A_261 = tpu.memref_slice %arg6[%dma_wait3A_253, %dma_wait3A_260] : memref<160x128xi32, #tpu.memory_space<vmem>> -> memref<1x128xi32, #tpu.memory_space<vmem>>
    %dma_wait3A_262 = tpu.memref_squeeze %dma_wait3A_261 : memref<1x128xi32, #tpu.memory_space<vmem>> -> memref<128xi32, #tpu.memory_space<vmem>>
    %dma_wait3A_263 = arith.constant 0 : i32
    %dma_wait3A_264 = arith.constant 0 : i32
    %dma_wait3A_265 = tpu.memref_slice %arg10[%dma_wait3A_263, %dma_wait3A_264] : memref<10240x32xf32, #tpu.memory_space<vmem_shared>> -> memref<10240x32xf32, #tpu.memory_space<vmem_shared>>
    %dma_wait3A_266 = tpu.memref_slice %arg11[%dma_wait3A_255] : memref<8x!tpu.dma_semaphore, #tpu.memory_space<semaphore_mem>> -> memref<1x!tpu.dma_semaphore, #tpu.memory_space<semaphore_mem>>
    %dma_wait3A_267 = tpu.memref_squeeze %dma_wait3A_266 : memref<1x!tpu.dma_semaphore, #tpu.memory_space<semaphore_mem>> -> memref<!tpu.dma_semaphore, #tpu.memory_space<semaphore_mem>>
    tpu.wait_indirect_dma semaphore(%dma_wait3A_267 : memref<!tpu.dma_semaphore, #tpu.memory_space<semaphore_mem>>) src(%dma_wait3A_265 : memref<10240x32xf32, #tpu.memory_space<vmem_shared>>) dst(%dma_wait3A_259 : memref<128x32xf32, #tpu.memory_space<vmem>>)
    %dma_start3A_268 = arith.constant 4 : i32
    %dma_start3A_269 = arith.constant 4 : i32
    %dma_start3A_270 = arith.constant 4 : i32
    %dma_start3A_271 = arith.constant 0 : i32
    %dma_start3A_272 = arith.constant 0 : i32
    %dma_start3A_273 = tpu.memref_slice %arg8[%dma_start3A_268, %dma_start3A_271, %dma_start3A_272] : memref<8x128x32xf32, #tpu.memory_space<vmem>> -> memref<1x128x32xf32, #tpu.memory_space<vmem>>
    %dma_start3A_274 = tpu.memref_squeeze %dma_start3A_273 : memref<1x128x32xf32, #tpu.memory_space<vmem>> -> memref<128x32xf32, #tpu.memory_space<vmem>>
    %dma_start3A_275 = arith.constant 0 : i32
    %dma_start3A_276 = tpu.memref_slice %arg7[%dma_start3A_269, %dma_start3A_275] : memref<160x128xi32, #tpu.memory_space<vmem>> -> memref<1x128xi32, #tpu.memory_space<vmem>>
    %dma_start3A_277 = tpu.memref_squeeze %dma_start3A_276 : memref<1x128xi32, #tpu.memory_space<vmem>> -> memref<128xi32, #tpu.memory_space<vmem>>
    %dma_start3A_278 = arith.constant 0 : i32
    %dma_start3A_279 = arith.constant 0 : i32
    %dma_start3A_280 = tpu.memref_slice %arg9[%dma_start3A_278, %dma_start3A_279] : memref<10240x32xf32, #tpu.memory_space<vmem_shared>> -> memref<10240x32xf32, #tpu.memory_space<vmem_shared>>
    %dma_start3A_281 = tpu.memref_slice %arg12[%dma_start3A_270] : memref<8x!tpu.dma_semaphore, #tpu.memory_space<semaphore_mem>> -> memref<1x!tpu.dma_semaphore, #tpu.memory_space<semaphore_mem>>
    %dma_start3A_282 = tpu.memref_squeeze %dma_start3A_281 : memref<1x!tpu.dma_semaphore, #tpu.memory_space<semaphore_mem>> -> memref<!tpu.dma_semaphore, #tpu.memory_space<semaphore_mem>>
    tpu.enqueue_indirect_dma source(%dma_start3A_274 : memref<128x32xf32, #tpu.memory_space<vmem>>) target(%dma_start3A_280 : memref<10240x32xf32, #tpu.memory_space<vmem_shared>>) offsets(%dma_start3A_277 : memref<128xi32, #tpu.memory_space<vmem>>) semaphore(%dma_start3A_282 : memref<!tpu.dma_semaphore, #tpu.memory_space<semaphore_mem>>) {add = true}
    %dma_wait3A_283 = arith.constant 0 : i32
    %dma_wait3A_284 = arith.constant 0 : i32
    %dma_wait3A_285 = arith.constant 0 : i32
    %dma_wait3A_286 = arith.constant 0 : i32
    %dma_wait3A_287 = arith.constant 0 : i32
    %dma_wait3A_288 = tpu.memref_slice %arg8[%dma_wait3A_283, %dma_wait3A_286, %dma_wait3A_287] : memref<8x128x32xf32, #tpu.memory_space<vmem>> -> memref<1x128x32xf32, #tpu.memory_space<vmem>>
    %dma_wait3A_289 = tpu.memref_squeeze %dma_wait3A_288 : memref<1x128x32xf32, #tpu.memory_space<vmem>> -> memref<128x32xf32, #tpu.memory_space<vmem>>
    %dma_wait3A_290 = arith.constant 0 : i32
    %dma_wait3A_291 = tpu.memref_slice %arg7[%dma_wait3A_284, %dma_wait3A_290] : memref<160x128xi32, #tpu.memory_space<vmem>> -> memref<1x128xi32, #tpu.memory_space<vmem>>
    %dma_wait3A_292 = tpu.memref_squeeze %dma_wait3A_291 : memref<1x128xi32, #tpu.memory_space<vmem>> -> memref<128xi32, #tpu.memory_space<vmem>>
    %dma_wait3A_293 = arith.constant 0 : i32
    %dma_wait3A_294 = arith.constant 0 : i32
    %dma_wait3A_295 = tpu.memref_slice %arg9[%dma_wait3A_293, %dma_wait3A_294] : memref<10240x32xf32, #tpu.memory_space<vmem_shared>> -> memref<10240x32xf32, #tpu.memory_space<vmem_shared>>
    %dma_wait3A_296 = tpu.memref_slice %arg12[%dma_wait3A_285] : memref<8x!tpu.dma_semaphore, #tpu.memory_space<semaphore_mem>> -> memref<1x!tpu.dma_semaphore, #tpu.memory_space<semaphore_mem>>
    %dma_wait3A_297 = tpu.memref_squeeze %dma_wait3A_296 : memref<1x!tpu.dma_semaphore, #tpu.memory_space<semaphore_mem>> -> memref<!tpu.dma_semaphore, #tpu.memory_space<semaphore_mem>>
    tpu.wait_indirect_dma semaphore(%dma_wait3A_297 : memref<!tpu.dma_semaphore, #tpu.memory_space<semaphore_mem>>) src(%dma_wait3A_289 : memref<128x32xf32, #tpu.memory_space<vmem>>) dst(%dma_wait3A_295 : memref<10240x32xf32, #tpu.memory_space<vmem_shared>>)
    %dma_start3A_298 = arith.constant 8 : i32
    %dma_start3A_299 = arith.constant 0 : i32
    %dma_start3A_300 = arith.constant 0 : i32
    %dma_start3A_301 = arith.constant 0 : i32
    %dma_start3A_302 = arith.constant 0 : i32
    %dma_start3A_303 = tpu.memref_slice %arg8[%dma_start3A_299, %dma_start3A_301, %dma_start3A_302] : memref<8x128x32xf32, #tpu.memory_space<vmem>> -> memref<1x128x32xf32, #tpu.memory_space<vmem>>
    %dma_start3A_304 = tpu.memref_squeeze %dma_start3A_303 : memref<1x128x32xf32, #tpu.memory_space<vmem>> -> memref<128x32xf32, #tpu.memory_space<vmem>>
    %dma_start3A_305 = arith.constant 0 : i32
    %dma_start3A_306 = tpu.memref_slice %arg6[%dma_start3A_298, %dma_start3A_305] : memref<160x128xi32, #tpu.memory_space<vmem>> -> memref<1x128xi32, #tpu.memory_space<vmem>>
    %dma_start3A_307 = tpu.memref_squeeze %dma_start3A_306 : memref<1x128xi32, #tpu.memory_space<vmem>> -> memref<128xi32, #tpu.memory_space<vmem>>
    %dma_start3A_308 = arith.constant 0 : i32
    %dma_start3A_309 = arith.constant 0 : i32
    %dma_start3A_310 = tpu.memref_slice %arg10[%dma_start3A_308, %dma_start3A_309] : memref<10240x32xf32, #tpu.memory_space<vmem_shared>> -> memref<10240x32xf32, #tpu.memory_space<vmem_shared>>
    %dma_start3A_311 = tpu.memref_slice %arg11[%dma_start3A_300] : memref<8x!tpu.dma_semaphore, #tpu.memory_space<semaphore_mem>> -> memref<1x!tpu.dma_semaphore, #tpu.memory_space<semaphore_mem>>
    %dma_start3A_312 = tpu.memref_squeeze %dma_start3A_311 : memref<1x!tpu.dma_semaphore, #tpu.memory_space<semaphore_mem>> -> memref<!tpu.dma_semaphore, #tpu.memory_space<semaphore_mem>>
    tpu.enqueue_indirect_dma source(%dma_start3A_310 : memref<10240x32xf32, #tpu.memory_space<vmem_shared>>) target(%dma_start3A_304 : memref<128x32xf32, #tpu.memory_space<vmem>>) offsets(%dma_start3A_307 : memref<128xi32, #tpu.memory_space<vmem>>) semaphore(%dma_start3A_312 : memref<!tpu.dma_semaphore, #tpu.memory_space<semaphore_mem>>)
    %dma_wait3A_313 = arith.constant 5 : i32
    %dma_wait3A_314 = arith.constant 5 : i32
    %dma_wait3A_315 = arith.constant 5 : i32
    %dma_wait3A_316 = arith.constant 0 : i32
    %dma_wait3A_317 = arith.constant 0 : i32
    %dma_wait3A_318 = tpu.memref_slice %arg8[%dma_wait3A_314, %dma_wait3A_316, %dma_wait3A_317] : memref<8x128x32xf32, #tpu.memory_space<vmem>> -> memref<1x128x32xf32, #tpu.memory_space<vmem>>
    %dma_wait3A_319 = tpu.memref_squeeze %dma_wait3A_318 : memref<1x128x32xf32, #tpu.memory_space<vmem>> -> memref<128x32xf32, #tpu.memory_space<vmem>>
    %dma_wait3A_320 = arith.constant 0 : i32
    %dma_wait3A_321 = tpu.memref_slice %arg6[%dma_wait3A_313, %dma_wait3A_320] : memref<160x128xi32, #tpu.memory_space<vmem>> -> memref<1x128xi32, #tpu.memory_space<vmem>>
    %dma_wait3A_322 = tpu.memref_squeeze %dma_wait3A_321 : memref<1x128xi32, #tpu.memory_space<vmem>> -> memref<128xi32, #tpu.memory_space<vmem>>
    %dma_wait3A_323 = arith.constant 0 : i32
    %dma_wait3A_324 = arith.constant 0 : i32
    %dma_wait3A_325 = tpu.memref_slice %arg10[%dma_wait3A_323, %dma_wait3A_324] : memref<10240x32xf32, #tpu.memory_space<vmem_shared>> -> memref<10240x32xf32, #tpu.memory_space<vmem_shared>>
    %dma_wait3A_326 = tpu.memref_slice %arg11[%dma_wait3A_315] : memref<8x!tpu.dma_semaphore, #tpu.memory_space<semaphore_mem>> -> memref<1x!tpu.dma_semaphore, #tpu.memory_space<semaphore_mem>>
    %dma_wait3A_327 = tpu.memref_squeeze %dma_wait3A_326 : memref<1x!tpu.dma_semaphore, #tpu.memory_space<semaphore_mem>> -> memref<!tpu.dma_semaphore, #tpu.memory_space<semaphore_mem>>
    tpu.wait_indirect_dma semaphore(%dma_wait3A_327 : memref<!tpu.dma_semaphore, #tpu.memory_space<semaphore_mem>>) src(%dma_wait3A_325 : memref<10240x32xf32, #tpu.memory_space<vmem_shared>>) dst(%dma_wait3A_319 : memref<128x32xf32, #tpu.memory_space<vmem>>)
    %dma_start3A_328 = arith.constant 5 : i32
    %dma_start3A_329 = arith.constant 5 : i32
    %dma_start3A_330 = arith.constant 5 : i32
    %dma_start3A_331 = arith.constant 0 : i32
    %dma_start3A_332 = arith.constant 0 : i32
    %dma_start3A_333 = tpu.memref_slice %arg8[%dma_start3A_328, %dma_start3A_331, %dma_start3A_332] : memref<8x128x32xf32, #tpu.memory_space<vmem>> -> memref<1x128x32xf32, #tpu.memory_space<vmem>>
    %dma_start3A_334 = tpu.memref_squeeze %dma_start3A_333 : memref<1x128x32xf32, #tpu.memory_space<vmem>> -> memref<128x32xf32, #tpu.memory_space<vmem>>
    %dma_start3A_335 = arith.constant 0 : i32
    %dma_start3A_336 = tpu.memref_slice %arg7[%dma_start3A_329, %dma_start3A_335] : memref<160x128xi32, #tpu.memory_space<vmem>> -> memref<1x128xi32, #tpu.memory_space<vmem>>
    %dma_start3A_337 = tpu.memref_squeeze %dma_start3A_336 : memref<1x128xi32, #tpu.memory_space<vmem>> -> memref<128xi32, #tpu.memory_space<vmem>>
    %dma_start3A_338 = arith.constant 0 : i32
    %dma_start3A_339 = arith.constant 0 : i32
    %dma_start3A_340 = tpu.memref_slice %arg9[%dma_start3A_338, %dma_start3A_339] : memref<10240x32xf32, #tpu.memory_space<vmem_shared>> -> memref<10240x32xf32, #tpu.memory_space<vmem_shared>>
    %dma_start3A_341 = tpu.memref_slice %arg12[%dma_start3A_330] : memref<8x!tpu.dma_semaphore, #tpu.memory_space<semaphore_mem>> -> memref<1x!tpu.dma_semaphore, #tpu.memory_space<semaphore_mem>>
    %dma_start3A_342 = tpu.memref_squeeze %dma_start3A_341 : memref<1x!tpu.dma_semaphore, #tpu.memory_space<semaphore_mem>> -> memref<!tpu.dma_semaphore, #tpu.memory_space<semaphore_mem>>
    tpu.enqueue_indirect_dma source(%dma_start3A_334 : memref<128x32xf32, #tpu.memory_space<vmem>>) target(%dma_start3A_340 : memref<10240x32xf32, #tpu.memory_space<vmem_shared>>) offsets(%dma_start3A_337 : memref<128xi32, #tpu.memory_space<vmem>>) semaphore(%dma_start3A_342 : memref<!tpu.dma_semaphore, #tpu.memory_space<semaphore_mem>>) {add = true}
    %dma_wait3A_343 = arith.constant 1 : i32
    %dma_wait3A_344 = arith.constant 0 : i32
    %dma_wait3A_345 = arith.constant 1 : i32
    %dma_wait3A_346 = arith.constant 0 : i32
    %dma_wait3A_347 = arith.constant 0 : i32
    %dma_wait3A_348 = tpu.memref_slice %arg8[%dma_wait3A_343, %dma_wait3A_346, %dma_wait3A_347] : memref<8x128x32xf32, #tpu.memory_space<vmem>> -> memref<1x128x32xf32, #tpu.memory_space<vmem>>
    %dma_wait3A_349 = tpu.memref_squeeze %dma_wait3A_348 : memref<1x128x32xf32, #tpu.memory_space<vmem>> -> memref<128x32xf32, #tpu.memory_space<vmem>>
    %dma_wait3A_350 = arith.constant 0 : i32
    %dma_wait3A_351 = tpu.memref_slice %arg7[%dma_wait3A_344, %dma_wait3A_350] : memref<160x128xi32, #tpu.memory_space<vmem>> -> memref<1x128xi32, #tpu.memory_space<vmem>>
    %dma_wait3A_352 = tpu.memref_squeeze %dma_wait3A_351 : memref<1x128xi32, #tpu.memory_space<vmem>> -> memref<128xi32, #tpu.memory_space<vmem>>
    %dma_wait3A_353 = arith.constant 0 : i32
    %dma_wait3A_354 = arith.constant 0 : i32
    %dma_wait3A_355 = tpu.memref_slice %arg9[%dma_wait3A_353, %dma_wait3A_354] : memref<10240x32xf32, #tpu.memory_space<vmem_shared>> -> memref<10240x32xf32, #tpu.memory_space<vmem_shared>>
    %dma_wait3A_356 = tpu.memref_slice %arg12[%dma_wait3A_345] : memref<8x!tpu.dma_semaphore, #tpu.memory_space<semaphore_mem>> -> memref<1x!tpu.dma_semaphore, #tpu.memory_space<semaphore_mem>>
    %dma_wait3A_357 = tpu.memref_squeeze %dma_wait3A_356 : memref<1x!tpu.dma_semaphore, #tpu.memory_space<semaphore_mem>> -> memref<!tpu.dma_semaphore, #tpu.memory_space<semaphore_mem>>
    tpu.wait_indirect_dma semaphore(%dma_wait3A_357 : memref<!tpu.dma_semaphore, #tpu.memory_space<semaphore_mem>>) src(%dma_wait3A_349 : memref<128x32xf32, #tpu.memory_space<vmem>>) dst(%dma_wait3A_355 : memref<10240x32xf32, #tpu.memory_space<vmem_shared>>)
    %dma_start3A_358 = arith.constant 9 : i32
    %dma_start3A_359 = arith.constant 1 : i32
    %dma_start3A_360 = arith.constant 1 : i32
    %dma_start3A_361 = arith.constant 0 : i32
    %dma_start3A_362 = arith.constant 0 : i32
    %dma_start3A_363 = tpu.memref_slice %arg8[%dma_start3A_359, %dma_start3A_361, %dma_start3A_362] : memref<8x128x32xf32, #tpu.memory_space<vmem>> -> memref<1x128x32xf32, #tpu.memory_space<vmem>>
    %dma_start3A_364 = tpu.memref_squeeze %dma_start3A_363 : memref<1x128x32xf32, #tpu.memory_space<vmem>> -> memref<128x32xf32, #tpu.memory_space<vmem>>
    %dma_start3A_365 = arith.constant 0 : i32
    %dma_start3A_366 = tpu.memref_slice %arg6[%dma_start3A_358, %dma_start3A_365] : memref<160x128xi32, #tpu.memory_space<vmem>> -> memref<1x128xi32, #tpu.memory_space<vmem>>
    %dma_start3A_367 = tpu.memref_squeeze %dma_start3A_366 : memref<1x128xi32, #tpu.memory_space<vmem>> -> memref<128xi32, #tpu.memory_space<vmem>>
    %dma_start3A_368 = arith.constant 0 : i32
    %dma_start3A_369 = arith.constant 0 : i32
    %dma_start3A_370 = tpu.memref_slice %arg10[%dma_start3A_368, %dma_start3A_369] : memref<10240x32xf32, #tpu.memory_space<vmem_shared>> -> memref<10240x32xf32, #tpu.memory_space<vmem_shared>>
    %dma_start3A_371 = tpu.memref_slice %arg11[%dma_start3A_360] : memref<8x!tpu.dma_semaphore, #tpu.memory_space<semaphore_mem>> -> memref<1x!tpu.dma_semaphore, #tpu.memory_space<semaphore_mem>>
    %dma_start3A_372 = tpu.memref_squeeze %dma_start3A_371 : memref<1x!tpu.dma_semaphore, #tpu.memory_space<semaphore_mem>> -> memref<!tpu.dma_semaphore, #tpu.memory_space<semaphore_mem>>
    tpu.enqueue_indirect_dma source(%dma_start3A_370 : memref<10240x32xf32, #tpu.memory_space<vmem_shared>>) target(%dma_start3A_364 : memref<128x32xf32, #tpu.memory_space<vmem>>) offsets(%dma_start3A_367 : memref<128xi32, #tpu.memory_space<vmem>>) semaphore(%dma_start3A_372 : memref<!tpu.dma_semaphore, #tpu.memory_space<semaphore_mem>>)
    %dma_wait3A_373 = arith.constant 6 : i32
    %dma_wait3A_374 = arith.constant 6 : i32
    %dma_wait3A_375 = arith.constant 6 : i32
    %dma_wait3A_376 = arith.constant 0 : i32
    %dma_wait3A_377 = arith.constant 0 : i32
    %dma_wait3A_378 = tpu.memref_slice %arg8[%dma_wait3A_374, %dma_wait3A_376, %dma_wait3A_377] : memref<8x128x32xf32, #tpu.memory_space<vmem>> -> memref<1x128x32xf32, #tpu.memory_space<vmem>>
    %dma_wait3A_379 = tpu.memref_squeeze %dma_wait3A_378 : memref<1x128x32xf32, #tpu.memory_space<vmem>> -> memref<128x32xf32, #tpu.memory_space<vmem>>
    %dma_wait3A_380 = arith.constant 0 : i32
    %dma_wait3A_381 = tpu.memref_slice %arg6[%dma_wait3A_373, %dma_wait3A_380] : memref<160x128xi32, #tpu.memory_space<vmem>> -> memref<1x128xi32, #tpu.memory_space<vmem>>
    %dma_wait3A_382 = tpu.memref_squeeze %dma_wait3A_381 : memref<1x128xi32, #tpu.memory_space<vmem>> -> memref<128xi32, #tpu.memory_space<vmem>>
    %dma_wait3A_383 = arith.constant 0 : i32
    %dma_wait3A_384 = arith.constant 0 : i32
    %dma_wait3A_385 = tpu.memref_slice %arg10[%dma_wait3A_383, %dma_wait3A_384] : memref<10240x32xf32, #tpu.memory_space<vmem_shared>> -> memref<10240x32xf32, #tpu.memory_space<vmem_shared>>
    %dma_wait3A_386 = tpu.memref_slice %arg11[%dma_wait3A_375] : memref<8x!tpu.dma_semaphore, #tpu.memory_space<semaphore_mem>> -> memref<1x!tpu.dma_semaphore, #tpu.memory_space<semaphore_mem>>
    %dma_wait3A_387 = tpu.memref_squeeze %dma_wait3A_386 : memref<1x!tpu.dma_semaphore, #tpu.memory_space<semaphore_mem>> -> memref<!tpu.dma_semaphore, #tpu.memory_space<semaphore_mem>>
    tpu.wait_indirect_dma semaphore(%dma_wait3A_387 : memref<!tpu.dma_semaphore, #tpu.memory_space<semaphore_mem>>) src(%dma_wait3A_385 : memref<10240x32xf32, #tpu.memory_space<vmem_shared>>) dst(%dma_wait3A_379 : memref<128x32xf32, #tpu.memory_space<vmem>>)
    %dma_start3A_388 = arith.constant 6 : i32
    %dma_start3A_389 = arith.constant 6 : i32
    %dma_start3A_390 = arith.constant 6 : i32
    %dma_start3A_391 = arith.constant 0 : i32
    %dma_start3A_392 = arith.constant 0 : i32
    %dma_start3A_393 = tpu.memref_slice %arg8[%dma_start3A_388, %dma_start3A_391, %dma_start3A_392] : memref<8x128x32xf32, #tpu.memory_space<vmem>> -> memref<1x128x32xf32, #tpu.memory_space<vmem>>
    %dma_start3A_394 = tpu.memref_squeeze %dma_start3A_393 : memref<1x128x32xf32, #tpu.memory_space<vmem>> -> memref<128x32xf32, #tpu.memory_space<vmem>>
    %dma_start3A_395 = arith.constant 0 : i32
    %dma_start3A_396 = tpu.memref_slice %arg7[%dma_start3A_389, %dma_start3A_395] : memref<160x128xi32, #tpu.memory_space<vmem>> -> memref<1x128xi32, #tpu.memory_space<vmem>>
    %dma_start3A_397 = tpu.memref_squeeze %dma_start3A_396 : memref<1x128xi32, #tpu.memory_space<vmem>> -> memref<128xi32, #tpu.memory_space<vmem>>
    %dma_start3A_398 = arith.constant 0 : i32
    %dma_start3A_399 = arith.constant 0 : i32
    %dma_start3A_400 = tpu.memref_slice %arg9[%dma_start3A_398, %dma_start3A_399] : memref<10240x32xf32, #tpu.memory_space<vmem_shared>> -> memref<10240x32xf32, #tpu.memory_space<vmem_shared>>
    %dma_start3A_401 = tpu.memref_slice %arg12[%dma_start3A_390] : memref<8x!tpu.dma_semaphore, #tpu.memory_space<semaphore_mem>> -> memref<1x!tpu.dma_semaphore, #tpu.memory_space<semaphore_mem>>
    %dma_start3A_402 = tpu.memref_squeeze %dma_start3A_401 : memref<1x!tpu.dma_semaphore, #tpu.memory_space<semaphore_mem>> -> memref<!tpu.dma_semaphore, #tpu.memory_space<semaphore_mem>>
    tpu.enqueue_indirect_dma source(%dma_start3A_394 : memref<128x32xf32, #tpu.memory_space<vmem>>) target(%dma_start3A_400 : memref<10240x32xf32, #tpu.memory_space<vmem_shared>>) offsets(%dma_start3A_397 : memref<128xi32, #tpu.memory_space<vmem>>) semaphore(%dma_start3A_402 : memref<!tpu.dma_semaphore, #tpu.memory_space<semaphore_mem>>) {add = true}
    %dma_wait3A_403 = arith.constant 2 : i32
    %dma_wait3A_404 = arith.constant 0 : i32
    %dma_wait3A_405 = arith.constant 2 : i32
    %dma_wait3A_406 = arith.constant 0 : i32
    %dma_wait3A_407 = arith.constant 0 : i32
    %dma_wait3A_408 = tpu.memref_slice %arg8[%dma_wait3A_403, %dma_wait3A_406, %dma_wait3A_407] : memref<8x128x32xf32, #tpu.memory_space<vmem>> -> memref<1x128x32xf32, #tpu.memory_space<vmem>>
    %dma_wait3A_409 = tpu.memref_squeeze %dma_wait3A_408 : memref<1x128x32xf32, #tpu.memory_space<vmem>> -> memref<128x32xf32, #tpu.memory_space<vmem>>
    %dma_wait3A_410 = arith.constant 0 : i32
    %dma_wait3A_411 = tpu.memref_slice %arg7[%dma_wait3A_404, %dma_wait3A_410] : memref<160x128xi32, #tpu.memory_space<vmem>> -> memref<1x128xi32, #tpu.memory_space<vmem>>
    %dma_wait3A_412 = tpu.memref_squeeze %dma_wait3A_411 : memref<1x128xi32, #tpu.memory_space<vmem>> -> memref<128xi32, #tpu.memory_space<vmem>>
    %dma_wait3A_413 = arith.constant 0 : i32
    %dma_wait3A_414 = arith.constant 0 : i32
    %dma_wait3A_415 = tpu.memref_slice %arg9[%dma_wait3A_413, %dma_wait3A_414] : memref<10240x32xf32, #tpu.memory_space<vmem_shared>> -> memref<10240x32xf32, #tpu.memory_space<vmem_shared>>
    %dma_wait3A_416 = tpu.memref_slice %arg12[%dma_wait3A_405] : memref<8x!tpu.dma_semaphore, #tpu.memory_space<semaphore_mem>> -> memref<1x!tpu.dma_semaphore, #tpu.memory_space<semaphore_mem>>
    %dma_wait3A_417 = tpu.memref_squeeze %dma_wait3A_416 : memref<1x!tpu.dma_semaphore, #tpu.memory_space<semaphore_mem>> -> memref<!tpu.dma_semaphore, #tpu.memory_space<semaphore_mem>>
    tpu.wait_indirect_dma semaphore(%dma_wait3A_417 : memref<!tpu.dma_semaphore, #tpu.memory_space<semaphore_mem>>) src(%dma_wait3A_409 : memref<128x32xf32, #tpu.memory_space<vmem>>) dst(%dma_wait3A_415 : memref<10240x32xf32, #tpu.memory_space<vmem_shared>>)
    %dma_start3A_418 = arith.constant 10 : i32
    %dma_start3A_419 = arith.constant 2 : i32
    %dma_start3A_420 = arith.constant 2 : i32
    %dma_start3A_421 = arith.constant 0 : i32
    %dma_start3A_422 = arith.constant 0 : i32
    %dma_start3A_423 = tpu.memref_slice %arg8[%dma_start3A_419, %dma_start3A_421, %dma_start3A_422] : memref<8x128x32xf32, #tpu.memory_space<vmem>> -> memref<1x128x32xf32, #tpu.memory_space<vmem>>
    %dma_start3A_424 = tpu.memref_squeeze %dma_start3A_423 : memref<1x128x32xf32, #tpu.memory_space<vmem>> -> memref<128x32xf32, #tpu.memory_space<vmem>>
    %dma_start3A_425 = arith.constant 0 : i32
    %dma_start3A_426 = tpu.memref_slice %arg6[%dma_start3A_418, %dma_start3A_425] : memref<160x128xi32, #tpu.memory_space<vmem>> -> memref<1x128xi32, #tpu.memory_space<vmem>>
    %dma_start3A_427 = tpu.memref_squeeze %dma_start3A_426 : memref<1x128xi32, #tpu.memory_space<vmem>> -> memref<128xi32, #tpu.memory_space<vmem>>
    %dma_start3A_428 = arith.constant 0 : i32
    %dma_start3A_429 = arith.constant 0 : i32
    %dma_start3A_430 = tpu.memref_slice %arg10[%dma_start3A_428, %dma_start3A_429] : memref<10240x32xf32, #tpu.memory_space<vmem_shared>> -> memref<10240x32xf32, #tpu.memory_space<vmem_shared>>
    %dma_start3A_431 = tpu.memref_slice %arg11[%dma_start3A_420] : memref<8x!tpu.dma_semaphore, #tpu.memory_space<semaphore_mem>> -> memref<1x!tpu.dma_semaphore, #tpu.memory_space<semaphore_mem>>
    %dma_start3A_432 = tpu.memref_squeeze %dma_start3A_431 : memref<1x!tpu.dma_semaphore, #tpu.memory_space<semaphore_mem>> -> memref<!tpu.dma_semaphore, #tpu.memory_space<semaphore_mem>>
    tpu.enqueue_indirect_dma source(%dma_start3A_430 : memref<10240x32xf32, #tpu.memory_space<vmem_shared>>) target(%dma_start3A_424 : memref<128x32xf32, #tpu.memory_space<vmem>>) offsets(%dma_start3A_427 : memref<128xi32, #tpu.memory_space<vmem>>) semaphore(%dma_start3A_432 : memref<!tpu.dma_semaphore, #tpu.memory_space<semaphore_mem>>)
    %dma_wait3A_433 = arith.constant 7 : i32
    %dma_wait3A_434 = arith.constant 7 : i32
    %dma_wait3A_435 = arith.constant 7 : i32
    %dma_wait3A_436 = arith.constant 0 : i32
    %dma_wait3A_437 = arith.constant 0 : i32
    %dma_wait3A_438 = tpu.memref_slice %arg8[%dma_wait3A_434, %dma_wait3A_436, %dma_wait3A_437] : memref<8x128x32xf32, #tpu.memory_space<vmem>> -> memref<1x128x32xf32, #tpu.memory_space<vmem>>
    %dma_wait3A_439 = tpu.memref_squeeze %dma_wait3A_438 : memref<1x128x32xf32, #tpu.memory_space<vmem>> -> memref<128x32xf32, #tpu.memory_space<vmem>>
    %dma_wait3A_440 = arith.constant 0 : i32
    %dma_wait3A_441 = tpu.memref_slice %arg6[%dma_wait3A_433, %dma_wait3A_440] : memref<160x128xi32, #tpu.memory_space<vmem>> -> memref<1x128xi32, #tpu.memory_space<vmem>>
    %dma_wait3A_442 = tpu.memref_squeeze %dma_wait3A_441 : memref<1x128xi32, #tpu.memory_space<vmem>> -> memref<128xi32, #tpu.memory_space<vmem>>
    %dma_wait3A_443 = arith.constant 0 : i32
    %dma_wait3A_444 = arith.constant 0 : i32
    %dma_wait3A_445 = tpu.memref_slice %arg10[%dma_wait3A_443, %dma_wait3A_444] : memref<10240x32xf32, #tpu.memory_space<vmem_shared>> -> memref<10240x32xf32, #tpu.memory_space<vmem_shared>>
    %dma_wait3A_446 = tpu.memref_slice %arg11[%dma_wait3A_435] : memref<8x!tpu.dma_semaphore, #tpu.memory_space<semaphore_mem>> -> memref<1x!tpu.dma_semaphore, #tpu.memory_space<semaphore_mem>>
    %dma_wait3A_447 = tpu.memref_squeeze %dma_wait3A_446 : memref<1x!tpu.dma_semaphore, #tpu.memory_space<semaphore_mem>> -> memref<!tpu.dma_semaphore, #tpu.memory_space<semaphore_mem>>
    tpu.wait_indirect_dma semaphore(%dma_wait3A_447 : memref<!tpu.dma_semaphore, #tpu.memory_space<semaphore_mem>>) src(%dma_wait3A_445 : memref<10240x32xf32, #tpu.memory_space<vmem_shared>>) dst(%dma_wait3A_439 : memref<128x32xf32, #tpu.memory_space<vmem>>)
    %dma_start3A_448 = arith.constant 7 : i32
    %dma_start3A_449 = arith.constant 7 : i32
    %dma_start3A_450 = arith.constant 7 : i32
    %dma_start3A_451 = arith.constant 0 : i32
    %dma_start3A_452 = arith.constant 0 : i32
    %dma_start3A_453 = tpu.memref_slice %arg8[%dma_start3A_448, %dma_start3A_451, %dma_start3A_452] : memref<8x128x32xf32, #tpu.memory_space<vmem>> -> memref<1x128x32xf32, #tpu.memory_space<vmem>>
    %dma_start3A_454 = tpu.memref_squeeze %dma_start3A_453 : memref<1x128x32xf32, #tpu.memory_space<vmem>> -> memref<128x32xf32, #tpu.memory_space<vmem>>
    %dma_start3A_455 = arith.constant 0 : i32
    %dma_start3A_456 = tpu.memref_slice %arg7[%dma_start3A_449, %dma_start3A_455] : memref<160x128xi32, #tpu.memory_space<vmem>> -> memref<1x128xi32, #tpu.memory_space<vmem>>
    %dma_start3A_457 = tpu.memref_squeeze %dma_start3A_456 : memref<1x128xi32, #tpu.memory_space<vmem>> -> memref<128xi32, #tpu.memory_space<vmem>>
    %dma_start3A_458 = arith.constant 0 : i32
    %dma_start3A_459 = arith.constant 0 : i32
    %dma_start3A_460 = tpu.memref_slice %arg9[%dma_start3A_458, %dma_start3A_459] : memref<10240x32xf32, #tpu.memory_space<vmem_shared>> -> memref<10240x32xf32, #tpu.memory_space<vmem_shared>>
    %dma_start3A_461 = tpu.memref_slice %arg12[%dma_start3A_450] : memref<8x!tpu.dma_semaphore, #tpu.memory_space<semaphore_mem>> -> memref<1x!tpu.dma_semaphore, #tpu.memory_space<semaphore_mem>>
    %dma_start3A_462 = tpu.memref_squeeze %dma_start3A_461 : memref<1x!tpu.dma_semaphore, #tpu.memory_space<semaphore_mem>> -> memref<!tpu.dma_semaphore, #tpu.memory_space<semaphore_mem>>
    tpu.enqueue_indirect_dma source(%dma_start3A_454 : memref<128x32xf32, #tpu.memory_space<vmem>>) target(%dma_start3A_460 : memref<10240x32xf32, #tpu.memory_space<vmem_shared>>) offsets(%dma_start3A_457 : memref<128xi32, #tpu.memory_space<vmem>>) semaphore(%dma_start3A_462 : memref<!tpu.dma_semaphore, #tpu.memory_space<semaphore_mem>>) {add = true}
    %dma_wait3A_463 = arith.constant 3 : i32
    %dma_wait3A_464 = arith.constant 0 : i32
    %dma_wait3A_465 = arith.constant 3 : i32
    %dma_wait3A_466 = arith.constant 0 : i32
    %dma_wait3A_467 = arith.constant 0 : i32
    %dma_wait3A_468 = tpu.memref_slice %arg8[%dma_wait3A_463, %dma_wait3A_466, %dma_wait3A_467] : memref<8x128x32xf32, #tpu.memory_space<vmem>> -> memref<1x128x32xf32, #tpu.memory_space<vmem>>
    %dma_wait3A_469 = tpu.memref_squeeze %dma_wait3A_468 : memref<1x128x32xf32, #tpu.memory_space<vmem>> -> memref<128x32xf32, #tpu.memory_space<vmem>>
    %dma_wait3A_470 = arith.constant 0 : i32
    %dma_wait3A_471 = tpu.memref_slice %arg7[%dma_wait3A_464, %dma_wait3A_470] : memref<160x128xi32, #tpu.memory_space<vmem>> -> memref<1x128xi32, #tpu.memory_space<vmem>>
    %dma_wait3A_472 = tpu.memref_squeeze %dma_wait3A_471 : memref<1x128xi32, #tpu.memory_space<vmem>> -> memref<128xi32, #tpu.memory_space<vmem>>
    %dma_wait3A_473 = arith.constant 0 : i32
    %dma_wait3A_474 = arith.constant 0 : i32
    %dma_wait3A_475 = tpu.memref_slice %arg9[%dma_wait3A_473, %dma_wait3A_474] : memref<10240x32xf32, #tpu.memory_space<vmem_shared>> -> memref<10240x32xf32, #tpu.memory_space<vmem_shared>>
    %dma_wait3A_476 = tpu.memref_slice %arg12[%dma_wait3A_465] : memref<8x!tpu.dma_semaphore, #tpu.memory_space<semaphore_mem>> -> memref<1x!tpu.dma_semaphore, #tpu.memory_space<semaphore_mem>>
    %dma_wait3A_477 = tpu.memref_squeeze %dma_wait3A_476 : memref<1x!tpu.dma_semaphore, #tpu.memory_space<semaphore_mem>> -> memref<!tpu.dma_semaphore, #tpu.memory_space<semaphore_mem>>
    tpu.wait_indirect_dma semaphore(%dma_wait3A_477 : memref<!tpu.dma_semaphore, #tpu.memory_space<semaphore_mem>>) src(%dma_wait3A_469 : memref<128x32xf32, #tpu.memory_space<vmem>>) dst(%dma_wait3A_475 : memref<10240x32xf32, #tpu.memory_space<vmem_shared>>)
    %dma_start3A_478 = arith.constant 11 : i32
    %dma_start3A_479 = arith.constant 3 : i32
    %dma_start3A_480 = arith.constant 3 : i32
    %dma_start3A_481 = arith.constant 0 : i32
    %dma_start3A_482 = arith.constant 0 : i32
    %dma_start3A_483 = tpu.memref_slice %arg8[%dma_start3A_479, %dma_start3A_481, %dma_start3A_482] : memref<8x128x32xf32, #tpu.memory_space<vmem>> -> memref<1x128x32xf32, #tpu.memory_space<vmem>>
    %dma_start3A_484 = tpu.memref_squeeze %dma_start3A_483 : memref<1x128x32xf32, #tpu.memory_space<vmem>> -> memref<128x32xf32, #tpu.memory_space<vmem>>
    %dma_start3A_485 = arith.constant 0 : i32
    %dma_start3A_486 = tpu.memref_slice %arg6[%dma_start3A_478, %dma_start3A_485] : memref<160x128xi32, #tpu.memory_space<vmem>> -> memref<1x128xi32, #tpu.memory_space<vmem>>
    %dma_start3A_487 = tpu.memref_squeeze %dma_start3A_486 : memref<1x128xi32, #tpu.memory_space<vmem>> -> memref<128xi32, #tpu.memory_space<vmem>>
    %dma_start3A_488 = arith.constant 0 : i32
    %dma_start3A_489 = arith.constant 0 : i32
    %dma_start3A_490 = tpu.memref_slice %arg10[%dma_start3A_488, %dma_start3A_489] : memref<10240x32xf32, #tpu.memory_space<vmem_shared>> -> memref<10240x32xf32, #tpu.memory_space<vmem_shared>>
    %dma_start3A_491 = tpu.memref_slice %arg11[%dma_start3A_480] : memref<8x!tpu.dma_semaphore, #tpu.memory_space<semaphore_mem>> -> memref<1x!tpu.dma_semaphore, #tpu.memory_space<semaphore_mem>>
    %dma_start3A_492 = tpu.memref_squeeze %dma_start3A_491 : memref<1x!tpu.dma_semaphore, #tpu.memory_space<semaphore_mem>> -> memref<!tpu.dma_semaphore, #tpu.memory_space<semaphore_mem>>
    tpu.enqueue_indirect_dma source(%dma_start3A_490 : memref<10240x32xf32, #tpu.memory_space<vmem_shared>>) target(%dma_start3A_484 : memref<128x32xf32, #tpu.memory_space<vmem>>) offsets(%dma_start3A_487 : memref<128xi32, #tpu.memory_space<vmem>>) semaphore(%dma_start3A_492 : memref<!tpu.dma_semaphore, #tpu.memory_space<semaphore_mem>>)
    %scan3A_493 = arith.constant 0 : i32
    %scan3A_494 = arith.constant 19 : i32
    %scan3A_495 = arith.addi %scan3A_493, %scan3A_494 : i32
    %scan3A_496 = arith.constant 1 : i32
    scf.for %scan3A_564 = %scan3A_493 to %scan3A_495 step %scan3A_496  : i32 {
      %mul3A = arith.constant 8 : i32
      %mul3A_565 = arith.muli %scan3A_564, %mul3A : i32
      %add3A = arith.constant 8 : i32
      %add3A_566 = arith.addi %add3A, %mul3A_565 : i32
      %add3A_567 = arith.constant 0 : i32
      %add3A_568 = arith.addi %add3A_566, %add3A_567 : i32
      %dma_wait3A_569 = arith.constant 0 : i32
      %dma_wait3A_570 = arith.constant 0 : i32
      %dma_wait3A_571 = arith.constant 0 : i32
      %dma_wait3A_572 = arith.constant 0 : i32
      %dma_wait3A_573 = tpu.memref_slice %arg8[%dma_wait3A_569, %dma_wait3A_571, %dma_wait3A_572] : memref<8x128x32xf32, #tpu.memory_space<vmem>> -> memref<1x128x32xf32, #tpu.memory_space<vmem>>
      %dma_wait3A_574 = tpu.memref_squeeze %dma_wait3A_573 : memref<1x128x32xf32, #tpu.memory_space<vmem>> -> memref<128x32xf32, #tpu.memory_space<vmem>>
      %dma_wait3A_575 = arith.constant 0 : i32
      %dma_wait3A_576 = tpu.memref_slice %arg6[%add3A_568, %dma_wait3A_575] : memref<160x128xi32, #tpu.memory_space<vmem>> -> memref<1x128xi32, #tpu.memory_space<vmem>>
      %dma_wait3A_577 = tpu.memref_squeeze %dma_wait3A_576 : memref<1x128xi32, #tpu.memory_space<vmem>> -> memref<128xi32, #tpu.memory_space<vmem>>
      %dma_wait3A_578 = arith.constant 0 : i32
      %dma_wait3A_579 = arith.constant 0 : i32
      %dma_wait3A_580 = tpu.memref_slice %arg10[%dma_wait3A_578, %dma_wait3A_579] : memref<10240x32xf32, #tpu.memory_space<vmem_shared>> -> memref<10240x32xf32, #tpu.memory_space<vmem_shared>>
      %dma_wait3A_581 = tpu.memref_slice %arg11[%dma_wait3A_570] : memref<8x!tpu.dma_semaphore, #tpu.memory_space<semaphore_mem>> -> memref<1x!tpu.dma_semaphore, #tpu.memory_space<semaphore_mem>>
      %dma_wait3A_582 = tpu.memref_squeeze %dma_wait3A_581 : memref<1x!tpu.dma_semaphore, #tpu.memory_space<semaphore_mem>> -> memref<!tpu.dma_semaphore, #tpu.memory_space<semaphore_mem>>
      tpu.wait_indirect_dma semaphore(%dma_wait3A_582 : memref<!tpu.dma_semaphore, #tpu.memory_space<semaphore_mem>>) src(%dma_wait3A_580 : memref<10240x32xf32, #tpu.memory_space<vmem_shared>>) dst(%dma_wait3A_574 : memref<128x32xf32, #tpu.memory_space<vmem>>)
      %add3A_583 = arith.constant 0 : i32
      %add3A_584 = arith.addi %add3A_566, %add3A_583 : i32
      %dma_start3A_585 = arith.constant 0 : i32
      %dma_start3A_586 = arith.constant 0 : i32
      %dma_start3A_587 = arith.constant 0 : i32
      %dma_start3A_588 = arith.constant 0 : i32
      %dma_start3A_589 = tpu.memref_slice %arg8[%dma_start3A_585, %dma_start3A_587, %dma_start3A_588] : memref<8x128x32xf32, #tpu.memory_space<vmem>> -> memref<1x128x32xf32, #tpu.memory_space<vmem>>
      %dma_start3A_590 = tpu.memref_squeeze %dma_start3A_589 : memref<1x128x32xf32, #tpu.memory_space<vmem>> -> memref<128x32xf32, #tpu.memory_space<vmem>>
      %dma_start3A_591 = arith.constant 0 : i32
      %dma_start3A_592 = tpu.memref_slice %arg7[%add3A_584, %dma_start3A_591] : memref<160x128xi32, #tpu.memory_space<vmem>> -> memref<1x128xi32, #tpu.memory_space<vmem>>
      %dma_start3A_593 = tpu.memref_squeeze %dma_start3A_592 : memref<1x128xi32, #tpu.memory_space<vmem>> -> memref<128xi32, #tpu.memory_space<vmem>>
      %dma_start3A_594 = arith.constant 0 : i32
      %dma_start3A_595 = arith.constant 0 : i32
      %dma_start3A_596 = tpu.memref_slice %arg9[%dma_start3A_594, %dma_start3A_595] : memref<10240x32xf32, #tpu.memory_space<vmem_shared>> -> memref<10240x32xf32, #tpu.memory_space<vmem_shared>>
      %dma_start3A_597 = tpu.memref_slice %arg12[%dma_start3A_586] : memref<8x!tpu.dma_semaphore, #tpu.memory_space<semaphore_mem>> -> memref<1x!tpu.dma_semaphore, #tpu.memory_space<semaphore_mem>>
      %dma_start3A_598 = tpu.memref_squeeze %dma_start3A_597 : memref<1x!tpu.dma_semaphore, #tpu.memory_space<semaphore_mem>> -> memref<!tpu.dma_semaphore, #tpu.memory_space<semaphore_mem>>
      tpu.enqueue_indirect_dma source(%dma_start3A_590 : memref<128x32xf32, #tpu.memory_space<vmem>>) target(%dma_start3A_596 : memref<10240x32xf32, #tpu.memory_space<vmem_shared>>) offsets(%dma_start3A_593 : memref<128xi32, #tpu.memory_space<vmem>>) semaphore(%dma_start3A_598 : memref<!tpu.dma_semaphore, #tpu.memory_space<semaphore_mem>>) {add = true}
      %dma_wait3A_599 = arith.constant 4 : i32
      %dma_wait3A_600 = arith.constant 0 : i32
      %dma_wait3A_601 = arith.constant 4 : i32
      %dma_wait3A_602 = arith.constant 0 : i32
      %dma_wait3A_603 = arith.constant 0 : i32
      %dma_wait3A_604 = tpu.memref_slice %arg8[%dma_wait3A_599, %dma_wait3A_602, %dma_wait3A_603] : memref<8x128x32xf32, #tpu.memory_space<vmem>> -> memref<1x128x32xf32, #tpu.memory_space<vmem>>
      %dma_wait3A_605 = tpu.memref_squeeze %dma_wait3A_604 : memref<1x128x32xf32, #tpu.memory_space<vmem>> -> memref<128x32xf32, #tpu.memory_space<vmem>>
      %dma_wait3A_606 = arith.constant 0 : i32
      %dma_wait3A_607 = tpu.memref_slice %arg7[%dma_wait3A_600, %dma_wait3A_606] : memref<160x128xi32, #tpu.memory_space<vmem>> -> memref<1x128xi32, #tpu.memory_space<vmem>>
      %dma_wait3A_608 = tpu.memref_squeeze %dma_wait3A_607 : memref<1x128xi32, #tpu.memory_space<vmem>> -> memref<128xi32, #tpu.memory_space<vmem>>
      %dma_wait3A_609 = arith.constant 0 : i32
      %dma_wait3A_610 = arith.constant 0 : i32
      %dma_wait3A_611 = tpu.memref_slice %arg9[%dma_wait3A_609, %dma_wait3A_610] : memref<10240x32xf32, #tpu.memory_space<vmem_shared>> -> memref<10240x32xf32, #tpu.memory_space<vmem_shared>>
      %dma_wait3A_612 = tpu.memref_slice %arg12[%dma_wait3A_601] : memref<8x!tpu.dma_semaphore, #tpu.memory_space<semaphore_mem>> -> memref<1x!tpu.dma_semaphore, #tpu.memory_space<semaphore_mem>>
      %dma_wait3A_613 = tpu.memref_squeeze %dma_wait3A_612 : memref<1x!tpu.dma_semaphore, #tpu.memory_space<semaphore_mem>> -> memref<!tpu.dma_semaphore, #tpu.memory_space<semaphore_mem>>
      tpu.wait_indirect_dma semaphore(%dma_wait3A_613 : memref<!tpu.dma_semaphore, #tpu.memory_space<semaphore_mem>>) src(%dma_wait3A_605 : memref<128x32xf32, #tpu.memory_space<vmem>>) dst(%dma_wait3A_611 : memref<10240x32xf32, #tpu.memory_space<vmem_shared>>)
      %add3A_614 = arith.constant 0 : i32
      %add3A_615 = arith.addi %add3A_566, %add3A_614 : i32
      %add3A_616 = arith.constant 4 : i32
      %add3A_617 = arith.addi %add3A_615, %add3A_616 : i32
      %lt3A = arith.constant 160 : i32
      %lt3A_618 = arith.cmpi slt, %add3A_617, %lt3A : i32
      %convert_element_type3A = arith.extui %lt3A_618 : i1 to i32
      %cond3A = arith.constant 0 : i32
      %cond3A_619 = arith.cmpi ne, %convert_element_type3A, %cond3A : i32
      scf.if %cond3A_619 {
        %add3A_1012 = arith.constant 0 : i32
        %add3A_1013 = arith.addi %add3A_566, %add3A_1012 : i32
        %add3A_1014 = arith.constant 4 : i32
        %add3A_1015 = arith.addi %add3A_1013, %add3A_1014 : i32
        %dma_start3A_1016 = arith.constant 4 : i32
        %dma_start3A_1017 = arith.constant 4 : i32
        %dma_start3A_1018 = arith.constant 0 : i32
        %dma_start3A_1019 = arith.constant 0 : i32
        %dma_start3A_1020 = tpu.memref_slice %arg8[%dma_start3A_1016, %dma_start3A_1018, %dma_start3A_1019] : memref<8x128x32xf32, #tpu.memory_space<vmem>> -> memref<1x128x32xf32, #tpu.memory_space<vmem>>
        %dma_start3A_1021 = tpu.memref_squeeze %dma_start3A_1020 : memref<1x128x32xf32, #tpu.memory_space<vmem>> -> memref<128x32xf32, #tpu.memory_space<vmem>>
        %dma_start3A_1022 = arith.constant 0 : i32
        %dma_start3A_1023 = tpu.memref_slice %arg6[%add3A_1015, %dma_start3A_1022] : memref<160x128xi32, #tpu.memory_space<vmem>> -> memref<1x128xi32, #tpu.memory_space<vmem>>
        %dma_start3A_1024 = tpu.memref_squeeze %dma_start3A_1023 : memref<1x128xi32, #tpu.memory_space<vmem>> -> memref<128xi32, #tpu.memory_space<vmem>>
        %dma_start3A_1025 = arith.constant 0 : i32
        %dma_start3A_1026 = arith.constant 0 : i32
        %dma_start3A_1027 = tpu.memref_slice %arg10[%dma_start3A_1025, %dma_start3A_1026] : memref<10240x32xf32, #tpu.memory_space<vmem_shared>> -> memref<10240x32xf32, #tpu.memory_space<vmem_shared>>
        %dma_start3A_1028 = tpu.memref_slice %arg11[%dma_start3A_1017] : memref<8x!tpu.dma_semaphore, #tpu.memory_space<semaphore_mem>> -> memref<1x!tpu.dma_semaphore, #tpu.memory_space<semaphore_mem>>
        %dma_start3A_1029 = tpu.memref_squeeze %dma_start3A_1028 : memref<1x!tpu.dma_semaphore, #tpu.memory_space<semaphore_mem>> -> memref<!tpu.dma_semaphore, #tpu.memory_space<semaphore_mem>>
        tpu.enqueue_indirect_dma source(%dma_start3A_1027 : memref<10240x32xf32, #tpu.memory_space<vmem_shared>>) target(%dma_start3A_1021 : memref<128x32xf32, #tpu.memory_space<vmem>>) offsets(%dma_start3A_1024 : memref<128xi32, #tpu.memory_space<vmem>>) semaphore(%dma_start3A_1029 : memref<!tpu.dma_semaphore, #tpu.memory_space<semaphore_mem>>)
      } else {
      }
      %add3A_620 = arith.constant 1 : i32
      %add3A_621 = arith.addi %add3A_566, %add3A_620 : i32
      %dma_wait3A_622 = arith.constant 1 : i32
      %dma_wait3A_623 = arith.constant 1 : i32
      %dma_wait3A_624 = arith.constant 0 : i32
      %dma_wait3A_625 = arith.constant 0 : i32
      %dma_wait3A_626 = tpu.memref_slice %arg8[%dma_wait3A_622, %dma_wait3A_624, %dma_wait3A_625] : memref<8x128x32xf32, #tpu.memory_space<vmem>> -> memref<1x128x32xf32, #tpu.memory_space<vmem>>
      %dma_wait3A_627 = tpu.memref_squeeze %dma_wait3A_626 : memref<1x128x32xf32, #tpu.memory_space<vmem>> -> memref<128x32xf32, #tpu.memory_space<vmem>>
      %dma_wait3A_628 = arith.constant 0 : i32
      %dma_wait3A_629 = tpu.memref_slice %arg6[%add3A_621, %dma_wait3A_628] : memref<160x128xi32, #tpu.memory_space<vmem>> -> memref<1x128xi32, #tpu.memory_space<vmem>>
      %dma_wait3A_630 = tpu.memref_squeeze %dma_wait3A_629 : memref<1x128xi32, #tpu.memory_space<vmem>> -> memref<128xi32, #tpu.memory_space<vmem>>
      %dma_wait3A_631 = arith.constant 0 : i32
      %dma_wait3A_632 = arith.constant 0 : i32
      %dma_wait3A_633 = tpu.memref_slice %arg10[%dma_wait3A_631, %dma_wait3A_632] : memref<10240x32xf32, #tpu.memory_space<vmem_shared>> -> memref<10240x32xf32, #tpu.memory_space<vmem_shared>>
      %dma_wait3A_634 = tpu.memref_slice %arg11[%dma_wait3A_623] : memref<8x!tpu.dma_semaphore, #tpu.memory_space<semaphore_mem>> -> memref<1x!tpu.dma_semaphore, #tpu.memory_space<semaphore_mem>>
      %dma_wait3A_635 = tpu.memref_squeeze %dma_wait3A_634 : memref<1x!tpu.dma_semaphore, #tpu.memory_space<semaphore_mem>> -> memref<!tpu.dma_semaphore, #tpu.memory_space<semaphore_mem>>
      tpu.wait_indirect_dma semaphore(%dma_wait3A_635 : memref<!tpu.dma_semaphore, #tpu.memory_space<semaphore_mem>>) src(%dma_wait3A_633 : memref<10240x32xf32, #tpu.memory_space<vmem_shared>>) dst(%dma_wait3A_627 : memref<128x32xf32, #tpu.memory_space<vmem>>)
      %add3A_636 = arith.constant 1 : i32
      %add3A_637 = arith.addi %add3A_566, %add3A_636 : i32
      %dma_start3A_638 = arith.constant 1 : i32
      %dma_start3A_639 = arith.constant 1 : i32
      %dma_start3A_640 = arith.constant 0 : i32
      %dma_start3A_641 = arith.constant 0 : i32
      %dma_start3A_642 = tpu.memref_slice %arg8[%dma_start3A_638, %dma_start3A_640, %dma_start3A_641] : memref<8x128x32xf32, #tpu.memory_space<vmem>> -> memref<1x128x32xf32, #tpu.memory_space<vmem>>
      %dma_start3A_643 = tpu.memref_squeeze %dma_start3A_642 : memref<1x128x32xf32, #tpu.memory_space<vmem>> -> memref<128x32xf32, #tpu.memory_space<vmem>>
      %dma_start3A_644 = arith.constant 0 : i32
      %dma_start3A_645 = tpu.memref_slice %arg7[%add3A_637, %dma_start3A_644] : memref<160x128xi32, #tpu.memory_space<vmem>> -> memref<1x128xi32, #tpu.memory_space<vmem>>
      %dma_start3A_646 = tpu.memref_squeeze %dma_start3A_645 : memref<1x128xi32, #tpu.memory_space<vmem>> -> memref<128xi32, #tpu.memory_space<vmem>>
      %dma_start3A_647 = arith.constant 0 : i32
      %dma_start3A_648 = arith.constant 0 : i32
      %dma_start3A_649 = tpu.memref_slice %arg9[%dma_start3A_647, %dma_start3A_648] : memref<10240x32xf32, #tpu.memory_space<vmem_shared>> -> memref<10240x32xf32, #tpu.memory_space<vmem_shared>>
      %dma_start3A_650 = tpu.memref_slice %arg12[%dma_start3A_639] : memref<8x!tpu.dma_semaphore, #tpu.memory_space<semaphore_mem>> -> memref<1x!tpu.dma_semaphore, #tpu.memory_space<semaphore_mem>>
      %dma_start3A_651 = tpu.memref_squeeze %dma_start3A_650 : memref<1x!tpu.dma_semaphore, #tpu.memory_space<semaphore_mem>> -> memref<!tpu.dma_semaphore, #tpu.memory_space<semaphore_mem>>
      tpu.enqueue_indirect_dma source(%dma_start3A_643 : memref<128x32xf32, #tpu.memory_space<vmem>>) target(%dma_start3A_649 : memref<10240x32xf32, #tpu.memory_space<vmem_shared>>) offsets(%dma_start3A_646 : memref<128xi32, #tpu.memory_space<vmem>>) semaphore(%dma_start3A_651 : memref<!tpu.dma_semaphore, #tpu.memory_space<semaphore_mem>>) {add = true}
      %dma_wait3A_652 = arith.constant 5 : i32
      %dma_wait3A_653 = arith.constant 0 : i32
      %dma_wait3A_654 = arith.constant 5 : i32
      %dma_wait3A_655 = arith.constant 0 : i32
      %dma_wait3A_656 = arith.constant 0 : i32
      %dma_wait3A_657 = tpu.memref_slice %arg8[%dma_wait3A_652, %dma_wait3A_655, %dma_wait3A_656] : memref<8x128x32xf32, #tpu.memory_space<vmem>> -> memref<1x128x32xf32, #tpu.memory_space<vmem>>
      %dma_wait3A_658 = tpu.memref_squeeze %dma_wait3A_657 : memref<1x128x32xf32, #tpu.memory_space<vmem>> -> memref<128x32xf32, #tpu.memory_space<vmem>>
      %dma_wait3A_659 = arith.constant 0 : i32
      %dma_wait3A_660 = tpu.memref_slice %arg7[%dma_wait3A_653, %dma_wait3A_659] : memref<160x128xi32, #tpu.memory_space<vmem>> -> memref<1x128xi32, #tpu.memory_space<vmem>>
      %dma_wait3A_661 = tpu.memref_squeeze %dma_wait3A_660 : memref<1x128xi32, #tpu.memory_space<vmem>> -> memref<128xi32, #tpu.memory_space<vmem>>
      %dma_wait3A_662 = arith.constant 0 : i32
      %dma_wait3A_663 = arith.constant 0 : i32
      %dma_wait3A_664 = tpu.memref_slice %arg9[%dma_wait3A_662, %dma_wait3A_663] : memref<10240x32xf32, #tpu.memory_space<vmem_shared>> -> memref<10240x32xf32, #tpu.memory_space<vmem_shared>>
      %dma_wait3A_665 = tpu.memref_slice %arg12[%dma_wait3A_654] : memref<8x!tpu.dma_semaphore, #tpu.memory_space<semaphore_mem>> -> memref<1x!tpu.dma_semaphore, #tpu.memory_space<semaphore_mem>>
      %dma_wait3A_666 = tpu.memref_squeeze %dma_wait3A_665 : memref<1x!tpu.dma_semaphore, #tpu.memory_space<semaphore_mem>> -> memref<!tpu.dma_semaphore, #tpu.memory_space<semaphore_mem>>
      tpu.wait_indirect_dma semaphore(%dma_wait3A_666 : memref<!tpu.dma_semaphore, #tpu.memory_space<semaphore_mem>>) src(%dma_wait3A_658 : memref<128x32xf32, #tpu.memory_space<vmem>>) dst(%dma_wait3A_664 : memref<10240x32xf32, #tpu.memory_space<vmem_shared>>)
      %add3A_667 = arith.constant 1 : i32
      %add3A_668 = arith.addi %add3A_566, %add3A_667 : i32
      %add3A_669 = arith.constant 4 : i32
      %add3A_670 = arith.addi %add3A_668, %add3A_669 : i32
      %lt3A_671 = arith.constant 160 : i32
      %lt3A_672 = arith.cmpi slt, %add3A_670, %lt3A_671 : i32
      %convert_element_type3A_673 = arith.extui %lt3A_672 : i1 to i32
      %cond3A_674 = arith.constant 0 : i32
      %cond3A_675 = arith.cmpi ne, %convert_element_type3A_673, %cond3A_674 : i32
      scf.if %cond3A_675 {
        %add3A_1012 = arith.constant 1 : i32
        %add3A_1013 = arith.addi %add3A_566, %add3A_1012 : i32
        %add3A_1014 = arith.constant 4 : i32
        %add3A_1015 = arith.addi %add3A_1013, %add3A_1014 : i32
        %dma_start3A_1016 = arith.constant 5 : i32
        %dma_start3A_1017 = arith.constant 5 : i32
        %dma_start3A_1018 = arith.constant 0 : i32
        %dma_start3A_1019 = arith.constant 0 : i32
        %dma_start3A_1020 = tpu.memref_slice %arg8[%dma_start3A_1016, %dma_start3A_1018, %dma_start3A_1019] : memref<8x128x32xf32, #tpu.memory_space<vmem>> -> memref<1x128x32xf32, #tpu.memory_space<vmem>>
        %dma_start3A_1021 = tpu.memref_squeeze %dma_start3A_1020 : memref<1x128x32xf32, #tpu.memory_space<vmem>> -> memref<128x32xf32, #tpu.memory_space<vmem>>
        %dma_start3A_1022 = arith.constant 0 : i32
        %dma_start3A_1023 = tpu.memref_slice %arg6[%add3A_1015, %dma_start3A_1022] : memref<160x128xi32, #tpu.memory_space<vmem>> -> memref<1x128xi32, #tpu.memory_space<vmem>>
        %dma_start3A_1024 = tpu.memref_squeeze %dma_start3A_1023 : memref<1x128xi32, #tpu.memory_space<vmem>> -> memref<128xi32, #tpu.memory_space<vmem>>
        %dma_start3A_1025 = arith.constant 0 : i32
        %dma_start3A_1026 = arith.constant 0 : i32
        %dma_start3A_1027 = tpu.memref_slice %arg10[%dma_start3A_1025, %dma_start3A_1026] : memref<10240x32xf32, #tpu.memory_space<vmem_shared>> -> memref<10240x32xf32, #tpu.memory_space<vmem_shared>>
        %dma_start3A_1028 = tpu.memref_slice %arg11[%dma_start3A_1017] : memref<8x!tpu.dma_semaphore, #tpu.memory_space<semaphore_mem>> -> memref<1x!tpu.dma_semaphore, #tpu.memory_space<semaphore_mem>>
        %dma_start3A_1029 = tpu.memref_squeeze %dma_start3A_1028 : memref<1x!tpu.dma_semaphore, #tpu.memory_space<semaphore_mem>> -> memref<!tpu.dma_semaphore, #tpu.memory_space<semaphore_mem>>
        tpu.enqueue_indirect_dma source(%dma_start3A_1027 : memref<10240x32xf32, #tpu.memory_space<vmem_shared>>) target(%dma_start3A_1021 : memref<128x32xf32, #tpu.memory_space<vmem>>) offsets(%dma_start3A_1024 : memref<128xi32, #tpu.memory_space<vmem>>) semaphore(%dma_start3A_1029 : memref<!tpu.dma_semaphore, #tpu.memory_space<semaphore_mem>>)
      } else {
      }
      %add3A_676 = arith.constant 2 : i32
      %add3A_677 = arith.addi %add3A_566, %add3A_676 : i32
      %dma_wait3A_678 = arith.constant 2 : i32
      %dma_wait3A_679 = arith.constant 2 : i32
      %dma_wait3A_680 = arith.constant 0 : i32
      %dma_wait3A_681 = arith.constant 0 : i32
      %dma_wait3A_682 = tpu.memref_slice %arg8[%dma_wait3A_678, %dma_wait3A_680, %dma_wait3A_681] : memref<8x128x32xf32, #tpu.memory_space<vmem>> -> memref<1x128x32xf32, #tpu.memory_space<vmem>>
      %dma_wait3A_683 = tpu.memref_squeeze %dma_wait3A_682 : memref<1x128x32xf32, #tpu.memory_space<vmem>> -> memref<128x32xf32, #tpu.memory_space<vmem>>
      %dma_wait3A_684 = arith.constant 0 : i32
      %dma_wait3A_685 = tpu.memref_slice %arg6[%add3A_677, %dma_wait3A_684] : memref<160x128xi32, #tpu.memory_space<vmem>> -> memref<1x128xi32, #tpu.memory_space<vmem>>
      %dma_wait3A_686 = tpu.memref_squeeze %dma_wait3A_685 : memref<1x128xi32, #tpu.memory_space<vmem>> -> memref<128xi32, #tpu.memory_space<vmem>>
      %dma_wait3A_687 = arith.constant 0 : i32
      %dma_wait3A_688 = arith.constant 0 : i32
      %dma_wait3A_689 = tpu.memref_slice %arg10[%dma_wait3A_687, %dma_wait3A_688] : memref<10240x32xf32, #tpu.memory_space<vmem_shared>> -> memref<10240x32xf32, #tpu.memory_space<vmem_shared>>
      %dma_wait3A_690 = tpu.memref_slice %arg11[%dma_wait3A_679] : memref<8x!tpu.dma_semaphore, #tpu.memory_space<semaphore_mem>> -> memref<1x!tpu.dma_semaphore, #tpu.memory_space<semaphore_mem>>
      %dma_wait3A_691 = tpu.memref_squeeze %dma_wait3A_690 : memref<1x!tpu.dma_semaphore, #tpu.memory_space<semaphore_mem>> -> memref<!tpu.dma_semaphore, #tpu.memory_space<semaphore_mem>>
      tpu.wait_indirect_dma semaphore(%dma_wait3A_691 : memref<!tpu.dma_semaphore, #tpu.memory_space<semaphore_mem>>) src(%dma_wait3A_689 : memref<10240x32xf32, #tpu.memory_space<vmem_shared>>) dst(%dma_wait3A_683 : memref<128x32xf32, #tpu.memory_space<vmem>>)
      %add3A_692 = arith.constant 2 : i32
      %add3A_693 = arith.addi %add3A_566, %add3A_692 : i32
      %dma_start3A_694 = arith.constant 2 : i32
      %dma_start3A_695 = arith.constant 2 : i32
      %dma_start3A_696 = arith.constant 0 : i32
      %dma_start3A_697 = arith.constant 0 : i32
      %dma_start3A_698 = tpu.memref_slice %arg8[%dma_start3A_694, %dma_start3A_696, %dma_start3A_697] : memref<8x128x32xf32, #tpu.memory_space<vmem>> -> memref<1x128x32xf32, #tpu.memory_space<vmem>>
      %dma_start3A_699 = tpu.memref_squeeze %dma_start3A_698 : memref<1x128x32xf32, #tpu.memory_space<vmem>> -> memref<128x32xf32, #tpu.memory_space<vmem>>
      %dma_start3A_700 = arith.constant 0 : i32
      %dma_start3A_701 = tpu.memref_slice %arg7[%add3A_693, %dma_start3A_700] : memref<160x128xi32, #tpu.memory_space<vmem>> -> memref<1x128xi32, #tpu.memory_space<vmem>>
      %dma_start3A_702 = tpu.memref_squeeze %dma_start3A_701 : memref<1x128xi32, #tpu.memory_space<vmem>> -> memref<128xi32, #tpu.memory_space<vmem>>
      %dma_start3A_703 = arith.constant 0 : i32
      %dma_start3A_704 = arith.constant 0 : i32
      %dma_start3A_705 = tpu.memref_slice %arg9[%dma_start3A_703, %dma_start3A_704] : memref<10240x32xf32, #tpu.memory_space<vmem_shared>> -> memref<10240x32xf32, #tpu.memory_space<vmem_shared>>
      %dma_start3A_706 = tpu.memref_slice %arg12[%dma_start3A_695] : memref<8x!tpu.dma_semaphore, #tpu.memory_space<semaphore_mem>> -> memref<1x!tpu.dma_semaphore, #tpu.memory_space<semaphore_mem>>
      %dma_start3A_707 = tpu.memref_squeeze %dma_start3A_706 : memref<1x!tpu.dma_semaphore, #tpu.memory_space<semaphore_mem>> -> memref<!tpu.dma_semaphore, #tpu.memory_space<semaphore_mem>>
      tpu.enqueue_indirect_dma source(%dma_start3A_699 : memref<128x32xf32, #tpu.memory_space<vmem>>) target(%dma_start3A_705 : memref<10240x32xf32, #tpu.memory_space<vmem_shared>>) offsets(%dma_start3A_702 : memref<128xi32, #tpu.memory_space<vmem>>) semaphore(%dma_start3A_707 : memref<!tpu.dma_semaphore, #tpu.memory_space<semaphore_mem>>) {add = true}
      %dma_wait3A_708 = arith.constant 6 : i32
      %dma_wait3A_709 = arith.constant 0 : i32
      %dma_wait3A_710 = arith.constant 6 : i32
      %dma_wait3A_711 = arith.constant 0 : i32
      %dma_wait3A_712 = arith.constant 0 : i32
      %dma_wait3A_713 = tpu.memref_slice %arg8[%dma_wait3A_708, %dma_wait3A_711, %dma_wait3A_712] : memref<8x128x32xf32, #tpu.memory_space<vmem>> -> memref<1x128x32xf32, #tpu.memory_space<vmem>>
      %dma_wait3A_714 = tpu.memref_squeeze %dma_wait3A_713 : memref<1x128x32xf32, #tpu.memory_space<vmem>> -> memref<128x32xf32, #tpu.memory_space<vmem>>
      %dma_wait3A_715 = arith.constant 0 : i32
      %dma_wait3A_716 = tpu.memref_slice %arg7[%dma_wait3A_709, %dma_wait3A_715] : memref<160x128xi32, #tpu.memory_space<vmem>> -> memref<1x128xi32, #tpu.memory_space<vmem>>
      %dma_wait3A_717 = tpu.memref_squeeze %dma_wait3A_716 : memref<1x128xi32, #tpu.memory_space<vmem>> -> memref<128xi32, #tpu.memory_space<vmem>>
      %dma_wait3A_718 = arith.constant 0 : i32
      %dma_wait3A_719 = arith.constant 0 : i32
      %dma_wait3A_720 = tpu.memref_slice %arg9[%dma_wait3A_718, %dma_wait3A_719] : memref<10240x32xf32, #tpu.memory_space<vmem_shared>> -> memref<10240x32xf32, #tpu.memory_space<vmem_shared>>
      %dma_wait3A_721 = tpu.memref_slice %arg12[%dma_wait3A_710] : memref<8x!tpu.dma_semaphore, #tpu.memory_space<semaphore_mem>> -> memref<1x!tpu.dma_semaphore, #tpu.memory_space<semaphore_mem>>
      %dma_wait3A_722 = tpu.memref_squeeze %dma_wait3A_721 : memref<1x!tpu.dma_semaphore, #tpu.memory_space<semaphore_mem>> -> memref<!tpu.dma_semaphore, #tpu.memory_space<semaphore_mem>>
      tpu.wait_indirect_dma semaphore(%dma_wait3A_722 : memref<!tpu.dma_semaphore, #tpu.memory_space<semaphore_mem>>) src(%dma_wait3A_714 : memref<128x32xf32, #tpu.memory_space<vmem>>) dst(%dma_wait3A_720 : memref<10240x32xf32, #tpu.memory_space<vmem_shared>>)
      %add3A_723 = arith.constant 2 : i32
      %add3A_724 = arith.addi %add3A_566, %add3A_723 : i32
      %add3A_725 = arith.constant 4 : i32
      %add3A_726 = arith.addi %add3A_724, %add3A_725 : i32
      %lt3A_727 = arith.constant 160 : i32
      %lt3A_728 = arith.cmpi slt, %add3A_726, %lt3A_727 : i32
      %convert_element_type3A_729 = arith.extui %lt3A_728 : i1 to i32
      %cond3A_730 = arith.constant 0 : i32
      %cond3A_731 = arith.cmpi ne, %convert_element_type3A_729, %cond3A_730 : i32
      scf.if %cond3A_731 {
        %add3A_1012 = arith.constant 2 : i32
        %add3A_1013 = arith.addi %add3A_566, %add3A_1012 : i32
        %add3A_1014 = arith.constant 4 : i32
        %add3A_1015 = arith.addi %add3A_1013, %add3A_1014 : i32
        %dma_start3A_1016 = arith.constant 6 : i32
        %dma_start3A_1017 = arith.constant 6 : i32
        %dma_start3A_1018 = arith.constant 0 : i32
        %dma_start3A_1019 = arith.constant 0 : i32
        %dma_start3A_1020 = tpu.memref_slice %arg8[%dma_start3A_1016, %dma_start3A_1018, %dma_start3A_1019] : memref<8x128x32xf32, #tpu.memory_space<vmem>> -> memref<1x128x32xf32, #tpu.memory_space<vmem>>
        %dma_start3A_1021 = tpu.memref_squeeze %dma_start3A_1020 : memref<1x128x32xf32, #tpu.memory_space<vmem>> -> memref<128x32xf32, #tpu.memory_space<vmem>>
        %dma_start3A_1022 = arith.constant 0 : i32
        %dma_start3A_1023 = tpu.memref_slice %arg6[%add3A_1015, %dma_start3A_1022] : memref<160x128xi32, #tpu.memory_space<vmem>> -> memref<1x128xi32, #tpu.memory_space<vmem>>
        %dma_start3A_1024 = tpu.memref_squeeze %dma_start3A_1023 : memref<1x128xi32, #tpu.memory_space<vmem>> -> memref<128xi32, #tpu.memory_space<vmem>>
        %dma_start3A_1025 = arith.constant 0 : i32
        %dma_start3A_1026 = arith.constant 0 : i32
        %dma_start3A_1027 = tpu.memref_slice %arg10[%dma_start3A_1025, %dma_start3A_1026] : memref<10240x32xf32, #tpu.memory_space<vmem_shared>> -> memref<10240x32xf32, #tpu.memory_space<vmem_shared>>
        %dma_start3A_1028 = tpu.memref_slice %arg11[%dma_start3A_1017] : memref<8x!tpu.dma_semaphore, #tpu.memory_space<semaphore_mem>> -> memref<1x!tpu.dma_semaphore, #tpu.memory_space<semaphore_mem>>
        %dma_start3A_1029 = tpu.memref_squeeze %dma_start3A_1028 : memref<1x!tpu.dma_semaphore, #tpu.memory_space<semaphore_mem>> -> memref<!tpu.dma_semaphore, #tpu.memory_space<semaphore_mem>>
        tpu.enqueue_indirect_dma source(%dma_start3A_1027 : memref<10240x32xf32, #tpu.memory_space<vmem_shared>>) target(%dma_start3A_1021 : memref<128x32xf32, #tpu.memory_space<vmem>>) offsets(%dma_start3A_1024 : memref<128xi32, #tpu.memory_space<vmem>>) semaphore(%dma_start3A_1029 : memref<!tpu.dma_semaphore, #tpu.memory_space<semaphore_mem>>)
      } else {
      }
      %add3A_732 = arith.constant 3 : i32
      %add3A_733 = arith.addi %add3A_566, %add3A_732 : i32
      %dma_wait3A_734 = arith.constant 3 : i32
      %dma_wait3A_735 = arith.constant 3 : i32
      %dma_wait3A_736 = arith.constant 0 : i32
      %dma_wait3A_737 = arith.constant 0 : i32
      %dma_wait3A_738 = tpu.memref_slice %arg8[%dma_wait3A_734, %dma_wait3A_736, %dma_wait3A_737] : memref<8x128x32xf32, #tpu.memory_space<vmem>> -> memref<1x128x32xf32, #tpu.memory_space<vmem>>
      %dma_wait3A_739 = tpu.memref_squeeze %dma_wait3A_738 : memref<1x128x32xf32, #tpu.memory_space<vmem>> -> memref<128x32xf32, #tpu.memory_space<vmem>>
      %dma_wait3A_740 = arith.constant 0 : i32
      %dma_wait3A_741 = tpu.memref_slice %arg6[%add3A_733, %dma_wait3A_740] : memref<160x128xi32, #tpu.memory_space<vmem>> -> memref<1x128xi32, #tpu.memory_space<vmem>>
      %dma_wait3A_742 = tpu.memref_squeeze %dma_wait3A_741 : memref<1x128xi32, #tpu.memory_space<vmem>> -> memref<128xi32, #tpu.memory_space<vmem>>
      %dma_wait3A_743 = arith.constant 0 : i32
      %dma_wait3A_744 = arith.constant 0 : i32
      %dma_wait3A_745 = tpu.memref_slice %arg10[%dma_wait3A_743, %dma_wait3A_744] : memref<10240x32xf32, #tpu.memory_space<vmem_shared>> -> memref<10240x32xf32, #tpu.memory_space<vmem_shared>>
      %dma_wait3A_746 = tpu.memref_slice %arg11[%dma_wait3A_735] : memref<8x!tpu.dma_semaphore, #tpu.memory_space<semaphore_mem>> -> memref<1x!tpu.dma_semaphore, #tpu.memory_space<semaphore_mem>>
      %dma_wait3A_747 = tpu.memref_squeeze %dma_wait3A_746 : memref<1x!tpu.dma_semaphore, #tpu.memory_space<semaphore_mem>> -> memref<!tpu.dma_semaphore, #tpu.memory_space<semaphore_mem>>
      tpu.wait_indirect_dma semaphore(%dma_wait3A_747 : memref<!tpu.dma_semaphore, #tpu.memory_space<semaphore_mem>>) src(%dma_wait3A_745 : memref<10240x32xf32, #tpu.memory_space<vmem_shared>>) dst(%dma_wait3A_739 : memref<128x32xf32, #tpu.memory_space<vmem>>)
      %add3A_748 = arith.constant 3 : i32
      %add3A_749 = arith.addi %add3A_566, %add3A_748 : i32
      %dma_start3A_750 = arith.constant 3 : i32
      %dma_start3A_751 = arith.constant 3 : i32
      %dma_start3A_752 = arith.constant 0 : i32
      %dma_start3A_753 = arith.constant 0 : i32
      %dma_start3A_754 = tpu.memref_slice %arg8[%dma_start3A_750, %dma_start3A_752, %dma_start3A_753] : memref<8x128x32xf32, #tpu.memory_space<vmem>> -> memref<1x128x32xf32, #tpu.memory_space<vmem>>
      %dma_start3A_755 = tpu.memref_squeeze %dma_start3A_754 : memref<1x128x32xf32, #tpu.memory_space<vmem>> -> memref<128x32xf32, #tpu.memory_space<vmem>>
      %dma_start3A_756 = arith.constant 0 : i32
      %dma_start3A_757 = tpu.memref_slice %arg7[%add3A_749, %dma_start3A_756] : memref<160x128xi32, #tpu.memory_space<vmem>> -> memref<1x128xi32, #tpu.memory_space<vmem>>
      %dma_start3A_758 = tpu.memref_squeeze %dma_start3A_757 : memref<1x128xi32, #tpu.memory_space<vmem>> -> memref<128xi32, #tpu.memory_space<vmem>>
      %dma_start3A_759 = arith.constant 0 : i32
      %dma_start3A_760 = arith.constant 0 : i32
      %dma_start3A_761 = tpu.memref_slice %arg9[%dma_start3A_759, %dma_start3A_760] : memref<10240x32xf32, #tpu.memory_space<vmem_shared>> -> memref<10240x32xf32, #tpu.memory_space<vmem_shared>>
      %dma_start3A_762 = tpu.memref_slice %arg12[%dma_start3A_751] : memref<8x!tpu.dma_semaphore, #tpu.memory_space<semaphore_mem>> -> memref<1x!tpu.dma_semaphore, #tpu.memory_space<semaphore_mem>>
      %dma_start3A_763 = tpu.memref_squeeze %dma_start3A_762 : memref<1x!tpu.dma_semaphore, #tpu.memory_space<semaphore_mem>> -> memref<!tpu.dma_semaphore, #tpu.memory_space<semaphore_mem>>
      tpu.enqueue_indirect_dma source(%dma_start3A_755 : memref<128x32xf32, #tpu.memory_space<vmem>>) target(%dma_start3A_761 : memref<10240x32xf32, #tpu.memory_space<vmem_shared>>) offsets(%dma_start3A_758 : memref<128xi32, #tpu.memory_space<vmem>>) semaphore(%dma_start3A_763 : memref<!tpu.dma_semaphore, #tpu.memory_space<semaphore_mem>>) {add = true}
      %dma_wait3A_764 = arith.constant 7 : i32
      %dma_wait3A_765 = arith.constant 0 : i32
      %dma_wait3A_766 = arith.constant 7 : i32
      %dma_wait3A_767 = arith.constant 0 : i32
      %dma_wait3A_768 = arith.constant 0 : i32
      %dma_wait3A_769 = tpu.memref_slice %arg8[%dma_wait3A_764, %dma_wait3A_767, %dma_wait3A_768] : memref<8x128x32xf32, #tpu.memory_space<vmem>> -> memref<1x128x32xf32, #tpu.memory_space<vmem>>
      %dma_wait3A_770 = tpu.memref_squeeze %dma_wait3A_769 : memref<1x128x32xf32, #tpu.memory_space<vmem>> -> memref<128x32xf32, #tpu.memory_space<vmem>>
      %dma_wait3A_771 = arith.constant 0 : i32
      %dma_wait3A_772 = tpu.memref_slice %arg7[%dma_wait3A_765, %dma_wait3A_771] : memref<160x128xi32, #tpu.memory_space<vmem>> -> memref<1x128xi32, #tpu.memory_space<vmem>>
      %dma_wait3A_773 = tpu.memref_squeeze %dma_wait3A_772 : memref<1x128xi32, #tpu.memory_space<vmem>> -> memref<128xi32, #tpu.memory_space<vmem>>
      %dma_wait3A_774 = arith.constant 0 : i32
      %dma_wait3A_775 = arith.constant 0 : i32
      %dma_wait3A_776 = tpu.memref_slice %arg9[%dma_wait3A_774, %dma_wait3A_775] : memref<10240x32xf32, #tpu.memory_space<vmem_shared>> -> memref<10240x32xf32, #tpu.memory_space<vmem_shared>>
      %dma_wait3A_777 = tpu.memref_slice %arg12[%dma_wait3A_766] : memref<8x!tpu.dma_semaphore, #tpu.memory_space<semaphore_mem>> -> memref<1x!tpu.dma_semaphore, #tpu.memory_space<semaphore_mem>>
      %dma_wait3A_778 = tpu.memref_squeeze %dma_wait3A_777 : memref<1x!tpu.dma_semaphore, #tpu.memory_space<semaphore_mem>> -> memref<!tpu.dma_semaphore, #tpu.memory_space<semaphore_mem>>
      tpu.wait_indirect_dma semaphore(%dma_wait3A_778 : memref<!tpu.dma_semaphore, #tpu.memory_space<semaphore_mem>>) src(%dma_wait3A_770 : memref<128x32xf32, #tpu.memory_space<vmem>>) dst(%dma_wait3A_776 : memref<10240x32xf32, #tpu.memory_space<vmem_shared>>)
      %add3A_779 = arith.constant 3 : i32
      %add3A_780 = arith.addi %add3A_566, %add3A_779 : i32
      %add3A_781 = arith.constant 4 : i32
      %add3A_782 = arith.addi %add3A_780, %add3A_781 : i32
      %lt3A_783 = arith.constant 160 : i32
      %lt3A_784 = arith.cmpi slt, %add3A_782, %lt3A_783 : i32
      %convert_element_type3A_785 = arith.extui %lt3A_784 : i1 to i32
      %cond3A_786 = arith.constant 0 : i32
      %cond3A_787 = arith.cmpi ne, %convert_element_type3A_785, %cond3A_786 : i32
      scf.if %cond3A_787 {
        %add3A_1012 = arith.constant 3 : i32
        %add3A_1013 = arith.addi %add3A_566, %add3A_1012 : i32
        %add3A_1014 = arith.constant 4 : i32
        %add3A_1015 = arith.addi %add3A_1013, %add3A_1014 : i32
        %dma_start3A_1016 = arith.constant 7 : i32
        %dma_start3A_1017 = arith.constant 7 : i32
        %dma_start3A_1018 = arith.constant 0 : i32
        %dma_start3A_1019 = arith.constant 0 : i32
        %dma_start3A_1020 = tpu.memref_slice %arg8[%dma_start3A_1016, %dma_start3A_1018, %dma_start3A_1019] : memref<8x128x32xf32, #tpu.memory_space<vmem>> -> memref<1x128x32xf32, #tpu.memory_space<vmem>>
        %dma_start3A_1021 = tpu.memref_squeeze %dma_start3A_1020 : memref<1x128x32xf32, #tpu.memory_space<vmem>> -> memref<128x32xf32, #tpu.memory_space<vmem>>
        %dma_start3A_1022 = arith.constant 0 : i32
        %dma_start3A_1023 = tpu.memref_slice %arg6[%add3A_1015, %dma_start3A_1022] : memref<160x128xi32, #tpu.memory_space<vmem>> -> memref<1x128xi32, #tpu.memory_space<vmem>>
        %dma_start3A_1024 = tpu.memref_squeeze %dma_start3A_1023 : memref<1x128xi32, #tpu.memory_space<vmem>> -> memref<128xi32, #tpu.memory_space<vmem>>
        %dma_start3A_1025 = arith.constant 0 : i32
        %dma_start3A_1026 = arith.constant 0 : i32
        %dma_start3A_1027 = tpu.memref_slice %arg10[%dma_start3A_1025, %dma_start3A_1026] : memref<10240x32xf32, #tpu.memory_space<vmem_shared>> -> memref<10240x32xf32, #tpu.memory_space<vmem_shared>>
        %dma_start3A_1028 = tpu.memref_slice %arg11[%dma_start3A_1017] : memref<8x!tpu.dma_semaphore, #tpu.memory_space<semaphore_mem>> -> memref<1x!tpu.dma_semaphore, #tpu.memory_space<semaphore_mem>>
        %dma_start3A_1029 = tpu.memref_squeeze %dma_start3A_1028 : memref<1x!tpu.dma_semaphore, #tpu.memory_space<semaphore_mem>> -> memref<!tpu.dma_semaphore, #tpu.memory_space<semaphore_mem>>
        tpu.enqueue_indirect_dma source(%dma_start3A_1027 : memref<10240x32xf32, #tpu.memory_space<vmem_shared>>) target(%dma_start3A_1021 : memref<128x32xf32, #tpu.memory_space<vmem>>) offsets(%dma_start3A_1024 : memref<128xi32, #tpu.memory_space<vmem>>) semaphore(%dma_start3A_1029 : memref<!tpu.dma_semaphore, #tpu.memory_space<semaphore_mem>>)
      } else {
      }
      %add3A_788 = arith.constant 4 : i32
      %add3A_789 = arith.addi %add3A_566, %add3A_788 : i32
      %dma_wait3A_790 = arith.constant 4 : i32
      %dma_wait3A_791 = arith.constant 4 : i32
      %dma_wait3A_792 = arith.constant 0 : i32
      %dma_wait3A_793 = arith.constant 0 : i32
      %dma_wait3A_794 = tpu.memref_slice %arg8[%dma_wait3A_790, %dma_wait3A_792, %dma_wait3A_793] : memref<8x128x32xf32, #tpu.memory_space<vmem>> -> memref<1x128x32xf32, #tpu.memory_space<vmem>>
      %dma_wait3A_795 = tpu.memref_squeeze %dma_wait3A_794 : memref<1x128x32xf32, #tpu.memory_space<vmem>> -> memref<128x32xf32, #tpu.memory_space<vmem>>
      %dma_wait3A_796 = arith.constant 0 : i32
      %dma_wait3A_797 = tpu.memref_slice %arg6[%add3A_789, %dma_wait3A_796] : memref<160x128xi32, #tpu.memory_space<vmem>> -> memref<1x128xi32, #tpu.memory_space<vmem>>
      %dma_wait3A_798 = tpu.memref_squeeze %dma_wait3A_797 : memref<1x128xi32, #tpu.memory_space<vmem>> -> memref<128xi32, #tpu.memory_space<vmem>>
      %dma_wait3A_799 = arith.constant 0 : i32
      %dma_wait3A_800 = arith.constant 0 : i32
      %dma_wait3A_801 = tpu.memref_slice %arg10[%dma_wait3A_799, %dma_wait3A_800] : memref<10240x32xf32, #tpu.memory_space<vmem_shared>> -> memref<10240x32xf32, #tpu.memory_space<vmem_shared>>
      %dma_wait3A_802 = tpu.memref_slice %arg11[%dma_wait3A_791] : memref<8x!tpu.dma_semaphore, #tpu.memory_space<semaphore_mem>> -> memref<1x!tpu.dma_semaphore, #tpu.memory_space<semaphore_mem>>
      %dma_wait3A_803 = tpu.memref_squeeze %dma_wait3A_802 : memref<1x!tpu.dma_semaphore, #tpu.memory_space<semaphore_mem>> -> memref<!tpu.dma_semaphore, #tpu.memory_space<semaphore_mem>>
      tpu.wait_indirect_dma semaphore(%dma_wait3A_803 : memref<!tpu.dma_semaphore, #tpu.memory_space<semaphore_mem>>) src(%dma_wait3A_801 : memref<10240x32xf32, #tpu.memory_space<vmem_shared>>) dst(%dma_wait3A_795 : memref<128x32xf32, #tpu.memory_space<vmem>>)
      %add3A_804 = arith.constant 4 : i32
      %add3A_805 = arith.addi %add3A_566, %add3A_804 : i32
      %dma_start3A_806 = arith.constant 4 : i32
      %dma_start3A_807 = arith.constant 4 : i32
      %dma_start3A_808 = arith.constant 0 : i32
      %dma_start3A_809 = arith.constant 0 : i32
      %dma_start3A_810 = tpu.memref_slice %arg8[%dma_start3A_806, %dma_start3A_808, %dma_start3A_809] : memref<8x128x32xf32, #tpu.memory_space<vmem>> -> memref<1x128x32xf32, #tpu.memory_space<vmem>>
      %dma_start3A_811 = tpu.memref_squeeze %dma_start3A_810 : memref<1x128x32xf32, #tpu.memory_space<vmem>> -> memref<128x32xf32, #tpu.memory_space<vmem>>
      %dma_start3A_812 = arith.constant 0 : i32
      %dma_start3A_813 = tpu.memref_slice %arg7[%add3A_805, %dma_start3A_812] : memref<160x128xi32, #tpu.memory_space<vmem>> -> memref<1x128xi32, #tpu.memory_space<vmem>>
      %dma_start3A_814 = tpu.memref_squeeze %dma_start3A_813 : memref<1x128xi32, #tpu.memory_space<vmem>> -> memref<128xi32, #tpu.memory_space<vmem>>
      %dma_start3A_815 = arith.constant 0 : i32
      %dma_start3A_816 = arith.constant 0 : i32
      %dma_start3A_817 = tpu.memref_slice %arg9[%dma_start3A_815, %dma_start3A_816] : memref<10240x32xf32, #tpu.memory_space<vmem_shared>> -> memref<10240x32xf32, #tpu.memory_space<vmem_shared>>
      %dma_start3A_818 = tpu.memref_slice %arg12[%dma_start3A_807] : memref<8x!tpu.dma_semaphore, #tpu.memory_space<semaphore_mem>> -> memref<1x!tpu.dma_semaphore, #tpu.memory_space<semaphore_mem>>
      %dma_start3A_819 = tpu.memref_squeeze %dma_start3A_818 : memref<1x!tpu.dma_semaphore, #tpu.memory_space<semaphore_mem>> -> memref<!tpu.dma_semaphore, #tpu.memory_space<semaphore_mem>>
      tpu.enqueue_indirect_dma source(%dma_start3A_811 : memref<128x32xf32, #tpu.memory_space<vmem>>) target(%dma_start3A_817 : memref<10240x32xf32, #tpu.memory_space<vmem_shared>>) offsets(%dma_start3A_814 : memref<128xi32, #tpu.memory_space<vmem>>) semaphore(%dma_start3A_819 : memref<!tpu.dma_semaphore, #tpu.memory_space<semaphore_mem>>) {add = true}
      %dma_wait3A_820 = arith.constant 0 : i32
      %dma_wait3A_821 = arith.constant 0 : i32
      %dma_wait3A_822 = arith.constant 0 : i32
      %dma_wait3A_823 = arith.constant 0 : i32
      %dma_wait3A_824 = arith.constant 0 : i32
      %dma_wait3A_825 = tpu.memref_slice %arg8[%dma_wait3A_820, %dma_wait3A_823, %dma_wait3A_824] : memref<8x128x32xf32, #tpu.memory_space<vmem>> -> memref<1x128x32xf32, #tpu.memory_space<vmem>>
      %dma_wait3A_826 = tpu.memref_squeeze %dma_wait3A_825 : memref<1x128x32xf32, #tpu.memory_space<vmem>> -> memref<128x32xf32, #tpu.memory_space<vmem>>
      %dma_wait3A_827 = arith.constant 0 : i32
      %dma_wait3A_828 = tpu.memref_slice %arg7[%dma_wait3A_821, %dma_wait3A_827] : memref<160x128xi32, #tpu.memory_space<vmem>> -> memref<1x128xi32, #tpu.memory_space<vmem>>
      %dma_wait3A_829 = tpu.memref_squeeze %dma_wait3A_828 : memref<1x128xi32, #tpu.memory_space<vmem>> -> memref<128xi32, #tpu.memory_space<vmem>>
      %dma_wait3A_830 = arith.constant 0 : i32
      %dma_wait3A_831 = arith.constant 0 : i32
      %dma_wait3A_832 = tpu.memref_slice %arg9[%dma_wait3A_830, %dma_wait3A_831] : memref<10240x32xf32, #tpu.memory_space<vmem_shared>> -> memref<10240x32xf32, #tpu.memory_space<vmem_shared>>
      %dma_wait3A_833 = tpu.memref_slice %arg12[%dma_wait3A_822] : memref<8x!tpu.dma_semaphore, #tpu.memory_space<semaphore_mem>> -> memref<1x!tpu.dma_semaphore, #tpu.memory_space<semaphore_mem>>
      %dma_wait3A_834 = tpu.memref_squeeze %dma_wait3A_833 : memref<1x!tpu.dma_semaphore, #tpu.memory_space<semaphore_mem>> -> memref<!tpu.dma_semaphore, #tpu.memory_space<semaphore_mem>>
      tpu.wait_indirect_dma semaphore(%dma_wait3A_834 : memref<!tpu.dma_semaphore, #tpu.memory_space<semaphore_mem>>) src(%dma_wait3A_826 : memref<128x32xf32, #tpu.memory_space<vmem>>) dst(%dma_wait3A_832 : memref<10240x32xf32, #tpu.memory_space<vmem_shared>>)
      %add3A_835 = arith.constant 4 : i32
      %add3A_836 = arith.addi %add3A_566, %add3A_835 : i32
      %add3A_837 = arith.constant 4 : i32
      %add3A_838 = arith.addi %add3A_836, %add3A_837 : i32
      %lt3A_839 = arith.constant 160 : i32
      %lt3A_840 = arith.cmpi slt, %add3A_838, %lt3A_839 : i32
      %convert_element_type3A_841 = arith.extui %lt3A_840 : i1 to i32
      %cond3A_842 = arith.constant 0 : i32
      %cond3A_843 = arith.cmpi ne, %convert_element_type3A_841, %cond3A_842 : i32
      scf.if %cond3A_843 {
        %add3A_1012 = arith.constant 4 : i32
        %add3A_1013 = arith.addi %add3A_566, %add3A_1012 : i32
        %add3A_1014 = arith.constant 4 : i32
        %add3A_1015 = arith.addi %add3A_1013, %add3A_1014 : i32
        %dma_start3A_1016 = arith.constant 0 : i32
        %dma_start3A_1017 = arith.constant 0 : i32
        %dma_start3A_1018 = arith.constant 0 : i32
        %dma_start3A_1019 = arith.constant 0 : i32
        %dma_start3A_1020 = tpu.memref_slice %arg8[%dma_start3A_1016, %dma_start3A_1018, %dma_start3A_1019] : memref<8x128x32xf32, #tpu.memory_space<vmem>> -> memref<1x128x32xf32, #tpu.memory_space<vmem>>
        %dma_start3A_1021 = tpu.memref_squeeze %dma_start3A_1020 : memref<1x128x32xf32, #tpu.memory_space<vmem>> -> memref<128x32xf32, #tpu.memory_space<vmem>>
        %dma_start3A_1022 = arith.constant 0 : i32
        %dma_start3A_1023 = tpu.memref_slice %arg6[%add3A_1015, %dma_start3A_1022] : memref<160x128xi32, #tpu.memory_space<vmem>> -> memref<1x128xi32, #tpu.memory_space<vmem>>
        %dma_start3A_1024 = tpu.memref_squeeze %dma_start3A_1023 : memref<1x128xi32, #tpu.memory_space<vmem>> -> memref<128xi32, #tpu.memory_space<vmem>>
        %dma_start3A_1025 = arith.constant 0 : i32
        %dma_start3A_1026 = arith.constant 0 : i32
        %dma_start3A_1027 = tpu.memref_slice %arg10[%dma_start3A_1025, %dma_start3A_1026] : memref<10240x32xf32, #tpu.memory_space<vmem_shared>> -> memref<10240x32xf32, #tpu.memory_space<vmem_shared>>
        %dma_start3A_1028 = tpu.memref_slice %arg11[%dma_start3A_1017] : memref<8x!tpu.dma_semaphore, #tpu.memory_space<semaphore_mem>> -> memref<1x!tpu.dma_semaphore, #tpu.memory_space<semaphore_mem>>
        %dma_start3A_1029 = tpu.memref_squeeze %dma_start3A_1028 : memref<1x!tpu.dma_semaphore, #tpu.memory_space<semaphore_mem>> -> memref<!tpu.dma_semaphore, #tpu.memory_space<semaphore_mem>>
        tpu.enqueue_indirect_dma source(%dma_start3A_1027 : memref<10240x32xf32, #tpu.memory_space<vmem_shared>>) target(%dma_start3A_1021 : memref<128x32xf32, #tpu.memory_space<vmem>>) offsets(%dma_start3A_1024 : memref<128xi32, #tpu.memory_space<vmem>>) semaphore(%dma_start3A_1029 : memref<!tpu.dma_semaphore, #tpu.memory_space<semaphore_mem>>)
      } else {
      }
      %add3A_844 = arith.constant 5 : i32
      %add3A_845 = arith.addi %add3A_566, %add3A_844 : i32
      %dma_wait3A_846 = arith.constant 5 : i32
      %dma_wait3A_847 = arith.constant 5 : i32
      %dma_wait3A_848 = arith.constant 0 : i32
      %dma_wait3A_849 = arith.constant 0 : i32
      %dma_wait3A_850 = tpu.memref_slice %arg8[%dma_wait3A_846, %dma_wait3A_848, %dma_wait3A_849] : memref<8x128x32xf32, #tpu.memory_space<vmem>> -> memref<1x128x32xf32, #tpu.memory_space<vmem>>
      %dma_wait3A_851 = tpu.memref_squeeze %dma_wait3A_850 : memref<1x128x32xf32, #tpu.memory_space<vmem>> -> memref<128x32xf32, #tpu.memory_space<vmem>>
      %dma_wait3A_852 = arith.constant 0 : i32
      %dma_wait3A_853 = tpu.memref_slice %arg6[%add3A_845, %dma_wait3A_852] : memref<160x128xi32, #tpu.memory_space<vmem>> -> memref<1x128xi32, #tpu.memory_space<vmem>>
      %dma_wait3A_854 = tpu.memref_squeeze %dma_wait3A_853 : memref<1x128xi32, #tpu.memory_space<vmem>> -> memref<128xi32, #tpu.memory_space<vmem>>
      %dma_wait3A_855 = arith.constant 0 : i32
      %dma_wait3A_856 = arith.constant 0 : i32
      %dma_wait3A_857 = tpu.memref_slice %arg10[%dma_wait3A_855, %dma_wait3A_856] : memref<10240x32xf32, #tpu.memory_space<vmem_shared>> -> memref<10240x32xf32, #tpu.memory_space<vmem_shared>>
      %dma_wait3A_858 = tpu.memref_slice %arg11[%dma_wait3A_847] : memref<8x!tpu.dma_semaphore, #tpu.memory_space<semaphore_mem>> -> memref<1x!tpu.dma_semaphore, #tpu.memory_space<semaphore_mem>>
      %dma_wait3A_859 = tpu.memref_squeeze %dma_wait3A_858 : memref<1x!tpu.dma_semaphore, #tpu.memory_space<semaphore_mem>> -> memref<!tpu.dma_semaphore, #tpu.memory_space<semaphore_mem>>
      tpu.wait_indirect_dma semaphore(%dma_wait3A_859 : memref<!tpu.dma_semaphore, #tpu.memory_space<semaphore_mem>>) src(%dma_wait3A_857 : memref<10240x32xf32, #tpu.memory_space<vmem_shared>>) dst(%dma_wait3A_851 : memref<128x32xf32, #tpu.memory_space<vmem>>)
      %add3A_860 = arith.constant 5 : i32
      %add3A_861 = arith.addi %add3A_566, %add3A_860 : i32
      %dma_start3A_862 = arith.constant 5 : i32
      %dma_start3A_863 = arith.constant 5 : i32
      %dma_start3A_864 = arith.constant 0 : i32
      %dma_start3A_865 = arith.constant 0 : i32
      %dma_start3A_866 = tpu.memref_slice %arg8[%dma_start3A_862, %dma_start3A_864, %dma_start3A_865] : memref<8x128x32xf32, #tpu.memory_space<vmem>> -> memref<1x128x32xf32, #tpu.memory_space<vmem>>
      %dma_start3A_867 = tpu.memref_squeeze %dma_start3A_866 : memref<1x128x32xf32, #tpu.memory_space<vmem>> -> memref<128x32xf32, #tpu.memory_space<vmem>>
      %dma_start3A_868 = arith.constant 0 : i32
      %dma_start3A_869 = tpu.memref_slice %arg7[%add3A_861, %dma_start3A_868] : memref<160x128xi32, #tpu.memory_space<vmem>> -> memref<1x128xi32, #tpu.memory_space<vmem>>
      %dma_start3A_870 = tpu.memref_squeeze %dma_start3A_869 : memref<1x128xi32, #tpu.memory_space<vmem>> -> memref<128xi32, #tpu.memory_space<vmem>>
      %dma_start3A_871 = arith.constant 0 : i32
      %dma_start3A_872 = arith.constant 0 : i32
      %dma_start3A_873 = tpu.memref_slice %arg9[%dma_start3A_871, %dma_start3A_872] : memref<10240x32xf32, #tpu.memory_space<vmem_shared>> -> memref<10240x32xf32, #tpu.memory_space<vmem_shared>>
      %dma_start3A_874 = tpu.memref_slice %arg12[%dma_start3A_863] : memref<8x!tpu.dma_semaphore, #tpu.memory_space<semaphore_mem>> -> memref<1x!tpu.dma_semaphore, #tpu.memory_space<semaphore_mem>>
      %dma_start3A_875 = tpu.memref_squeeze %dma_start3A_874 : memref<1x!tpu.dma_semaphore, #tpu.memory_space<semaphore_mem>> -> memref<!tpu.dma_semaphore, #tpu.memory_space<semaphore_mem>>
      tpu.enqueue_indirect_dma source(%dma_start3A_867 : memref<128x32xf32, #tpu.memory_space<vmem>>) target(%dma_start3A_873 : memref<10240x32xf32, #tpu.memory_space<vmem_shared>>) offsets(%dma_start3A_870 : memref<128xi32, #tpu.memory_space<vmem>>) semaphore(%dma_start3A_875 : memref<!tpu.dma_semaphore, #tpu.memory_space<semaphore_mem>>) {add = true}
      %dma_wait3A_876 = arith.constant 1 : i32
      %dma_wait3A_877 = arith.constant 0 : i32
      %dma_wait3A_878 = arith.constant 1 : i32
      %dma_wait3A_879 = arith.constant 0 : i32
      %dma_wait3A_880 = arith.constant 0 : i32
      %dma_wait3A_881 = tpu.memref_slice %arg8[%dma_wait3A_876, %dma_wait3A_879, %dma_wait3A_880] : memref<8x128x32xf32, #tpu.memory_space<vmem>> -> memref<1x128x32xf32, #tpu.memory_space<vmem>>
      %dma_wait3A_882 = tpu.memref_squeeze %dma_wait3A_881 : memref<1x128x32xf32, #tpu.memory_space<vmem>> -> memref<128x32xf32, #tpu.memory_space<vmem>>
      %dma_wait3A_883 = arith.constant 0 : i32
      %dma_wait3A_884 = tpu.memref_slice %arg7[%dma_wait3A_877, %dma_wait3A_883] : memref<160x128xi32, #tpu.memory_space<vmem>> -> memref<1x128xi32, #tpu.memory_space<vmem>>
      %dma_wait3A_885 = tpu.memref_squeeze %dma_wait3A_884 : memref<1x128xi32, #tpu.memory_space<vmem>> -> memref<128xi32, #tpu.memory_space<vmem>>
      %dma_wait3A_886 = arith.constant 0 : i32
      %dma_wait3A_887 = arith.constant 0 : i32
      %dma_wait3A_888 = tpu.memref_slice %arg9[%dma_wait3A_886, %dma_wait3A_887] : memref<10240x32xf32, #tpu.memory_space<vmem_shared>> -> memref<10240x32xf32, #tpu.memory_space<vmem_shared>>
      %dma_wait3A_889 = tpu.memref_slice %arg12[%dma_wait3A_878] : memref<8x!tpu.dma_semaphore, #tpu.memory_space<semaphore_mem>> -> memref<1x!tpu.dma_semaphore, #tpu.memory_space<semaphore_mem>>
      %dma_wait3A_890 = tpu.memref_squeeze %dma_wait3A_889 : memref<1x!tpu.dma_semaphore, #tpu.memory_space<semaphore_mem>> -> memref<!tpu.dma_semaphore, #tpu.memory_space<semaphore_mem>>
      tpu.wait_indirect_dma semaphore(%dma_wait3A_890 : memref<!tpu.dma_semaphore, #tpu.memory_space<semaphore_mem>>) src(%dma_wait3A_882 : memref<128x32xf32, #tpu.memory_space<vmem>>) dst(%dma_wait3A_888 : memref<10240x32xf32, #tpu.memory_space<vmem_shared>>)
      %add3A_891 = arith.constant 5 : i32
      %add3A_892 = arith.addi %add3A_566, %add3A_891 : i32
      %add3A_893 = arith.constant 4 : i32
      %add3A_894 = arith.addi %add3A_892, %add3A_893 : i32
      %lt3A_895 = arith.constant 160 : i32
      %lt3A_896 = arith.cmpi slt, %add3A_894, %lt3A_895 : i32
      %convert_element_type3A_897 = arith.extui %lt3A_896 : i1 to i32
      %cond3A_898 = arith.constant 0 : i32
      %cond3A_899 = arith.cmpi ne, %convert_element_type3A_897, %cond3A_898 : i32
      scf.if %cond3A_899 {
        %add3A_1012 = arith.constant 5 : i32
        %add3A_1013 = arith.addi %add3A_566, %add3A_1012 : i32
        %add3A_1014 = arith.constant 4 : i32
        %add3A_1015 = arith.addi %add3A_1013, %add3A_1014 : i32
        %dma_start3A_1016 = arith.constant 1 : i32
        %dma_start3A_1017 = arith.constant 1 : i32
        %dma_start3A_1018 = arith.constant 0 : i32
        %dma_start3A_1019 = arith.constant 0 : i32
        %dma_start3A_1020 = tpu.memref_slice %arg8[%dma_start3A_1016, %dma_start3A_1018, %dma_start3A_1019] : memref<8x128x32xf32, #tpu.memory_space<vmem>> -> memref<1x128x32xf32, #tpu.memory_space<vmem>>
        %dma_start3A_1021 = tpu.memref_squeeze %dma_start3A_1020 : memref<1x128x32xf32, #tpu.memory_space<vmem>> -> memref<128x32xf32, #tpu.memory_space<vmem>>
        %dma_start3A_1022 = arith.constant 0 : i32
        %dma_start3A_1023 = tpu.memref_slice %arg6[%add3A_1015, %dma_start3A_1022] : memref<160x128xi32, #tpu.memory_space<vmem>> -> memref<1x128xi32, #tpu.memory_space<vmem>>
        %dma_start3A_1024 = tpu.memref_squeeze %dma_start3A_1023 : memref<1x128xi32, #tpu.memory_space<vmem>> -> memref<128xi32, #tpu.memory_space<vmem>>
        %dma_start3A_1025 = arith.constant 0 : i32
        %dma_start3A_1026 = arith.constant 0 : i32
        %dma_start3A_1027 = tpu.memref_slice %arg10[%dma_start3A_1025, %dma_start3A_1026] : memref<10240x32xf32, #tpu.memory_space<vmem_shared>> -> memref<10240x32xf32, #tpu.memory_space<vmem_shared>>
        %dma_start3A_1028 = tpu.memref_slice %arg11[%dma_start3A_1017] : memref<8x!tpu.dma_semaphore, #tpu.memory_space<semaphore_mem>> -> memref<1x!tpu.dma_semaphore, #tpu.memory_space<semaphore_mem>>
        %dma_start3A_1029 = tpu.memref_squeeze %dma_start3A_1028 : memref<1x!tpu.dma_semaphore, #tpu.memory_space<semaphore_mem>> -> memref<!tpu.dma_semaphore, #tpu.memory_space<semaphore_mem>>
        tpu.enqueue_indirect_dma source(%dma_start3A_1027 : memref<10240x32xf32, #tpu.memory_space<vmem_shared>>) target(%dma_start3A_1021 : memref<128x32xf32, #tpu.memory_space<vmem>>) offsets(%dma_start3A_1024 : memref<128xi32, #tpu.memory_space<vmem>>) semaphore(%dma_start3A_1029 : memref<!tpu.dma_semaphore, #tpu.memory_space<semaphore_mem>>)
      } else {
      }
      %add3A_900 = arith.constant 6 : i32
      %add3A_901 = arith.addi %add3A_566, %add3A_900 : i32
      %dma_wait3A_902 = arith.constant 6 : i32
      %dma_wait3A_903 = arith.constant 6 : i32
      %dma_wait3A_904 = arith.constant 0 : i32
      %dma_wait3A_905 = arith.constant 0 : i32
      %dma_wait3A_906 = tpu.memref_slice %arg8[%dma_wait3A_902, %dma_wait3A_904, %dma_wait3A_905] : memref<8x128x32xf32, #tpu.memory_space<vmem>> -> memref<1x128x32xf32, #tpu.memory_space<vmem>>
      %dma_wait3A_907 = tpu.memref_squeeze %dma_wait3A_906 : memref<1x128x32xf32, #tpu.memory_space<vmem>> -> memref<128x32xf32, #tpu.memory_space<vmem>>
      %dma_wait3A_908 = arith.constant 0 : i32
      %dma_wait3A_909 = tpu.memref_slice %arg6[%add3A_901, %dma_wait3A_908] : memref<160x128xi32, #tpu.memory_space<vmem>> -> memref<1x128xi32, #tpu.memory_space<vmem>>
      %dma_wait3A_910 = tpu.memref_squeeze %dma_wait3A_909 : memref<1x128xi32, #tpu.memory_space<vmem>> -> memref<128xi32, #tpu.memory_space<vmem>>
      %dma_wait3A_911 = arith.constant 0 : i32
      %dma_wait3A_912 = arith.constant 0 : i32
      %dma_wait3A_913 = tpu.memref_slice %arg10[%dma_wait3A_911, %dma_wait3A_912] : memref<10240x32xf32, #tpu.memory_space<vmem_shared>> -> memref<10240x32xf32, #tpu.memory_space<vmem_shared>>
      %dma_wait3A_914 = tpu.memref_slice %arg11[%dma_wait3A_903] : memref<8x!tpu.dma_semaphore, #tpu.memory_space<semaphore_mem>> -> memref<1x!tpu.dma_semaphore, #tpu.memory_space<semaphore_mem>>
      %dma_wait3A_915 = tpu.memref_squeeze %dma_wait3A_914 : memref<1x!tpu.dma_semaphore, #tpu.memory_space<semaphore_mem>> -> memref<!tpu.dma_semaphore, #tpu.memory_space<semaphore_mem>>
      tpu.wait_indirect_dma semaphore(%dma_wait3A_915 : memref<!tpu.dma_semaphore, #tpu.memory_space<semaphore_mem>>) src(%dma_wait3A_913 : memref<10240x32xf32, #tpu.memory_space<vmem_shared>>) dst(%dma_wait3A_907 : memref<128x32xf32, #tpu.memory_space<vmem>>)
      %add3A_916 = arith.constant 6 : i32
      %add3A_917 = arith.addi %add3A_566, %add3A_916 : i32
      %dma_start3A_918 = arith.constant 6 : i32
      %dma_start3A_919 = arith.constant 6 : i32
      %dma_start3A_920 = arith.constant 0 : i32
      %dma_start3A_921 = arith.constant 0 : i32
      %dma_start3A_922 = tpu.memref_slice %arg8[%dma_start3A_918, %dma_start3A_920, %dma_start3A_921] : memref<8x128x32xf32, #tpu.memory_space<vmem>> -> memref<1x128x32xf32, #tpu.memory_space<vmem>>
      %dma_start3A_923 = tpu.memref_squeeze %dma_start3A_922 : memref<1x128x32xf32, #tpu.memory_space<vmem>> -> memref<128x32xf32, #tpu.memory_space<vmem>>
      %dma_start3A_924 = arith.constant 0 : i32
      %dma_start3A_925 = tpu.memref_slice %arg7[%add3A_917, %dma_start3A_924] : memref<160x128xi32, #tpu.memory_space<vmem>> -> memref<1x128xi32, #tpu.memory_space<vmem>>
      %dma_start3A_926 = tpu.memref_squeeze %dma_start3A_925 : memref<1x128xi32, #tpu.memory_space<vmem>> -> memref<128xi32, #tpu.memory_space<vmem>>
      %dma_start3A_927 = arith.constant 0 : i32
      %dma_start3A_928 = arith.constant 0 : i32
      %dma_start3A_929 = tpu.memref_slice %arg9[%dma_start3A_927, %dma_start3A_928] : memref<10240x32xf32, #tpu.memory_space<vmem_shared>> -> memref<10240x32xf32, #tpu.memory_space<vmem_shared>>
      %dma_start3A_930 = tpu.memref_slice %arg12[%dma_start3A_919] : memref<8x!tpu.dma_semaphore, #tpu.memory_space<semaphore_mem>> -> memref<1x!tpu.dma_semaphore, #tpu.memory_space<semaphore_mem>>
      %dma_start3A_931 = tpu.memref_squeeze %dma_start3A_930 : memref<1x!tpu.dma_semaphore, #tpu.memory_space<semaphore_mem>> -> memref<!tpu.dma_semaphore, #tpu.memory_space<semaphore_mem>>
      tpu.enqueue_indirect_dma source(%dma_start3A_923 : memref<128x32xf32, #tpu.memory_space<vmem>>) target(%dma_start3A_929 : memref<10240x32xf32, #tpu.memory_space<vmem_shared>>) offsets(%dma_start3A_926 : memref<128xi32, #tpu.memory_space<vmem>>) semaphore(%dma_start3A_931 : memref<!tpu.dma_semaphore, #tpu.memory_space<semaphore_mem>>) {add = true}
      %dma_wait3A_932 = arith.constant 2 : i32
      %dma_wait3A_933 = arith.constant 0 : i32
      %dma_wait3A_934 = arith.constant 2 : i32
      %dma_wait3A_935 = arith.constant 0 : i32
      %dma_wait3A_936 = arith.constant 0 : i32
      %dma_wait3A_937 = tpu.memref_slice %arg8[%dma_wait3A_932, %dma_wait3A_935, %dma_wait3A_936] : memref<8x128x32xf32, #tpu.memory_space<vmem>> -> memref<1x128x32xf32, #tpu.memory_space<vmem>>
      %dma_wait3A_938 = tpu.memref_squeeze %dma_wait3A_937 : memref<1x128x32xf32, #tpu.memory_space<vmem>> -> memref<128x32xf32, #tpu.memory_space<vmem>>
      %dma_wait3A_939 = arith.constant 0 : i32
      %dma_wait3A_940 = tpu.memref_slice %arg7[%dma_wait3A_933, %dma_wait3A_939] : memref<160x128xi32, #tpu.memory_space<vmem>> -> memref<1x128xi32, #tpu.memory_space<vmem>>
      %dma_wait3A_941 = tpu.memref_squeeze %dma_wait3A_940 : memref<1x128xi32, #tpu.memory_space<vmem>> -> memref<128xi32, #tpu.memory_space<vmem>>
      %dma_wait3A_942 = arith.constant 0 : i32
      %dma_wait3A_943 = arith.constant 0 : i32
      %dma_wait3A_944 = tpu.memref_slice %arg9[%dma_wait3A_942, %dma_wait3A_943] : memref<10240x32xf32, #tpu.memory_space<vmem_shared>> -> memref<10240x32xf32, #tpu.memory_space<vmem_shared>>
      %dma_wait3A_945 = tpu.memref_slice %arg12[%dma_wait3A_934] : memref<8x!tpu.dma_semaphore, #tpu.memory_space<semaphore_mem>> -> memref<1x!tpu.dma_semaphore, #tpu.memory_space<semaphore_mem>>
      %dma_wait3A_946 = tpu.memref_squeeze %dma_wait3A_945 : memref<1x!tpu.dma_semaphore, #tpu.memory_space<semaphore_mem>> -> memref<!tpu.dma_semaphore, #tpu.memory_space<semaphore_mem>>
      tpu.wait_indirect_dma semaphore(%dma_wait3A_946 : memref<!tpu.dma_semaphore, #tpu.memory_space<semaphore_mem>>) src(%dma_wait3A_938 : memref<128x32xf32, #tpu.memory_space<vmem>>) dst(%dma_wait3A_944 : memref<10240x32xf32, #tpu.memory_space<vmem_shared>>)
      %add3A_947 = arith.constant 6 : i32
      %add3A_948 = arith.addi %add3A_566, %add3A_947 : i32
      %add3A_949 = arith.constant 4 : i32
      %add3A_950 = arith.addi %add3A_948, %add3A_949 : i32
      %lt3A_951 = arith.constant 160 : i32
      %lt3A_952 = arith.cmpi slt, %add3A_950, %lt3A_951 : i32
      %convert_element_type3A_953 = arith.extui %lt3A_952 : i1 to i32
      %cond3A_954 = arith.constant 0 : i32
      %cond3A_955 = arith.cmpi ne, %convert_element_type3A_953, %cond3A_954 : i32
      scf.if %cond3A_955 {
        %add3A_1012 = arith.constant 6 : i32
        %add3A_1013 = arith.addi %add3A_566, %add3A_1012 : i32
        %add3A_1014 = arith.constant 4 : i32
        %add3A_1015 = arith.addi %add3A_1013, %add3A_1014 : i32
        %dma_start3A_1016 = arith.constant 2 : i32
        %dma_start3A_1017 = arith.constant 2 : i32
        %dma_start3A_1018 = arith.constant 0 : i32
        %dma_start3A_1019 = arith.constant 0 : i32
        %dma_start3A_1020 = tpu.memref_slice %arg8[%dma_start3A_1016, %dma_start3A_1018, %dma_start3A_1019] : memref<8x128x32xf32, #tpu.memory_space<vmem>> -> memref<1x128x32xf32, #tpu.memory_space<vmem>>
        %dma_start3A_1021 = tpu.memref_squeeze %dma_start3A_1020 : memref<1x128x32xf32, #tpu.memory_space<vmem>> -> memref<128x32xf32, #tpu.memory_space<vmem>>
        %dma_start3A_1022 = arith.constant 0 : i32
        %dma_start3A_1023 = tpu.memref_slice %arg6[%add3A_1015, %dma_start3A_1022] : memref<160x128xi32, #tpu.memory_space<vmem>> -> memref<1x128xi32, #tpu.memory_space<vmem>>
        %dma_start3A_1024 = tpu.memref_squeeze %dma_start3A_1023 : memref<1x128xi32, #tpu.memory_space<vmem>> -> memref<128xi32, #tpu.memory_space<vmem>>
        %dma_start3A_1025 = arith.constant 0 : i32
        %dma_start3A_1026 = arith.constant 0 : i32
        %dma_start3A_1027 = tpu.memref_slice %arg10[%dma_start3A_1025, %dma_start3A_1026] : memref<10240x32xf32, #tpu.memory_space<vmem_shared>> -> memref<10240x32xf32, #tpu.memory_space<vmem_shared>>
        %dma_start3A_1028 = tpu.memref_slice %arg11[%dma_start3A_1017] : memref<8x!tpu.dma_semaphore, #tpu.memory_space<semaphore_mem>> -> memref<1x!tpu.dma_semaphore, #tpu.memory_space<semaphore_mem>>
        %dma_start3A_1029 = tpu.memref_squeeze %dma_start3A_1028 : memref<1x!tpu.dma_semaphore, #tpu.memory_space<semaphore_mem>> -> memref<!tpu.dma_semaphore, #tpu.memory_space<semaphore_mem>>
        tpu.enqueue_indirect_dma source(%dma_start3A_1027 : memref<10240x32xf32, #tpu.memory_space<vmem_shared>>) target(%dma_start3A_1021 : memref<128x32xf32, #tpu.memory_space<vmem>>) offsets(%dma_start3A_1024 : memref<128xi32, #tpu.memory_space<vmem>>) semaphore(%dma_start3A_1029 : memref<!tpu.dma_semaphore, #tpu.memory_space<semaphore_mem>>)
      } else {
      }
      %add3A_956 = arith.constant 7 : i32
      %add3A_957 = arith.addi %add3A_566, %add3A_956 : i32
      %dma_wait3A_958 = arith.constant 7 : i32
      %dma_wait3A_959 = arith.constant 7 : i32
      %dma_wait3A_960 = arith.constant 0 : i32
      %dma_wait3A_961 = arith.constant 0 : i32
      %dma_wait3A_962 = tpu.memref_slice %arg8[%dma_wait3A_958, %dma_wait3A_960, %dma_wait3A_961] : memref<8x128x32xf32, #tpu.memory_space<vmem>> -> memref<1x128x32xf32, #tpu.memory_space<vmem>>
      %dma_wait3A_963 = tpu.memref_squeeze %dma_wait3A_962 : memref<1x128x32xf32, #tpu.memory_space<vmem>> -> memref<128x32xf32, #tpu.memory_space<vmem>>
      %dma_wait3A_964 = arith.constant 0 : i32
      %dma_wait3A_965 = tpu.memref_slice %arg6[%add3A_957, %dma_wait3A_964] : memref<160x128xi32, #tpu.memory_space<vmem>> -> memref<1x128xi32, #tpu.memory_space<vmem>>
      %dma_wait3A_966 = tpu.memref_squeeze %dma_wait3A_965 : memref<1x128xi32, #tpu.memory_space<vmem>> -> memref<128xi32, #tpu.memory_space<vmem>>
      %dma_wait3A_967 = arith.constant 0 : i32
      %dma_wait3A_968 = arith.constant 0 : i32
      %dma_wait3A_969 = tpu.memref_slice %arg10[%dma_wait3A_967, %dma_wait3A_968] : memref<10240x32xf32, #tpu.memory_space<vmem_shared>> -> memref<10240x32xf32, #tpu.memory_space<vmem_shared>>
      %dma_wait3A_970 = tpu.memref_slice %arg11[%dma_wait3A_959] : memref<8x!tpu.dma_semaphore, #tpu.memory_space<semaphore_mem>> -> memref<1x!tpu.dma_semaphore, #tpu.memory_space<semaphore_mem>>
      %dma_wait3A_971 = tpu.memref_squeeze %dma_wait3A_970 : memref<1x!tpu.dma_semaphore, #tpu.memory_space<semaphore_mem>> -> memref<!tpu.dma_semaphore, #tpu.memory_space<semaphore_mem>>
      tpu.wait_indirect_dma semaphore(%dma_wait3A_971 : memref<!tpu.dma_semaphore, #tpu.memory_space<semaphore_mem>>) src(%dma_wait3A_969 : memref<10240x32xf32, #tpu.memory_space<vmem_shared>>) dst(%dma_wait3A_963 : memref<128x32xf32, #tpu.memory_space<vmem>>)
      %add3A_972 = arith.constant 7 : i32
      %add3A_973 = arith.addi %add3A_566, %add3A_972 : i32
      %dma_start3A_974 = arith.constant 7 : i32
      %dma_start3A_975 = arith.constant 7 : i32
      %dma_start3A_976 = arith.constant 0 : i32
      %dma_start3A_977 = arith.constant 0 : i32
      %dma_start3A_978 = tpu.memref_slice %arg8[%dma_start3A_974, %dma_start3A_976, %dma_start3A_977] : memref<8x128x32xf32, #tpu.memory_space<vmem>> -> memref<1x128x32xf32, #tpu.memory_space<vmem>>
      %dma_start3A_979 = tpu.memref_squeeze %dma_start3A_978 : memref<1x128x32xf32, #tpu.memory_space<vmem>> -> memref<128x32xf32, #tpu.memory_space<vmem>>
      %dma_start3A_980 = arith.constant 0 : i32
      %dma_start3A_981 = tpu.memref_slice %arg7[%add3A_973, %dma_start3A_980] : memref<160x128xi32, #tpu.memory_space<vmem>> -> memref<1x128xi32, #tpu.memory_space<vmem>>
      %dma_start3A_982 = tpu.memref_squeeze %dma_start3A_981 : memref<1x128xi32, #tpu.memory_space<vmem>> -> memref<128xi32, #tpu.memory_space<vmem>>
      %dma_start3A_983 = arith.constant 0 : i32
      %dma_start3A_984 = arith.constant 0 : i32
      %dma_start3A_985 = tpu.memref_slice %arg9[%dma_start3A_983, %dma_start3A_984] : memref<10240x32xf32, #tpu.memory_space<vmem_shared>> -> memref<10240x32xf32, #tpu.memory_space<vmem_shared>>
      %dma_start3A_986 = tpu.memref_slice %arg12[%dma_start3A_975] : memref<8x!tpu.dma_semaphore, #tpu.memory_space<semaphore_mem>> -> memref<1x!tpu.dma_semaphore, #tpu.memory_space<semaphore_mem>>
      %dma_start3A_987 = tpu.memref_squeeze %dma_start3A_986 : memref<1x!tpu.dma_semaphore, #tpu.memory_space<semaphore_mem>> -> memref<!tpu.dma_semaphore, #tpu.memory_space<semaphore_mem>>
      tpu.enqueue_indirect_dma source(%dma_start3A_979 : memref<128x32xf32, #tpu.memory_space<vmem>>) target(%dma_start3A_985 : memref<10240x32xf32, #tpu.memory_space<vmem_shared>>) offsets(%dma_start3A_982 : memref<128xi32, #tpu.memory_space<vmem>>) semaphore(%dma_start3A_987 : memref<!tpu.dma_semaphore, #tpu.memory_space<semaphore_mem>>) {add = true}
      %dma_wait3A_988 = arith.constant 3 : i32
      %dma_wait3A_989 = arith.constant 0 : i32
      %dma_wait3A_990 = arith.constant 3 : i32
      %dma_wait3A_991 = arith.constant 0 : i32
      %dma_wait3A_992 = arith.constant 0 : i32
      %dma_wait3A_993 = tpu.memref_slice %arg8[%dma_wait3A_988, %dma_wait3A_991, %dma_wait3A_992] : memref<8x128x32xf32, #tpu.memory_space<vmem>> -> memref<1x128x32xf32, #tpu.memory_space<vmem>>
      %dma_wait3A_994 = tpu.memref_squeeze %dma_wait3A_993 : memref<1x128x32xf32, #tpu.memory_space<vmem>> -> memref<128x32xf32, #tpu.memory_space<vmem>>
      %dma_wait3A_995 = arith.constant 0 : i32
      %dma_wait3A_996 = tpu.memref_slice %arg7[%dma_wait3A_989, %dma_wait3A_995] : memref<160x128xi32, #tpu.memory_space<vmem>> -> memref<1x128xi32, #tpu.memory_space<vmem>>
      %dma_wait3A_997 = tpu.memref_squeeze %dma_wait3A_996 : memref<1x128xi32, #tpu.memory_space<vmem>> -> memref<128xi32, #tpu.memory_space<vmem>>
      %dma_wait3A_998 = arith.constant 0 : i32
      %dma_wait3A_999 = arith.constant 0 : i32
      %dma_wait3A_1000 = tpu.memref_slice %arg9[%dma_wait3A_998, %dma_wait3A_999] : memref<10240x32xf32, #tpu.memory_space<vmem_shared>> -> memref<10240x32xf32, #tpu.memory_space<vmem_shared>>
      %dma_wait3A_1001 = tpu.memref_slice %arg12[%dma_wait3A_990] : memref<8x!tpu.dma_semaphore, #tpu.memory_space<semaphore_mem>> -> memref<1x!tpu.dma_semaphore, #tpu.memory_space<semaphore_mem>>
      %dma_wait3A_1002 = tpu.memref_squeeze %dma_wait3A_1001 : memref<1x!tpu.dma_semaphore, #tpu.memory_space<semaphore_mem>> -> memref<!tpu.dma_semaphore, #tpu.memory_space<semaphore_mem>>
      tpu.wait_indirect_dma semaphore(%dma_wait3A_1002 : memref<!tpu.dma_semaphore, #tpu.memory_space<semaphore_mem>>) src(%dma_wait3A_994 : memref<128x32xf32, #tpu.memory_space<vmem>>) dst(%dma_wait3A_1000 : memref<10240x32xf32, #tpu.memory_space<vmem_shared>>)
      %add3A_1003 = arith.constant 7 : i32
      %add3A_1004 = arith.addi %add3A_566, %add3A_1003 : i32
      %add3A_1005 = arith.constant 4 : i32
      %add3A_1006 = arith.addi %add3A_1004, %add3A_1005 : i32
      %lt3A_1007 = arith.constant 160 : i32
      %lt3A_1008 = arith.cmpi slt, %add3A_1006, %lt3A_1007 : i32
      %convert_element_type3A_1009 = arith.extui %lt3A_1008 : i1 to i32
      %cond3A_1010 = arith.constant 0 : i32
      %cond3A_1011 = arith.cmpi ne, %convert_element_type3A_1009, %cond3A_1010 : i32
      scf.if %cond3A_1011 {
        %add3A_1012 = arith.constant 7 : i32
        %add3A_1013 = arith.addi %add3A_566, %add3A_1012 : i32
        %add3A_1014 = arith.constant 4 : i32
        %add3A_1015 = arith.addi %add3A_1013, %add3A_1014 : i32
        %dma_start3A_1016 = arith.constant 3 : i32
        %dma_start3A_1017 = arith.constant 3 : i32
        %dma_start3A_1018 = arith.constant 0 : i32
        %dma_start3A_1019 = arith.constant 0 : i32
        %dma_start3A_1020 = tpu.memref_slice %arg8[%dma_start3A_1016, %dma_start3A_1018, %dma_start3A_1019] : memref<8x128x32xf32, #tpu.memory_space<vmem>> -> memref<1x128x32xf32, #tpu.memory_space<vmem>>
        %dma_start3A_1021 = tpu.memref_squeeze %dma_start3A_1020 : memref<1x128x32xf32, #tpu.memory_space<vmem>> -> memref<128x32xf32, #tpu.memory_space<vmem>>
        %dma_start3A_1022 = arith.constant 0 : i32
        %dma_start3A_1023 = tpu.memref_slice %arg6[%add3A_1015, %dma_start3A_1022] : memref<160x128xi32, #tpu.memory_space<vmem>> -> memref<1x128xi32, #tpu.memory_space<vmem>>
        %dma_start3A_1024 = tpu.memref_squeeze %dma_start3A_1023 : memref<1x128xi32, #tpu.memory_space<vmem>> -> memref<128xi32, #tpu.memory_space<vmem>>
        %dma_start3A_1025 = arith.constant 0 : i32
        %dma_start3A_1026 = arith.constant 0 : i32
        %dma_start3A_1027 = tpu.memref_slice %arg10[%dma_start3A_1025, %dma_start3A_1026] : memref<10240x32xf32, #tpu.memory_space<vmem_shared>> -> memref<10240x32xf32, #tpu.memory_space<vmem_shared>>
        %dma_start3A_1028 = tpu.memref_slice %arg11[%dma_start3A_1017] : memref<8x!tpu.dma_semaphore, #tpu.memory_space<semaphore_mem>> -> memref<1x!tpu.dma_semaphore, #tpu.memory_space<semaphore_mem>>
        %dma_start3A_1029 = tpu.memref_squeeze %dma_start3A_1028 : memref<1x!tpu.dma_semaphore, #tpu.memory_space<semaphore_mem>> -> memref<!tpu.dma_semaphore, #tpu.memory_space<semaphore_mem>>
        tpu.enqueue_indirect_dma source(%dma_start3A_1027 : memref<10240x32xf32, #tpu.memory_space<vmem_shared>>) target(%dma_start3A_1021 : memref<128x32xf32, #tpu.memory_space<vmem>>) offsets(%dma_start3A_1024 : memref<128xi32, #tpu.memory_space<vmem>>) semaphore(%dma_start3A_1029 : memref<!tpu.dma_semaphore, #tpu.memory_space<semaphore_mem>>)
      } else {
      }
    }
    %scan3A_497 = arith.constant 19 : i32
    %dma_wait3A_498 = arith.constant 4 : i32
    %dma_wait3A_499 = arith.constant 0 : i32
    %dma_wait3A_500 = arith.constant 4 : i32
    %dma_wait3A_501 = arith.constant 0 : i32
    %dma_wait3A_502 = arith.constant 0 : i32
    %dma_wait3A_503 = tpu.memref_slice %arg8[%dma_wait3A_498, %dma_wait3A_501, %dma_wait3A_502] : memref<8x128x32xf32, #tpu.memory_space<vmem>> -> memref<1x128x32xf32, #tpu.memory_space<vmem>>
    %dma_wait3A_504 = tpu.memref_squeeze %dma_wait3A_503 : memref<1x128x32xf32, #tpu.memory_space<vmem>> -> memref<128x32xf32, #tpu.memory_space<vmem>>
    %dma_wait3A_505 = arith.constant 0 : i32
    %dma_wait3A_506 = tpu.memref_slice %arg7[%dma_wait3A_499, %dma_wait3A_505] : memref<160x128xi32, #tpu.memory_space<vmem>> -> memref<1x128xi32, #tpu.memory_space<vmem>>
    %dma_wait3A_507 = tpu.memref_squeeze %dma_wait3A_506 : memref<1x128xi32, #tpu.memory_space<vmem>> -> memref<128xi32, #tpu.memory_space<vmem>>
    %dma_wait3A_508 = arith.constant 0 : i32
    %dma_wait3A_509 = arith.constant 0 : i32
    %dma_wait3A_510 = tpu.memref_slice %arg9[%dma_wait3A_508, %dma_wait3A_509] : memref<10240x32xf32, #tpu.memory_space<vmem_shared>> -> memref<10240x32xf32, #tpu.memory_space<vmem_shared>>
    %dma_wait3A_511 = tpu.memref_slice %arg12[%dma_wait3A_500] : memref<8x!tpu.dma_semaphore, #tpu.memory_space<semaphore_mem>> -> memref<1x!tpu.dma_semaphore, #tpu.memory_space<semaphore_mem>>
    %dma_wait3A_512 = tpu.memref_squeeze %dma_wait3A_511 : memref<1x!tpu.dma_semaphore, #tpu.memory_space<semaphore_mem>> -> memref<!tpu.dma_semaphore, #tpu.memory_space<semaphore_mem>>
    tpu.wait_indirect_dma semaphore(%dma_wait3A_512 : memref<!tpu.dma_semaphore, #tpu.memory_space<semaphore_mem>>) src(%dma_wait3A_504 : memref<128x32xf32, #tpu.memory_space<vmem>>) dst(%dma_wait3A_510 : memref<10240x32xf32, #tpu.memory_space<vmem_shared>>)
    %dma_wait3A_513 = arith.constant 5 : i32
    %dma_wait3A_514 = arith.constant 0 : i32
    %dma_wait3A_515 = arith.constant 5 : i32
    %dma_wait3A_516 = arith.constant 0 : i32
    %dma_wait3A_517 = arith.constant 0 : i32
    %dma_wait3A_518 = tpu.memref_slice %arg8[%dma_wait3A_513, %dma_wait3A_516, %dma_wait3A_517] : memref<8x128x32xf32, #tpu.memory_space<vmem>> -> memref<1x128x32xf32, #tpu.memory_space<vmem>>
    %dma_wait3A_519 = tpu.memref_squeeze %dma_wait3A_518 : memref<1x128x32xf32, #tpu.memory_space<vmem>> -> memref<128x32xf32, #tpu.memory_space<vmem>>
    %dma_wait3A_520 = arith.constant 0 : i32
    %dma_wait3A_521 = tpu.memref_slice %arg7[%dma_wait3A_514, %dma_wait3A_520] : memref<160x128xi32, #tpu.memory_space<vmem>> -> memref<1x128xi32, #tpu.memory_space<vmem>>
    %dma_wait3A_522 = tpu.memref_squeeze %dma_wait3A_521 : memref<1x128xi32, #tpu.memory_space<vmem>> -> memref<128xi32, #tpu.memory_space<vmem>>
    %dma_wait3A_523 = arith.constant 0 : i32
    %dma_wait3A_524 = arith.constant 0 : i32
    %dma_wait3A_525 = tpu.memref_slice %arg9[%dma_wait3A_523, %dma_wait3A_524] : memref<10240x32xf32, #tpu.memory_space<vmem_shared>> -> memref<10240x32xf32, #tpu.memory_space<vmem_shared>>
    %dma_wait3A_526 = tpu.memref_slice %arg12[%dma_wait3A_515] : memref<8x!tpu.dma_semaphore, #tpu.memory_space<semaphore_mem>> -> memref<1x!tpu.dma_semaphore, #tpu.memory_space<semaphore_mem>>
    %dma_wait3A_527 = tpu.memref_squeeze %dma_wait3A_526 : memref<1x!tpu.dma_semaphore, #tpu.memory_space<semaphore_mem>> -> memref<!tpu.dma_semaphore, #tpu.memory_space<semaphore_mem>>
    tpu.wait_indirect_dma semaphore(%dma_wait3A_527 : memref<!tpu.dma_semaphore, #tpu.memory_space<semaphore_mem>>) src(%dma_wait3A_519 : memref<128x32xf32, #tpu.memory_space<vmem>>) dst(%dma_wait3A_525 : memref<10240x32xf32, #tpu.memory_space<vmem_shared>>)
    %dma_wait3A_528 = arith.constant 6 : i32
    %dma_wait3A_529 = arith.constant 0 : i32
    %dma_wait3A_530 = arith.constant 6 : i32
    %dma_wait3A_531 = arith.constant 0 : i32
    %dma_wait3A_532 = arith.constant 0 : i32
    %dma_wait3A_533 = tpu.memref_slice %arg8[%dma_wait3A_528, %dma_wait3A_531, %dma_wait3A_532] : memref<8x128x32xf32, #tpu.memory_space<vmem>> -> memref<1x128x32xf32, #tpu.memory_space<vmem>>
    %dma_wait3A_534 = tpu.memref_squeeze %dma_wait3A_533 : memref<1x128x32xf32, #tpu.memory_space<vmem>> -> memref<128x32xf32, #tpu.memory_space<vmem>>
    %dma_wait3A_535 = arith.constant 0 : i32
    %dma_wait3A_536 = tpu.memref_slice %arg7[%dma_wait3A_529, %dma_wait3A_535] : memref<160x128xi32, #tpu.memory_space<vmem>> -> memref<1x128xi32, #tpu.memory_space<vmem>>
    %dma_wait3A_537 = tpu.memref_squeeze %dma_wait3A_536 : memref<1x128xi32, #tpu.memory_space<vmem>> -> memref<128xi32, #tpu.memory_space<vmem>>
    %dma_wait3A_538 = arith.constant 0 : i32
    %dma_wait3A_539 = arith.constant 0 : i32
    %dma_wait3A_540 = tpu.memref_slice %arg9[%dma_wait3A_538, %dma_wait3A_539] : memref<10240x32xf32, #tpu.memory_space<vmem_shared>> -> memref<10240x32xf32, #tpu.memory_space<vmem_shared>>
    %dma_wait3A_541 = tpu.memref_slice %arg12[%dma_wait3A_530] : memref<8x!tpu.dma_semaphore, #tpu.memory_space<semaphore_mem>> -> memref<1x!tpu.dma_semaphore, #tpu.memory_space<semaphore_mem>>
    %dma_wait3A_542 = tpu.memref_squeeze %dma_wait3A_541 : memref<1x!tpu.dma_semaphore, #tpu.memory_space<semaphore_mem>> -> memref<!tpu.dma_semaphore, #tpu.memory_space<semaphore_mem>>
    tpu.wait_indirect_dma semaphore(%dma_wait3A_542 : memref<!tpu.dma_semaphore, #tpu.memory_space<semaphore_mem>>) src(%dma_wait3A_534 : memref<128x32xf32, #tpu.memory_space<vmem>>) dst(%dma_wait3A_540 : memref<10240x32xf32, #tpu.memory_space<vmem_shared>>)
    %dma_wait3A_543 = arith.constant 7 : i32
    %dma_wait3A_544 = arith.constant 0 : i32
    %dma_wait3A_545 = arith.constant 7 : i32
    %dma_wait3A_546 = arith.constant 0 : i32
    %dma_wait3A_547 = arith.constant 0 : i32
    %dma_wait3A_548 = tpu.memref_slice %arg8[%dma_wait3A_543, %dma_wait3A_546, %dma_wait3A_547] : memref<8x128x32xf32, #tpu.memory_space<vmem>> -> memref<1x128x32xf32, #tpu.memory_space<vmem>>
    %dma_wait3A_549 = tpu.memref_squeeze %dma_wait3A_548 : memref<1x128x32xf32, #tpu.memory_space<vmem>> -> memref<128x32xf32, #tpu.memory_space<vmem>>
    %dma_wait3A_550 = arith.constant 0 : i32
    %dma_wait3A_551 = tpu.memref_slice %arg7[%dma_wait3A_544, %dma_wait3A_550] : memref<160x128xi32, #tpu.memory_space<vmem>> -> memref<1x128xi32, #tpu.memory_space<vmem>>
    %dma_wait3A_552 = tpu.memref_squeeze %dma_wait3A_551 : memref<1x128xi32, #tpu.memory_space<vmem>> -> memref<128xi32, #tpu.memory_space<vmem>>
    %dma_wait3A_553 = arith.constant 0 : i32
    %dma_wait3A_554 = arith.constant 0 : i32
    %dma_wait3A_555 = tpu.memref_slice %arg9[%dma_wait3A_553, %dma_wait3A_554] : memref<10240x32xf32, #tpu.memory_space<vmem_shared>> -> memref<10240x32xf32, #tpu.memory_space<vmem_shared>>
    %dma_wait3A_556 = tpu.memref_slice %arg12[%dma_wait3A_545] : memref<8x!tpu.dma_semaphore, #tpu.memory_space<semaphore_mem>> -> memref<1x!tpu.dma_semaphore, #tpu.memory_space<semaphore_mem>>
    %dma_wait3A_557 = tpu.memref_squeeze %dma_wait3A_556 : memref<1x!tpu.dma_semaphore, #tpu.memory_space<semaphore_mem>> -> memref<!tpu.dma_semaphore, #tpu.memory_space<semaphore_mem>>
    tpu.wait_indirect_dma semaphore(%dma_wait3A_557 : memref<!tpu.dma_semaphore, #tpu.memory_space<semaphore_mem>>) src(%dma_wait3A_549 : memref<128x32xf32, #tpu.memory_space<vmem>>) dst(%dma_wait3A_555 : memref<10240x32xf32, #tpu.memory_space<vmem_shared>>)
    %barrier3A_558 = arith.constant 0 : index
    tpu.barrier barrier_id(%barrier3A_558)
    %scan3A_559 = arith.constant 0 : i32
    %scan3A_560 = arith.constant 5 : i32
    %scan3A_561 = arith.addi %scan3A_559, %scan3A_560 : i32
    %scan3A_562 = arith.constant 1 : i32
    scf.for %scan3A_564 = %scan3A_559 to %scan3A_561 step %scan3A_562  : i32 {
      %mul3A = arith.constant 1 : i32
      %mul3A_565 = arith.muli %scan3A_564, %mul3A : i32
      %add3A = arith.constant 0 : i32
      %add3A_566 = arith.addi %add3A, %mul3A_565 : i32
      %mul3A_567 = arith.constant 640 : i32
      %mul3A_568 = arith.muli %arg1, %mul3A_567 : i32
      %mul3A_569 = arith.constant 128 : i32
      %mul3A_570 = arith.muli %add3A_566, %mul3A_569 : i32
      %add3A_571 = arith.addi %mul3A_568, %mul3A_570 : i32
      "tpu.region"() ({
        %run_scoped3A = tpu.sem_alloc : memref<!tpu.dma_semaphore, #tpu.memory_space<semaphore_mem>>
        %dma_start3A_572 = arith.constant 0 : i32
        %dma_start3A_573 = arith.constant 0 : i32
        %dma_start3A_574 = tpu.memref_slice %arg5[%arg0, %dma_start3A_572, %dma_start3A_573] : memref<2x10240x32xf32, #tpu.memory_space<hbm>> -> memref<1x10240x32xf32, #tpu.memory_space<hbm>>
        %dma_start3A_575 = tpu.memref_squeeze %dma_start3A_574 : memref<1x10240x32xf32, #tpu.memory_space<hbm>> -> memref<10240x32xf32, #tpu.memory_space<hbm>>
        %dma_start3A_576 = arith.constant 0 : i32
        %dma_start3A_577 = tpu.memref_slice %dma_start3A_575[%add3A_571, %dma_start3A_576] : memref<10240x32xf32, #tpu.memory_space<hbm>> -> memref<128x32xf32, #tpu.memory_space<hbm>>
        %dma_start3A_578 = arith.constant 0 : i32
        %dma_start3A_579 = tpu.memref_slice %arg9[%add3A_571, %dma_start3A_578] : memref<10240x32xf32, #tpu.memory_space<vmem_shared>> -> memref<128x32xf32, #tpu.memory_space<vmem_shared>>
        tpu.enqueue_dma source(%dma_start3A_579 : memref<128x32xf32, #tpu.memory_space<vmem_shared>>) target(%dma_start3A_577 : memref<128x32xf32, #tpu.memory_space<hbm>>) target_semaphore(%run_scoped3A : memref<!tpu.dma_semaphore, #tpu.memory_space<semaphore_mem>>)
        %dma_wait3A_580 = arith.constant 0 : i32
        %dma_wait3A_581 = arith.constant 0 : i32
        %dma_wait3A_582 = tpu.memref_slice %arg5[%arg0, %dma_wait3A_580, %dma_wait3A_581] : memref<2x10240x32xf32, #tpu.memory_space<hbm>> -> memref<1x10240x32xf32, #tpu.memory_space<hbm>>
        %dma_wait3A_583 = tpu.memref_squeeze %dma_wait3A_582 : memref<1x10240x32xf32, #tpu.memory_space<hbm>> -> memref<10240x32xf32, #tpu.memory_space<hbm>>
        %dma_wait3A_584 = arith.constant 0 : i32
        %dma_wait3A_585 = tpu.memref_slice %dma_wait3A_583[%add3A_571, %dma_wait3A_584] : memref<10240x32xf32, #tpu.memory_space<hbm>> -> memref<128x32xf32, #tpu.memory_space<hbm>>
        %dma_wait3A_586 = arith.constant 0 : i32
        %dma_wait3A_587 = tpu.memref_slice %arg9[%add3A_571, %dma_wait3A_586] : memref<10240x32xf32, #tpu.memory_space<vmem_shared>> -> memref<128x32xf32, #tpu.memory_space<vmem_shared>>
        tpu.wait_dma2 semaphore(%run_scoped3A : memref<!tpu.dma_semaphore, #tpu.memory_space<semaphore_mem>>) src(%dma_wait3A_587 : memref<128x32xf32, #tpu.memory_space<vmem_shared>>) dst(%dma_wait3A_585 : memref<128x32xf32, #tpu.memory_space<hbm>>)
        tpu.yield
      }) : () -> ()
    }
    %scan3A_563 = arith.constant 5 : i32
    return
  }
}

#map = affine_map<(d0, d1) -> (0, 0, 0)>
#map1 = affine_map<(d0, d1) -> (0, 0)>
module attributes {stable_mosaic.version = 14 : i64} {
  func.func @deg_kernel(%arg0: i32, %arg1: i32, %arg2: memref<16x160x128xi32, #tpu.memory_space<hbm>>, %arg3: memref<16x10016xf32, #tpu.memory_space<hbm>>, %arg4: memref<160x128xi32, #tpu.memory_space<vmem>>, %arg5: memref<10016xf32, #tpu.memory_space<vmem>>) attributes {dimension_semantics = [#tpu.dimension_semantics<core_parallel>, #tpu.dimension_semantics<subcore_parallel>], iteration_bounds = array<i64: 1, 16>, scalar_prefetch = 0 : i64, scratch_operands = 2 : i64, tpu.core_type = #tpu.core_type<sc_vector_subcore>, window_params = [{transform_indices = #map}, {transform_indices = #map1}]} {
    %broadcast_in_dim3A = arith.constant 0.000000e+00 : f32
    %broadcast_in_dim3A_0 = vector.broadcast %broadcast_in_dim3A : f32 to vector<16xf32>
    %scan3A = arith.constant 0 : i32
    %scan3A_1 = arith.constant 626 : i32
    %scan3A_2 = arith.addi %scan3A, %scan3A_1 : i32
    %scan3A_3 = arith.constant 1 : i32
    scf.for %scan3A_12 = %scan3A to %scan3A_2 step %scan3A_3  : i32 {
      %mul3A = arith.constant 16 : i32
      %mul3A_13 = arith.muli %scan3A_12, %mul3A : i32
      %add3A = arith.constant 0 : i32
      %add3A_14 = arith.addi %add3A, %mul3A_13 : i32
      %swap3A = arith.index_cast %add3A_14 : i32 to index
      %swap3A_15 = tpu.vector_load %arg5[%swap3A] {strides = array<i32>} : memref<10016xf32, #tpu.memory_space<vmem>>, vector<16xf32>,
      tpu.vector_store %arg5[%swap3A], %broadcast_in_dim3A_0 {strides = array<i32>} : memref<10016xf32, #tpu.memory_space<vmem>>, vector<16xf32>,
    }
    %scan3A_4 = arith.constant 626 : i32
    "tpu.region"() ({
      %run_scoped3A = tpu.sem_alloc : memref<!tpu.dma_semaphore, #tpu.memory_space<semaphore_mem>>
      %dma_start3A = arith.constant 0 : i32
      %dma_start3A_12 = arith.constant 0 : i32
      %dma_start3A_13 = tpu.memref_slice %arg2[%arg1, %dma_start3A, %dma_start3A_12] : memref<16x160x128xi32, #tpu.memory_space<hbm>> -> memref<1x160x128xi32, #tpu.memory_space<hbm>>
      %dma_start3A_14 = tpu.memref_squeeze %dma_start3A_13 : memref<1x160x128xi32, #tpu.memory_space<hbm>> -> memref<160x128xi32, #tpu.memory_space<hbm>>
      %dma_start3A_15 = arith.constant 0 : i32
      %dma_start3A_16 = arith.constant 0 : i32
      %dma_start3A_17 = tpu.memref_slice %arg2[%arg1, %dma_start3A_15, %dma_start3A_16] : memref<16x160x128xi32, #tpu.memory_space<hbm>> -> memref<1x160x128xi32, #tpu.memory_space<hbm>>
      %dma_start3A_18 = tpu.memref_squeeze %dma_start3A_17 : memref<1x160x128xi32, #tpu.memory_space<hbm>> -> memref<160x128xi32, #tpu.memory_space<hbm>>
      tpu.enqueue_dma source(%dma_start3A_18 : memref<160x128xi32, #tpu.memory_space<hbm>>) target(%arg4 : memref<160x128xi32, #tpu.memory_space<vmem>>) target_semaphore(%run_scoped3A : memref<!tpu.dma_semaphore, #tpu.memory_space<semaphore_mem>>)
      %dma_wait3A = arith.constant 0 : i32
      %dma_wait3A_19 = arith.constant 0 : i32
      %dma_wait3A_20 = tpu.memref_slice %arg2[%arg1, %dma_wait3A, %dma_wait3A_19] : memref<16x160x128xi32, #tpu.memory_space<hbm>> -> memref<1x160x128xi32, #tpu.memory_space<hbm>>
      %dma_wait3A_21 = tpu.memref_squeeze %dma_wait3A_20 : memref<1x160x128xi32, #tpu.memory_space<hbm>> -> memref<160x128xi32, #tpu.memory_space<hbm>>
      %dma_wait3A_22 = arith.constant 0 : i32
      %dma_wait3A_23 = arith.constant 0 : i32
      %dma_wait3A_24 = tpu.memref_slice %arg2[%arg1, %dma_wait3A_22, %dma_wait3A_23] : memref<16x160x128xi32, #tpu.memory_space<hbm>> -> memref<1x160x128xi32, #tpu.memory_space<hbm>>
      %dma_wait3A_25 = tpu.memref_squeeze %dma_wait3A_24 : memref<1x160x128xi32, #tpu.memory_space<hbm>> -> memref<160x128xi32, #tpu.memory_space<hbm>>
      tpu.wait_dma2 semaphore(%run_scoped3A : memref<!tpu.dma_semaphore, #tpu.memory_space<semaphore_mem>>) src(%dma_wait3A_25 : memref<160x128xi32, #tpu.memory_space<hbm>>) dst(%arg4 : memref<160x128xi32, #tpu.memory_space<vmem>>)
      tpu.yield
    }) : () -> ()
    %broadcast_in_dim3A_5 = arith.constant 1.000000e+00 : f32
    %broadcast_in_dim3A_6 = vector.broadcast %broadcast_in_dim3A_5 : f32 to vector<16xf32>
    %scan3A_7 = arith.constant 0 : i32
    %scan3A_8 = arith.constant 160 : i32
    %scan3A_9 = arith.addi %scan3A_7, %scan3A_8 : i32
    %scan3A_10 = arith.constant 1 : i32
    scf.for %scan3A_12 = %scan3A_7 to %scan3A_9 step %scan3A_10  : i32 {
      %mul3A = arith.constant 1 : i32
      %mul3A_13 = arith.muli %scan3A_12, %mul3A : i32
      %add3A = arith.constant 0 : i32
      %add3A_14 = arith.addi %add3A, %mul3A_13 : i32
      %scan3A_15 = arith.constant 0 : i32
      %scan3A_16 = arith.constant 8 : i32
      %scan3A_17 = arith.addi %scan3A_15, %scan3A_16 : i32
      %scan3A_18 = arith.constant 1 : i32
      scf.for %scan3A_20 = %scan3A_15 to %scan3A_17 step %scan3A_18  : i32 {
        %mul3A_21 = arith.constant 16 : i32
        %mul3A_22 = arith.muli %scan3A_20, %mul3A_21 : i32
        %add3A_23 = arith.constant 0 : i32
        %add3A_24 = arith.addi %add3A_23, %mul3A_22 : i32
        %get3A = arith.constant 0 : i32
        %get3A_25 = tpu.memref_slice %arg4[%add3A_14, %get3A] : memref<160x128xi32, #tpu.memory_space<vmem>> -> memref<1x128xi32, #tpu.memory_space<vmem>>
        %get3A_26 = tpu.memref_squeeze %get3A_25 : memref<1x128xi32, #tpu.memory_space<vmem>> -> memref<128xi32, #tpu.memory_space<vmem>>
        %get3A_27 = arith.index_cast %add3A_24 : i32 to index
        %get3A_28 = tpu.vector_load %get3A_26[%get3A_27] {strides = array<i32>} : memref<128xi32, #tpu.memory_space<vmem>>, vector<16xi32>,
        tpu.vector_store_idx %arg5[%get3A_28], %broadcast_in_dim3A_6 {add = true} : memref<10016xf32, #tpu.memory_space<vmem>>[vector<16xi32>], vector<16xf32>,
      }
      %scan3A_19 = arith.constant 8 : i32
    }
    %scan3A_11 = arith.constant 160 : i32
    "tpu.region"() ({
      %run_scoped3A = tpu.sem_alloc : memref<!tpu.dma_semaphore, #tpu.memory_space<semaphore_mem>>
      %dma_start3A = arith.constant 0 : i32
      %dma_start3A_12 = tpu.memref_slice %arg3[%arg1, %dma_start3A] : memref<16x10016xf32, #tpu.memory_space<hbm>> -> memref<1x10016xf32, #tpu.memory_space<hbm>>
      %dma_start3A_13 = tpu.memref_squeeze %dma_start3A_12 : memref<1x10016xf32, #tpu.memory_space<hbm>> -> memref<10016xf32, #tpu.memory_space<hbm>>
      %dma_start3A_14 = arith.constant 0 : i32
      %dma_start3A_15 = tpu.memref_slice %arg3[%arg1, %dma_start3A_14] : memref<16x10016xf32, #tpu.memory_space<hbm>> -> memref<1x10016xf32, #tpu.memory_space<hbm>>
      %dma_start3A_16 = tpu.memref_squeeze %dma_start3A_15 : memref<1x10016xf32, #tpu.memory_space<hbm>> -> memref<10016xf32, #tpu.memory_space<hbm>>
      tpu.enqueue_dma source(%arg5 : memref<10016xf32, #tpu.memory_space<vmem>>) target(%dma_start3A_16 : memref<10016xf32, #tpu.memory_space<hbm>>) target_semaphore(%run_scoped3A : memref<!tpu.dma_semaphore, #tpu.memory_space<semaphore_mem>>)
      %dma_wait3A = arith.constant 0 : i32
      %dma_wait3A_17 = tpu.memref_slice %arg3[%arg1, %dma_wait3A] : memref<16x10016xf32, #tpu.memory_space<hbm>> -> memref<1x10016xf32, #tpu.memory_space<hbm>>
      %dma_wait3A_18 = tpu.memref_squeeze %dma_wait3A_17 : memref<1x10016xf32, #tpu.memory_space<hbm>> -> memref<10016xf32, #tpu.memory_space<hbm>>
      %dma_wait3A_19 = arith.constant 0 : i32
      %dma_wait3A_20 = tpu.memref_slice %arg3[%arg1, %dma_wait3A_19] : memref<16x10016xf32, #tpu.memory_space<hbm>> -> memref<1x10016xf32, #tpu.memory_space<hbm>>
      %dma_wait3A_21 = tpu.memref_squeeze %dma_wait3A_20 : memref<1x10016xf32, #tpu.memory_space<hbm>> -> memref<10016xf32, #tpu.memory_space<hbm>>
      tpu.wait_dma2 semaphore(%run_scoped3A : memref<!tpu.dma_semaphore, #tpu.memory_space<semaphore_mem>>) src(%arg5 : memref<10016xf32, #tpu.memory_space<vmem>>) dst(%dma_wait3A_21 : memref<10016xf32, #tpu.memory_space<hbm>>)
      tpu.yield
    }) : () -> ()
    return
  }
}

module attributes {stable_mosaic.version = 14 : i64} {
  func.func @body(%arg0: i32, %arg1: memref<1000x128xf32, #tpu.memory_space<vmem>>, %arg2: memref<128x64xf32, #tpu.memory_space<vmem>>, %arg3: memref<1000x64xf32, #tpu.memory_space<vmem>>) attributes {dimension_semantics = [#tpu.dimension_semantics<arbitrary>], iteration_bounds = array<i64: 10>, scalar_prefetch = 0 : i64, scratch_operands = 0 : i64, tpu.core_type = #tpu.core_type<tc>, window_params = [{transform_indices = @transform_0, window_bounds = array<i64: 1000, 128>}, {pipeline_mode = #tpu.pipeline_mode<synchronous>, transform_indices = @transform_1, window_bounds = array<i64: 128, 64>}, {transform_indices = @transform_2, window_bounds = array<i64: 1000, 64>}]} {
    %get3A = arith.constant 0 : index
    %get3A_0 = arith.constant 0 : index
    %get3A_1 = vector.load %arg1[%get3A, %get3A_0] : memref<1000x128xf32, #tpu.memory_space<vmem>>, vector<1000x128xf32>
    %get3A_2 = arith.constant 0 : index
    %get3A_3 = arith.constant 0 : index
    %get3A_4 = vector.load %arg2[%get3A_2, %get3A_3] : memref<128x64xf32, #tpu.memory_space<vmem>>, vector<128x64xf32>
    %dot_general3A = arith.constant dense<0.000000e+00> : vector<1000x64xf32>
    %dot_general3A_5 = tpu.matmul %get3A_1, %get3A_4, %dot_general3A {dimension_numbers = #tpu.dot_dimension_numbers<[1], [0], [0], [1], [0, 0, 1, 1], [], []>, transpose_lhs_hint = false} : vector<1000x128xf32>, vector<128x64xf32>, vector<1000x64xf32> -> vector<1000x64xf32>
    %swap3A = arith.constant 0 : index
    %swap3A_6 = arith.constant 0 : index
    %swap3A_7 = vector.load %arg3[%swap3A, %swap3A_6] : memref<1000x64xf32, #tpu.memory_space<vmem>>, vector<1000x64xf32>
    tpu.vector_store %arg3[%swap3A, %swap3A_6], %dot_general3A_5 {strides = array<i32>} : memref<1000x64xf32, #tpu.memory_space<vmem>>, vector<1000x64xf32>,
    return
  }
  func.func @transform_0(%arg0: i32) -> (i32, i32) {
    %c0_i32 = arith.constant 0 : i32
    %c0_i32_0 = arith.constant 0 : i32
    return %arg0, %c0_i32 : i32, i32
  }
  func.func @transform_1(%arg0: i32) -> (i32, i32) {
    %c0_i32 = arith.constant 0 : i32
    %c0_i32_0 = arith.constant 0 : i32
    %c0_i32_1 = arith.constant 0 : i32
    return %c0_i32, %c0_i32_0 : i32, i32
  }
  func.func @transform_2(%arg0: i32) -> (i32, i32) {
    %c0_i32 = arith.constant 0 : i32
    %c0_i32_0 = arith.constant 0 : i32
    return %arg0, %c0_i32 : i32, i32
  }
}

module attributes {stable_mosaic.version = 14 : i64} {
  func.func @body(%arg0: memref<16x10016xf32, #tpu.memory_space<vmem>>, %arg1: memref<1x10016xf32, #tpu.memory_space<vmem>>) attributes {dimension_semantics = [], scalar_prefetch = 0 : i64, scratch_operands = 0 : i64, tpu.core_type = #tpu.core_type<tc>} {
    %get3A = arith.constant 0 : index
    %get3A_0 = arith.constant 0 : index
    %get3A_1 = vector.load %arg0[%get3A, %get3A_0] : memref<16x10016xf32, #tpu.memory_space<vmem>>, vector<16x10016xf32>
    %reduce_sum3A = arith.constant dense<0.000000e+00> : vector<10016xf32>
    %reduce_sum3A_2 = vector.multi_reduction <add>, %get3A_1, %reduce_sum3A [0] : vector<16x10016xf32> to vector<10016xf32>
    %broadcast_in_dim3A = vector.shape_cast %reduce_sum3A_2 : vector<10016xf32> to vector<1x10016xf32>
    %add3A = arith.constant 2.000000e+00 : f32
    %add3A_3 = vector.broadcast %add3A : f32 to vector<1x10016xf32>
    %add3A_4 = arith.addf %broadcast_in_dim3A, %add3A_3 : vector<1x10016xf32>
    %swap3A = arith.constant 0 : index
    %swap3A_5 = arith.constant 0 : index
    %swap3A_6 = vector.load %arg1[%swap3A, %swap3A_5] : memref<1x10016xf32, #tpu.memory_space<vmem>>, vector<1x10016xf32>
    tpu.vector_store %arg1[%swap3A, %swap3A_5], %add3A_4 {strides = array<i32>} : memref<1x10016xf32, #tpu.memory_space<vmem>>, vector<1x10016xf32>,
    return
  }
}

module attributes {stable_mosaic.version = 14 : i64} {
  func.func @body(%arg0: i32, %arg1: memref<1000x64xf32, #tpu.memory_space<vmem>>, %arg2: memref<1000x1xf32, #tpu.memory_space<vmem>>, %arg3: memref<1000x64xf32, #tpu.memory_space<vmem>>) attributes {dimension_semantics = [#tpu.dimension_semantics<arbitrary>], iteration_bounds = array<i64: 10>, scalar_prefetch = 0 : i64, scratch_operands = 0 : i64, tpu.core_type = #tpu.core_type<tc>, window_params = [{transform_indices = @transform_0, window_bounds = array<i64: 1000, 64>}, {transform_indices = @transform_1, window_bounds = array<i64: 1000, 1>}, {transform_indices = @transform_2, window_bounds = array<i64: 1000, 64>}]} {
    %get3A = arith.constant 0 : index
    %get3A_0 = arith.constant 0 : index
    %get3A_1 = vector.load %arg1[%get3A, %get3A_0] : memref<1000x64xf32, #tpu.memory_space<vmem>>, vector<1000x64xf32>
    %get3A_2 = arith.constant 0 : index
    %get3A_3 = arith.constant 0 : index
    %get3A_4 = vector.load %arg2[%get3A_2, %get3A_3] : memref<1000x1xf32, #tpu.memory_space<vmem>>, vector<1000x1xf32>
    %rsqrt3A = math.rsqrt %get3A_4 : vector<1000x1xf32>
    %mul3A = vector.broadcast %rsqrt3A : vector<1000x1xf32> to vector<1000x64xf32>
    %mul3A_5 = arith.mulf %get3A_1, %mul3A : vector<1000x64xf32>
    %swap3A = arith.constant 0 : index
    %swap3A_6 = arith.constant 0 : index
    %swap3A_7 = vector.load %arg3[%swap3A, %swap3A_6] : memref<1000x64xf32, #tpu.memory_space<vmem>>, vector<1000x64xf32>
    tpu.vector_store %arg3[%swap3A, %swap3A_6], %mul3A_5 {strides = array<i32>} : memref<1000x64xf32, #tpu.memory_space<vmem>>, vector<1000x64xf32>,
    return
  }
  func.func @transform_0(%arg0: i32) -> (i32, i32) {
    %c0_i32 = arith.constant 0 : i32
    %c0_i32_0 = arith.constant 0 : i32
    return %arg0, %c0_i32 : i32, i32
  }
  func.func @transform_1(%arg0: i32) -> (i32, i32) {
    %c0_i32 = arith.constant 0 : i32
    %c0_i32_0 = arith.constant 0 : i32
    return %arg0, %c0_i32 : i32, i32
  }
  func.func @transform_2(%arg0: i32) -> (i32, i32) {
    %c0_i32 = arith.constant 0 : i32
    %c0_i32_0 = arith.constant 0 : i32
    return %arg0, %c0_i32 : i32, i32
  }
}

module attributes {stable_mosaic.version = 14 : i64} {
  func.func @body(%arg0: i32, %arg1: memref<1000x32xf32, #tpu.memory_space<vmem>>, %arg2: memref<1000x32xf32, #tpu.memory_space<vmem>>, %arg3: memref<1000x64xf32, #tpu.memory_space<vmem>>, %arg4: memref<1000x1xf32, #tpu.memory_space<vmem>>, %arg5: memref<1x64xf32, #tpu.memory_space<vmem>>, %arg6: memref<1x64xf32, #tpu.memory_space<vmem>>, %arg7: memref<1x64xf32, #tpu.memory_space<vmem>>, %arg8: memref<1000x64xf32, #tpu.memory_space<vmem>>) attributes {dimension_semantics = [#tpu.dimension_semantics<arbitrary>], iteration_bounds = array<i64: 10>, scalar_prefetch = 0 : i64, scratch_operands = 0 : i64, tpu.core_type = #tpu.core_type<tc>, window_params = [{transform_indices = @transform_0, window_bounds = array<i64: 1000, 32>}, {transform_indices = @transform_1, window_bounds = array<i64: 1000, 32>}, {transform_indices = @transform_2, window_bounds = array<i64: 1000, 64>}, {transform_indices = @transform_3, window_bounds = array<i64: 1000, 1>}, {pipeline_mode = #tpu.pipeline_mode<synchronous>, transform_indices = @transform_4, window_bounds = array<i64: 1, 64>}, {pipeline_mode = #tpu.pipeline_mode<synchronous>, transform_indices = @transform_5, window_bounds = array<i64: 1, 64>}, {pipeline_mode = #tpu.pipeline_mode<synchronous>, transform_indices = @transform_6, window_bounds = array<i64: 1, 64>}, {transform_indices = @transform_7, window_bounds = array<i64: 1000, 64>}]} {
    %get3A = arith.constant 0 : index
    %get3A_0 = arith.constant 0 : index
    %get3A_1 = vector.load %arg4[%get3A, %get3A_0] : memref<1000x1xf32, #tpu.memory_space<vmem>>, vector<1000x1xf32>
    %rsqrt3A = math.rsqrt %get3A_1 : vector<1000x1xf32>
    %get3A_2 = arith.constant 0 : index
    %get3A_3 = arith.constant 0 : index
    %get3A_4 = vector.load %arg1[%get3A_2, %get3A_3] : memref<1000x32xf32, #tpu.memory_space<vmem>>, vector<1000x32xf32>
    %get3A_5 = arith.constant 0 : index
    %get3A_6 = arith.constant 0 : index
    %get3A_7 = vector.load %arg2[%get3A_5, %get3A_6] : memref<1000x32xf32, #tpu.memory_space<vmem>>, vector<1000x32xf32>
    %concatenate3A = tpu.concatenate %get3A_4, %get3A_7 in 1 : vector<1000x32xf32>, vector<1000x32xf32> -> vector<1000x64xf32>
    %get3A_8 = arith.constant 0 : index
    %get3A_9 = arith.constant 0 : index
    %get3A_10 = vector.load %arg3[%get3A_8, %get3A_9] : memref<1000x64xf32, #tpu.memory_space<vmem>>, vector<1000x64xf32>
    %mul3A = arith.constant 2.000000e+00 : f32
    %mul3A_11 = vector.broadcast %mul3A : f32 to vector<1000x64xf32>
    %mul3A_12 = arith.mulf %mul3A_11, %get3A_10 : vector<1000x64xf32>
    %add3A = arith.addf %concatenate3A, %mul3A_12 : vector<1000x64xf32>
    %mul3A_13 = vector.broadcast %rsqrt3A : vector<1000x1xf32> to vector<1000x64xf32>
    %mul3A_14 = arith.mulf %mul3A_13, %add3A : vector<1000x64xf32>
    %get3A_15 = arith.constant 0 : index
    %get3A_16 = arith.constant 0 : index
    %get3A_17 = vector.load %arg5[%get3A_15, %get3A_16] : memref<1x64xf32, #tpu.memory_space<vmem>>, vector<1x64xf32>
    %add3A_18 = vector.broadcast %get3A_17 : vector<1x64xf32> to vector<1000x64xf32>
    %add3A_19 = arith.addf %mul3A_14, %add3A_18 : vector<1000x64xf32>
    %ge3A = arith.constant 0.000000e+00 : f32
    %ge3A_20 = vector.broadcast %ge3A : f32 to vector<1000x64xf32>
    %ge3A_21 = arith.cmpf oge, %add3A_19, %ge3A_20 : vector<1000x64xf32>
    %mul3A_22 = arith.constant 0.00999999977 : f32
    %mul3A_23 = vector.broadcast %mul3A_22 : f32 to vector<1000x64xf32>
    %mul3A_24 = arith.mulf %mul3A_23, %add3A_19 : vector<1000x64xf32>
    %select_n3A = arith.select %ge3A_21, %add3A_19, %mul3A_24 : vector<1000x64xi1>, vector<1000x64xf32>
    %reduce_sum3A = arith.constant dense<0.000000e+00> : vector<1000xf32>
    %reduce_sum3A_25 = vector.multi_reduction <add>, %select_n3A, %reduce_sum3A [1] : vector<1000x64xf32> to vector<1000xf32>
    %broadcast_in_dim3A = vector.shape_cast %reduce_sum3A_25 : vector<1000xf32> to vector<1000x1xf32>
    %div3A = arith.constant 6.400000e+01 : f32
    %div3A_26 = vector.broadcast %div3A : f32 to vector<1000x1xf32>
    %div3A_27 = arith.divf %broadcast_in_dim3A, %div3A_26 : vector<1000x1xf32>
    %sub3A = vector.broadcast %div3A_27 : vector<1000x1xf32> to vector<1000x64xf32>
    %sub3A_28 = arith.subf %select_n3A, %sub3A : vector<1000x64xf32>
    %mul3A_29 = arith.mulf %sub3A_28, %sub3A_28 : vector<1000x64xf32>
    %reduce_sum3A_30 = arith.constant dense<0.000000e+00> : vector<1000xf32>
    %reduce_sum3A_31 = vector.multi_reduction <add>, %mul3A_29, %reduce_sum3A_30 [1] : vector<1000x64xf32> to vector<1000xf32>
    %broadcast_in_dim3A_32 = vector.shape_cast %reduce_sum3A_31 : vector<1000xf32> to vector<1000x1xf32>
    %div3A_33 = arith.constant 6.400000e+01 : f32
    %div3A_34 = vector.broadcast %div3A_33 : f32 to vector<1000x1xf32>
    %div3A_35 = arith.divf %broadcast_in_dim3A_32, %div3A_34 : vector<1000x1xf32>
    %add3A_36 = arith.constant 9.99999974E-6 : f32
    %add3A_37 = vector.broadcast %add3A_36 : f32 to vector<1000x1xf32>
    %add3A_38 = arith.addf %div3A_35, %add3A_37 : vector<1000x1xf32>
    %rsqrt3A_39 = math.rsqrt %add3A_38 : vector<1000x1xf32>
    %mul3A_40 = vector.broadcast %rsqrt3A_39 : vector<1000x1xf32> to vector<1000x64xf32>
    %mul3A_41 = arith.mulf %sub3A_28, %mul3A_40 : vector<1000x64xf32>
    %get3A_42 = arith.constant 0 : index
    %get3A_43 = arith.constant 0 : index
    %get3A_44 = vector.load %arg6[%get3A_42, %get3A_43] : memref<1x64xf32, #tpu.memory_space<vmem>>, vector<1x64xf32>
    %mul3A_45 = vector.broadcast %get3A_44 : vector<1x64xf32> to vector<1000x64xf32>
    %mul3A_46 = arith.mulf %mul3A_41, %mul3A_45 : vector<1000x64xf32>
    %get3A_47 = arith.constant 0 : index
    %get3A_48 = arith.constant 0 : index
    %get3A_49 = vector.load %arg7[%get3A_47, %get3A_48] : memref<1x64xf32, #tpu.memory_space<vmem>>, vector<1x64xf32>
    %add3A_50 = vector.broadcast %get3A_49 : vector<1x64xf32> to vector<1000x64xf32>
    %add3A_51 = arith.addf %mul3A_46, %add3A_50 : vector<1000x64xf32>
    %swap3A = arith.constant 0 : index
    %swap3A_52 = arith.constant 0 : index
    %swap3A_53 = vector.load %arg8[%swap3A, %swap3A_52] : memref<1000x64xf32, #tpu.memory_space<vmem>>, vector<1000x64xf32>
    tpu.vector_store %arg8[%swap3A, %swap3A_52], %add3A_51 {strides = array<i32>} : memref<1000x64xf32, #tpu.memory_space<vmem>>, vector<1000x64xf32>,
    return
  }
  func.func @transform_0(%arg0: i32) -> (i32, i32) {
    %c0_i32 = arith.constant 0 : i32
    %c0_i32_0 = arith.constant 0 : i32
    return %arg0, %c0_i32 : i32, i32
  }
  func.func @transform_1(%arg0: i32) -> (i32, i32) {
    %c0_i32 = arith.constant 0 : i32
    %c0_i32_0 = arith.constant 0 : i32
    return %arg0, %c0_i32 : i32, i32
  }
  func.func @transform_2(%arg0: i32) -> (i32, i32) {
    %c0_i32 = arith.constant 0 : i32
    %c0_i32_0 = arith.constant 0 : i32
    return %arg0, %c0_i32 : i32, i32
  }
  func.func @transform_3(%arg0: i32) -> (i32, i32) {
    %c0_i32 = arith.constant 0 : i32
    %c0_i32_0 = arith.constant 0 : i32
    return %arg0, %c0_i32 : i32, i32
  }
  func.func @transform_4(%arg0: i32) -> (i32, i32) {
    %c0_i32 = arith.constant 0 : i32
    %c0_i32_0 = arith.constant 0 : i32
    %c0_i32_1 = arith.constant 0 : i32
    return %c0_i32, %c0_i32_0 : i32, i32
  }
  func.func @transform_5(%arg0: i32) -> (i32, i32) {
    %c0_i32 = arith.constant 0 : i32
    %c0_i32_0 = arith.constant 0 : i32
    %c0_i32_1 = arith.constant 0 : i32
    return %c0_i32, %c0_i32_0 : i32, i32
  }
  func.func @transform_6(%arg0: i32) -> (i32, i32) {
    %c0_i32 = arith.constant 0 : i32
    %c0_i32_0 = arith.constant 0 : i32
    %c0_i32_1 = arith.constant 0 : i32
    return %c0_i32, %c0_i32_0 : i32, i32
  }
  func.func @transform_7(%arg0: i32) -> (i32, i32) {
    %c0_i32 = arith.constant 0 : i32
    %c0_i32_0 = arith.constant 0 : i32
    return %arg0, %c0_i32 : i32, i32
  }
}

</mosaic_0001>

<sc_bundles>
// kernel: _run.11.cloned.1.call-start
scs
__scs_entry_jumppad:
0x0: {  	(pc) =	sbr.rel $0x88, $3  }
0x1: {  	(tag) =	ssettag $0x0;
	lr =	simm.s32 $0x1  }
0x2: {  	[smem:$0x3F9B] =	sst lr;
	_ =	strace $0xD0000000  }
0x3: {  	_ = 	snop  }
0x4: {  	_ = 	snop  }
0x5: {  	_ = 	snop  }
0x6: {  	_ = 	snop  }
0x7: {  	_ = 	snop  }
__scs_overlays_trampoline_lowered:
0x8: {  	[smem:$0x3FAA] =	sst s0  }
0x9: {  	[smem:$0x3FAB] =	sst s1  }
0xa: {  	[smem:$0x3FAC] =	sst s2  }
0xb: {  	[smem:$0x3FAD] =	sst s3  }
0xc: {  	[smem:$0x3FAE] =	sst s4  }
0xd: {  	[smem:$0x3FAF] =	sst s5  }
0xe: {  	[smem:$0x3FB0] =	sst s6  }
0xf: {  	[smem:$0x3FB1] =	sst s7  }
0x10: {  	[smem:$0x3FB2] =	sst s8  }
0x11: {  	[smem:$0x3FB3] =	sst s9;
	s0 =	simm.s32 @!p0 $0x0  }
0x12: {  	s1 =	sld [smem:$0x3F99];
	s0 =	simm.s32 @p0 $0x1  }
0x13: {  	[smem:$0x3FB4] =	sst s0;
	s0 =	simm.s32 @!p1 $0x0  }
0x14: {  	s2 =	sld [smem:$0x3F98];
	s0 =	simm.s32 @p1 $0x1  }
0x15: {  	[smem:$0x3FB5] =	sst s0;
	s0 =	simm.s32 @!p2 $0x0  }
0x16: {  	s3 =	sld [smem:$0x3FDB];
	s0 =	simm.s32 @p2 $0x1  }
0x17: {  	s4 =	simm.s32 $0x1BF5;
	[smem:$0x3FB7] =	sst s0  }
0x18: {  	s0 =	sld [smem:$0x3F9A];
	_ =	swait.ge [sflag:s4], $0x0  }
0x19: {  	s7 =	sld [smem:$0x3F9B]  }
0x1a: {  	s8 =	sadd.s32 $0xFFFFE003, lr  }
0x1b: {  	s9 =	sadd.s32 $0xFFFFFEF7, lr;
	s5 =	simm.s32 $0xFFFFFFFF;
	p2 =	slt.u32 s8, $0xFFFFF086  }
0x1c: {  	p1 =	slt.u32 s9, $0xF7A;
	s5 =	simm.s32 @!p2 $0x0  }
0x1d: {  	s5 =	simm.s32 @p1 $0x1;
	p0 =	seq.s32 s7, s2  }
0x1e: {  	s7 =	smul.u32 @!p0 $0xF7A, s2;
	p2 =	seq.s32 @!p0 s5, $0x0  }
0x1f: {  	s9 =	smul.u32 $0xF7A, s1;
	s8 =	simm.s32 @!p0 $0x1BF5;
	p2 =	por !p2, p0  }
0x20: {  	[sflag:s8] =	ssyncset.s32 @!p0 $0xFFFFF086;
	s6 =	sadd.s32 @!p0 s3, s7;
	s7 =	simm.s32 @!p0 $0x108  }
0x21: {  	s3 =	sadd.s32 s3, s9;
	s6 =	sadd.s32 @!p0 $0x88, s6;
	s7 =	simm.s32 @p2 $0x1082  }
0x22: {  	[simem:s7], [sflag:s8] =	dma.local @!p0 [hbm:s6], $0xF7A  }
0x23: {  	s9 =	sor.u32 $0xD0000000, s2;
	s6 =	simm.s32 $0x108;
	_ =	swait.ge @!p0 [sflag:s8], $0x0  }
0x24: {  	s3 =	sadd.s32 $0x88, s3;
	s6 =	simm.s32 @!p1 $0x1082;
	[sflag:s4] =	ssyncset.s32 $0xFFFFF086  }
0x25: {  	[simem:s6], [sflag:s4] =	dma.local [hbm:s3], $0xF7A  }
0x26: {  	[smem:$0x3F9B] =	sst s1;
	(tag) =	ssettag s2;
	_ =	strace s9  }
0x27: {  	s1 =	sld [smem:$0x3FAB]  }
0x28: {  	s2 =	sld [smem:$0x3FAC]  }
0x29: {  	s4 =	sld [smem:$0x3FAE]  }
0x2a: {  	p0 =	seq.s32 s5, $0x0;
	s5 =	sld [smem:$0x3FAF]  }
0x2b: {  	s6 =	sld [smem:$0x3FB0]  }
0x2c: {  	s7 =	sld [smem:$0x3FB1]  }
0x2d: {  	s3 =	simm.s32 $0x108;
	s8 =	sld [smem:$0x3FB2]  }
0x2e: {  	s3 =	simm.s32 @!p0 $0x1082;
	s9 =	sld [smem:$0x3FB3]  }
0x2f: {  	lr =	sadd.s32 s0, s3;
	s0 =	sld [smem:$0x3FAA]  }
0x30: {  	s3 =	sld [smem:$0x3FAD]  }
0x31: {  	[smem:$0x3FB6] =	sst s10  }
0x32: {  	s10 =	sld [smem:$0x3FB4];
	_ =	sdelay $0x3  }
0x33: {  	p0 =	seq.s32 s10, $0x1;
	s10 =	sld [smem:$0x3FB6];
	_ =	sdelay $0x3  }
0x34: {  	[smem:$0x3FB6] =	sst s10  }
0x35: {  	s10 =	sld [smem:$0x3FB5];
	_ =	sdelay $0x3  }
0x36: {  	p1 =	seq.s32 s10, $0x1;
	s10 =	sld [smem:$0x3FB6];
	_ =	sdelay $0x3  }
0x37: {  	[smem:$0x3FB6] =	sst s10  }
0x38: {  	s10 =	sld [smem:$0x3FB7]  }
0x39: {  	_ = 	snop;
	(pc) =	sbr.ind lr, $3  }
0x3a: {  	_ = 	snop  }
0x3b: {  	_ = 	snop  }
0x3c: {  	p2 =	seq.s32 s10, $0x1;
	s10 =	sld [smem:$0x3FB6]  }
0x3d: {  	_ =	shalt  }
0x3e: {  	_ =	shalt  }
0x3f: {  	_ =	shalt  }
0x40: {  	_ =	shalt  }
0x41: {  	_ =	shalt  }
0x42: {  	_ =	shalt  }
0x43: {  	_ =	shalt  }
0x44: {  	_ =	shalt  }
0x45: {  	_ =	shalt  }
0x46: {  	_ =	shalt  }
0x47: {  	_ =	shalt  }
0x48: {  	_ =	shalt  }
0x49: {  	_ =	shalt  }
0x4a: {  	_ =	shalt  }
0x4b: {  	_ =	shalt  }
0x4c: {  	_ =	shalt  }
0x4d: {  	_ =	shalt  }
0x4e: {  	_ =	shalt  }
0x4f: {  	_ =	shalt  }
0x50: {  	_ =	shalt  }
0x51: {  	_ =	shalt  }
0x52: {  	_ =	shalt  }
0x53: {  	_ =	shalt  }
0x54: {  	_ =	shalt  }
0x55: {  	_ =	shalt  }
0x56: {  	_ =	shalt  }
0x57: {  	_ =	shalt  }
0x58: {  	_ =	shalt  }
0x59: {  	_ =	shalt  }
0x5a: {  	_ =	shalt  }
0x5b: {  	_ =	shalt  }
0x5c: {  	_ =	shalt  }
0x5d: {  	_ =	shalt  }
0x5e: {  	_ =	shalt  }
0x5f: {  	_ =	shalt  }
0x60: {  	_ =	shalt  }
0x61: {  	_ =	shalt  }
0x62: {  	_ =	shalt  }
0x63: {  	_ =	shalt  }
0x64: {  	_ =	shalt  }
0x65: {  	_ =	shalt  }
0x66: {  	_ =	shalt  }
0x67: {  	_ =	shalt  }
0x68: {  	_ =	shalt  }
0x69: {  	_ =	shalt  }
0x6a: {  	_ =	shalt  }
0x6b: {  	_ =	shalt  }
0x6c: {  	_ =	shalt  }
0x6d: {  	_ =	shalt  }
0x6e: {  	_ =	shalt  }
0x6f: {  	_ =	shalt  }
0x70: {  	_ =	shalt  }
0x71: {  	_ =	shalt  }
0x72: {  	_ =	shalt  }
0x73: {  	_ =	shalt  }
0x74: {  	_ =	shalt  }
0x75: {  	_ =	shalt  }
0x76: {  	_ =	shalt  }
0x77: {  	_ =	shalt  }
0x78: {  	_ =	shalt  }
0x79: {  	_ =	shalt  }
0x7a: {  	_ =	shalt  }
0x7b: {  	_ =	shalt  }
0x7c: {  	_ =	shalt  }
0x7d: {  	_ =	shalt  }
0x7e: {  	_ =	shalt  }
0x7f: {  	_ =	shalt  }
0x80: {  	_ =	shalt  }
0x81: {  	_ =	shalt  }
0x82: {  	_ =	shalt  }
0x83: {  	_ =	shalt  }
0x84: {  	_ =	shalt  }
0x85: {  	_ =	shalt  }
0x86: {  	_ =	shalt  }
0x87: {  	_ =	shalt  }
.Lfunc_end0:
.L_simem_size_0:
called_computation.1_lowered:
.L_overlay_start_0:
0x88: {  	s2 =	sld [smem:$0x3FD9]  }
0x89: {  	s3 =	sld [smem:$0x3FFE];
	_ =	sdelay $0x1  }
0x8a: {  	s1 =	srdreg.scid  }
0x8b: {  	s0 =	sand.u32 $0x1, s1  }
0x8c: {  	s17 =	sshll.u32 s0, $0xA;
	s2 =	sadd.s32 s3, s2  }
0x8d: {  	s2 =	sadd.s32 s2, s17  }
0x8e: {  	[smem:$0x3FC2] =	sst s2  }
0x8f: {  	_ = 	snop  }
0x90: {  	s2 =	sld [smem:$0x3FD0];
	(tm) =	ssettm $0x1  }
0x91: {  	s18 =	sld [smem:$0x3FFB];
	_ =	sdelay $0x3  }
0x92: {  	_ =	strace s18  }
0x93: {  	s3 =	sld [smem:$0x3FFC];
	_ =	sdelay $0x3  }
0x94: {  	_ =	strace s3  }
0x95: {  	s3 =	sld [smem:$0x3FFD];
	_ =	sdelay $0x3  }
0x96: {  	_ =	strace s3  }
0x97: {  	_ =	strace $0x8FFFFFFF  }
0x98: {  	s19 =	sld [smem:$0x3FDB];
	_ =	sdelay $0x1  }
0x99: {  	s4 =	simm.s32 $_scs_section_size  }
0x9a: {  	s5 =	simm.s32 $_size__tile_overlayer_lowered;
	s6 =	simm.s32 $_tile_overlayer_lowered  }
0x9b: {  	s22 =	simm.s32 $0x1BFF;
	s21 =	sshll.u32 s6, $0x1;
	s3 =	sadd.s32 s4, s19  }
0x9c: {  	s7 =	simm.s32 $0x0;
	s20 =	sshll.u32 s5, $0x1;
	s5 =	sadd.s32 s21, s3  }
0x9d: {  	[timem:s7], [sflag:s22] =	dma.local [hbm:s5], s20  }
0x9e: {  	_ =	swait.ge [sflag:s22], s20  }
0x9f: {  	s4 =	ssub.s32 $0x0, s20;
	[sflag:s22] =	ssyncset.done $0x0  }
0xa0: {  	[sflag:s22] =	ssyncadd.s32 s4;
	_ =	sdelay $0x1  }
0xa1: {  	s23 =	simm.s32 $0x1B8B  }
0xa2: {  	_ =	swait.ge [sflag:s23], $0x1  }
0xa3: {  	[sflag:s23] =	ssyncset.done $0x0  }
0xa4: {  	s25 =	simm.s32 $0x1B8E;
	s24 =	sld [smem:$0x3FFE];
	[sflag:s23] =	ssyncadd.s32 $0xFFFFFFFF  }
0xa5: {  	s26 =	simm.s32 $execute0_lowered;
	[smem:$0x3FD2] =	sst s25  }
0xa6: {  	s5 =	sshll.u32 s26, $0x1;
	_ =	strace $0x80000049;
	[dreg:$0x1] =	wrdreg $0xFFFFFFFF  }
0xa7: {  	s28 =	simm.s32 $_size_execute0_lowered;
	s3 =	sadd.s32 s3, s5;
	[dreg:$0x0] =	wrdreg $0x0  }
0xa8: {  	s5 =	sshll.u32 s28, $0x1;
	[dreg:$0x2] =	wrdreg s3  }
0xa9: {  	[dreg:$0x3] =	wrdreg s5  }
0xaa: {  	[dreg:$0x4] =	wrdreg $0xC0  }
0xab: {  	_ =	task [dreg:s7], $0x5FFFF  }
0xac: {  	[dreg:$0x1] =	wrdreg $0xFFFFFFFF  }
0xad: {  	[dreg:$0x0] =	wrdreg $0x60  }
0xae: {  	[dreg:$0x2] =	wrdreg s24  }
0xaf: {  	[dreg:$0x3] =	wrdreg s2  }
0xb0: {  	[dreg:$0x4] =	wrdreg $0x120000  }
0xb1: {  	[dreg:$0x5] =	wrdreg $0x170000  }
0xb2: {  	[dreg:$0x6] =	wrdreg $0x9  }
0xb3: {  	_ =	task.clear_ibuf [dreg:s7], $0x7FFFF;
	_ =	strace $0x90000049  }
0xb4: {  	s29 =	simm.s32 $0x9;
	_ =	strace $0x8000004B  }
0xb5: {  	_ =	swait.ge [sflag:s29], $0x1  }
0xb6: {  	[sflag:s29] =	ssyncadd.s32 $0xFFFFFFFF  }
0xb7: {  	_ =	strace $0x9000004B  }
0xb8: {  	_ =	sfence  }
0xb9: {  	s30 =	sld [smem:$0x0];
	_ =	sdelay $0x2  }
0xba: {  	s31 =	sshll.u32 s1, $0xD;
	s1 =	sshrl.u32 s1, $0x2  }
0xbb: {  	s3 =	sand.u32 $0x4000, s31;
	s1 =	sadd.s32 s1, s30  }
0xbc: {  	s0 =	sor.u32 s3, s0;
	s1 =	sshll.u32 s1, $0x11  }
0xbd: {  	s0 =	sor.u32 s1, s0  }
0xbe: {  	s0 =	sadd.s32 $0x8F2B, s0  }
0xbf: {  	[sflag:s0] =	ssyncadd.remote.s32 $0x1  }
0xc0: {  	_ =	sfence.sel $0xFFFF  }
0xc1: {  	[dreg:$0x0] =	wrdreg $0xFFFFFFFF;
	(pc) =	sbr.abs _section_cstart, $3  }
0xc2: {  	[dreg:$0x1] =	wrdreg $0xFFFFFFFF  }
0xc3: {  	_ =	task.clear_ibuf [dreg:s7], $0x2FFFF;
	_ =	strace $0x9FFFFFFF  }
0xc4: {  	(tm) =	ssettm $0x7FFFFFFF  }
0xc5: {  	_ =	shalt  }
tec
execute0_lowered:
.L_overlay_start_1:
0x0: {  	(tag) =	ssettag $0x1  }
0x1: {  	s0 =	rddreg [dreg:$0x0]  }
0x2: {  	s1 =	rddreg [dreg:$0x1]  }
0x3: {  	s2 =	rddreg [dreg:$0x2];
	s11 =	stileid.u32  }
0x4: {  	s4 =	srdreg.scid;
	s3 =	rddreg [dreg:$0x3]  }
0x5: {  	s29 =	simm.s32 $0x7;
	s30 =	simm.s32 $0xB;
	s28 =	simm.s32 $0xD  }
0x6: {  	s5 =	smul.u32 $0xA00, s11;
	s6 =	sand.u32 $0x1, s4;
	s4 =	simm.s32 $0x0  }
0x7: {  	s31 =	simm.s32 $0xF000;
	s8 =	smul.u32 $0x14000, s11;
	[smem:$0x7FF] =	sst s4  }
0x8: {  	s7 =	smul.u32 $0xA000, s6;
	s6 =	ssub.s32 $0x2, s6;
	_ =	strace $0x8000004A  }
0x9: {  	s9 =	sadd.s32 s5, s0;
	s10 =	sshrl.u32 s6, $0x1;
	s1 =	sadd.s32 s1, s5  }
0xa: {  	s13 =	sshrl.u32 s8, $0x2;
	s15 =	sadd.s32 $0x6400, s9;
	[dreg:$0x9] =	wrdreg s1  }
0xb: {  	s0 =	sadd.s32 s7, s0;
	s13 =	sadd.s32 s13, s2;
	[dreg:$0x8] =	wrdreg s15  }
0xc: {  	s6 =	ssub.s32 s6, s10;
	s14 =	sadd.s32 $0x10400, s0;
	[dreg:$0x6] =	wrdreg s13  }
0xd: {  	s7 =	smul.u32 $0x5000, s11;
	s0 =	sadd.s32 $0x24400, s0;
	[dreg:$0x7] =	wrdreg s14  }
0xe: {  	s5 =	simm.s32 $0x8;
	s16 =	smax.u32 s6, $0x1;
	[dreg:$0xa] =	wrdreg s0  }
0xf: {  	s10 =	simm.s32 $0xE;
	s15 =	sshrl.u32 s7, $0x3;
	[dreg:$0xc] =	wrdreg s16  }
0x10: {  	s17 =	sadd.s32 $0x1000, s7;
	s18 =	sadd.s32 s7, s3;
	s20 =	sadd.s32 $0x2000, s7  }
0x11: {  	s23 =	sadd.s32 $0x3000, s7;
	s21 =	sshrl.u32 s17, $0x3;
	[dreg:$0xb] =	wrdreg s15  }
0x12: {  	s11 =	sadd.s32 $0x4000, s7;
	s24 =	sshrl.u32 s20, $0x3;
	[dreg:$0xd] =	wrdreg s21  }
0x13: {  	s7 =	sadd.s32 s7, s2;
	s12 =	sshrl.u32 s23, $0x3;
	[dreg:$0xe] =	wrdreg s24  }
0x14: {  	s19 =	sadd.s32 s17, s3;
	s14 =	sshrl.u32 s11, $0x3;
	[dreg:$0xf] =	wrdreg s12  }
0x15: {  	s25 =	sadd.s32 s23, s3;
	s1 =	sshrl.u32 s18, $0x3;
	[dreg:$0x10] =	wrdreg s14  }
0x16: {  	s9 =	sadd.s32 s23, s2;
	s23 =	sadd.s32 $0x1000, s13;
	[dreg:$0x11] =	wrdreg s1  }
0x17: {  	s22 =	sadd.s32 s20, s3;
	s14 =	sshrl.u32 s19, $0x3;
	[dreg:$0x1b] =	wrdreg s23  }
0x18: {  	s26 =	sadd.s32 s11, s3;
	s16 =	sshrl.u32 s22, $0x3;
	[dreg:$0x12] =	wrdreg s14  }
0x19: {  	s0 =	sadd.s32 s17, s2;
	s17 =	sshrl.u32 s25, $0x3;
	[dreg:$0x13] =	wrdreg s16  }
0x1a: {  	s6 =	sadd.s32 s20, s2;
	s18 =	sshrl.u32 s26, $0x3;
	[dreg:$0x14] =	wrdreg s17  }
0x1b: {  	s11 =	sadd.s32 s11, s2;
	s19 =	sshrl.u32 s7, $0x3;
	[dreg:$0x15] =	wrdreg s18  }
0x1c: {  	s0 =	sshrl.u32 s0, $0x3;
	s20 =	sshrl.u32 s6, $0x3;
	[dreg:$0x16] =	wrdreg s19  }
0x1d: {  	s21 =	sshrl.u32 s9, $0x3;
	s22 =	sshrl.u32 s11, $0x3;
	[dreg:$0x17] =	wrdreg s0  }
0x1e: {  	s24 =	sadd.s32 $0x2000, s13;
	s25 =	sadd.s32 $0x3000, s13;
	[dreg:$0x18] =	wrdreg s20  }
0x1f: {  	s26 =	sadd.s32 $0x4000, s13;
	s1 =	simm.s32 $0x11;
	[dreg:$0x19] =	wrdreg s21  }
0x20: {  	s7 =	simm.s32 $0x80;
	s11 =	simm.s32 $0xC000;
	[dreg:$0x1a] =	wrdreg s22  }
0x21: {  	s23 =	simm.s32 $0x4;
	s12 =	simm.s32 $0xF;
	[dreg:$0x1c] =	wrdreg s24  }
.Ltmp0:
0x22: {  	s13 =	simm.s32 $0x10;
	[dreg:$0x1d] =	wrdreg s25;
	(pc) =	sbr.rel .LBB2_1-.Ltmp0, $4  }
0x23: {  	[dreg:$0x1e] =	wrdreg s26;
	s16 =	simm.s32 $0xD000;
	s17 =	simm.s32 $0x1  }
0x24: {  	s18 =	simm.s32 $0xE000;
	s19 =	simm.s32 $0x2;
	s21 =	simm.s32 $0x3  }
0x25: {  	s22 =	simm.s32 $0x10000;
	s24 =	simm.s32 $0x11000;
	s25 =	simm.s32 $0x5  }
0x26: {  	v0 =	vimm.f32 $0.0e+00;
	s26 =	simm.s32 $0x9;
	s0 =	simm.s32 $0xC;
	s20 =	simm.s32 $0xB000  }
.LBB2_6:
0x27: {  	_ =	swait.ge [sflag:s5], $0x1000  }
0x28: {  	[sflag:s5] =	ssyncset.done $0x0  }
0x29: {  	[sflag:s5] =	ssyncadd.s32 $0xFFFFF000  }
0x2a: {  	[spmem:s2] =	stream.indirect.scatter.add.f32 [tilespmem:s24], [sflag:$0x10], $0x20, s9, s7, $0xb8;
	[tilespmem:$0x1C000] =	vst v63  }
0x2b: {  	_ =	swait.ge [sflag:s0], $0x1000  }
0x2c: {  	[sflag:s0] =	ssyncset.done $0x0  }
0x2d: {  	[sflag:s0] =	ssyncadd.s32 $0xFFFFF000  }
0x2e: {  	_ =	swait.ge [sflag:s28], $0x1000  }
0x2f: {  	[sflag:s28] =	ssyncset.done $0x0  }
0x30: {  	[sflag:s28] =	ssyncadd.s32 $0xFFFFF000  }
0x31: {  	_ =	swait.ge [sflag:s10], $0x1000  }
0x32: {  	[sflag:s10] =	ssyncset.done $0x0  }
0x33: {  	[sflag:s10] =	ssyncadd.s32 $0xFFFFF000  }
0x34: {  	_ =	swait.ge [sflag:s12], $0x1000  }
0x35: {  	[sflag:s12] =	ssyncset.done $0x0  }
0x36: {  	[sflag:s12] =	ssyncadd.s32 $0xFFFFF000  }
0x37: {  	_ =	swait.ge [sflag:s13], $0x1000  }
0x38: {  	[sflag:s13] =	ssyncset.done $0x0  }
0x39: {  	[sflag:s13] =	ssyncadd.s32 $0xFFFFF000  }
0x3a: {  	[bflag:$0x0] =	sbarrier.arrive $0xFFFF  }
0x3b: {  	s6 =	rddreg [dreg:$0xa]  }
0x3c: {  	s15 =	rddreg [dreg:$0xb]  }
0x3d: {  	s8 =	rddreg [dreg:$0x16]  }
0x3e: {  	s1 =	simm.s32 $0x11;
	s9 =	rddreg [dreg:$0x1f];
	s4 =	sadd.s32 s15, s6  }
0x3f: {  	[hbm:s4], [sflag:s9] =	dma.local [spmem:s8], $0x200  }
0x40: {  	_ =	swait.ge [sflag:s1], $0x200  }
0x41: {  	[sflag:s1] =	ssyncset.done $0x0;
	s8 =	rddreg [dreg:$0xd]  }
0x42: {  	s14 =	rddreg [dreg:$0x17];
	[sflag:s1] =	ssyncadd.s32 $0xFFFFFE00;
	s4 =	sadd.s32 s8, s6  }
0x43: {  	[hbm:s4], [sflag:s9] =	dma.local [spmem:s14], $0x200  }
0x44: {  	_ =	swait.ge [sflag:s1], $0x200  }
0x45: {  	[sflag:s1] =	ssyncset.done $0x0;
	s8 =	rddreg [dreg:$0xe]  }
0x46: {  	s14 =	rddreg [dreg:$0x18];
	[sflag:s1] =	ssyncadd.s32 $0xFFFFFE00;
	s4 =	sadd.s32 s8, s6  }
0x47: {  	[hbm:s4], [sflag:s9] =	dma.local [spmem:s14], $0x200  }
0x48: {  	_ =	swait.ge [sflag:s1], $0x200  }
0x49: {  	[sflag:s1] =	ssyncset.done $0x0;
	s8 =	rddreg [dreg:$0xf]  }
0x4a: {  	s14 =	rddreg [dreg:$0x19];
	[sflag:s1] =	ssyncadd.s32 $0xFFFFFE00;
	s4 =	sadd.s32 s8, s6  }
0x4b: {  	[hbm:s4], [sflag:s9] =	dma.local [spmem:s14], $0x200  }
0x4c: {  	_ =	swait.ge [sflag:s1], $0x200  }
0x4d: {  	[sflag:s1] =	ssyncset.done $0x0;
	s14 =	rddreg [dreg:$0x10]  }
0x4e: {  	s8 =	rddreg [dreg:$0x1a];
	[sflag:s1] =	ssyncadd.s32 $0xFFFFFE00;
	s4 =	sadd.s32 s14, s6  }
0x4f: {  	[hbm:s4], [sflag:s9] =	dma.local [spmem:s8], $0x200  }
0x50: {  	_ =	swait.ge [sflag:s1], $0x200  }
0x51: {  	s9 =	rddreg [dreg:$0x5]  }
0x52: {  	s14 =	rddreg [dreg:$0xc];
	s4 =	sadd.s32 $0x1, s9  }
0x53: {  	p0 =	sne.s32 s4, s14  }
.Ltmp1:
0x54: {  	_ = 	snop;
	(pc) =	sbr.rel @!p0 .LBB2_7-.Ltmp1, $3  }
0x55: {  	_ =	sdelay $0x1  }
0x56: {  	[sflag:s1] =	ssyncset.done $0x0  }
0x57: {  	[sflag:s1] =	ssyncadd.s32 $0xFFFFFE00  }
.LBB2_1:
0x58: {  	[dreg:$0x5] =	wrdreg s4;
	s6 =	simm.s32 $0x80;
	s9 =	simm.s32 $0x0  }
.LBB2_2:
0x59: {  	p0 =	sne.s32 s6, $0x3F80;
	[tilespmem:s9+$0xA000] =	vst v0;
	s14 =	smov.u32 s6;
	s6 =	sadd.s32 $0x80, s6  }
.Ltmp2:
0x5a: {  	[tilespmem:s9+$0xA010] =	vst v0;
	(pc) =	sbr.rel @p0 .LBB2_2-.Ltmp2, $2  }
0x5b: {  	_ =	sdelay $0x2  }
0x5c: {  	s9 =	sshra.s32 s14, $0x2  }
0x5d: {  	[tilespmem:s9+$0xA000] =	vst v0  }
0x5e: {  	[tilespmem:s9+$0xA010] =	vst v0;
	s4 =	rddreg [dreg:$0x6];
	s14 =	simm.s32 $0xA000  }
0x5f: {  	[spmem:s4] =	stream.linear.scatter [tilespmem:s14], [sflag:$0x11], $0x1000, $0x38;
	[tilespmem:$0x1C000] =	vst v63  }
0x60: {  	_ =	swait.ge [sflag:s1], $0x1000  }
0x61: {  	[sflag:s1] =	ssyncset.done $0x0  }
0x62: {  	s9 =	rddreg [dreg:$0x1b];
	[sflag:s1] =	ssyncadd.s32 $0xFFFFF000  }
0x63: {  	[spmem:s9] =	stream.linear.scatter [tilespmem:s14], [sflag:$0x11], $0x1000, $0x38;
	[tilespmem:$0x1C000] =	vst v63  }
0x64: {  	_ =	swait.ge [sflag:s1], $0x1000  }
0x65: {  	[sflag:s1] =	ssyncset.done $0x0  }
0x66: {  	s6 =	rddreg [dreg:$0x1c];
	[sflag:s1] =	ssyncadd.s32 $0xFFFFF000  }
0x67: {  	[spmem:s6] =	stream.linear.scatter [tilespmem:s14], [sflag:$0x11], $0x1000, $0x38;
	[tilespmem:$0x1C000] =	vst v63  }
0x68: {  	_ =	swait.ge [sflag:s1], $0x1000  }
0x69: {  	[sflag:s1] =	ssyncset.done $0x0  }
0x6a: {  	s8 =	rddreg [dreg:$0x1d];
	[sflag:s1] =	ssyncadd.s32 $0xFFFFF000  }
0x6b: {  	[spmem:s8] =	stream.linear.scatter [tilespmem:s14], [sflag:$0x11], $0x1000, $0x38;
	[tilespmem:$0x1C000] =	vst v63  }
0x6c: {  	_ =	swait.ge [sflag:s1], $0x1000  }
0x6d: {  	[sflag:s1] =	ssyncset.done $0x0  }
0x6e: {  	s9 =	rddreg [dreg:$0x1e];
	[sflag:s1] =	ssyncadd.s32 $0xFFFFF000  }
0x6f: {  	[spmem:s9] =	stream.linear.scatter [tilespmem:s14], [sflag:$0x11], $0x1000, $0x38;
	[tilespmem:$0x1C000] =	vst v63  }
0x70: {  	_ =	swait.ge [sflag:s1], $0x1000  }
0x71: {  	s6 =	stileid.u32;
	s4 =	rddreg [dreg:$0x7]  }
0x72: {  	s6 =	sshll.u32 s6, $0x6;
	[sflag:s1] =	ssyncset.done $0x0;
	s8 =	rddreg [dreg:$0x11]  }
0x73: {  	[sflag:s1] =	ssyncadd.s32 $0xFFFFF000;
	s9 =	sadd.s32 s15, s4;
	s15 =	sor.u32 $0x1C11, s6  }
0x74: {  	[spmem:s8], [sflag:s15] =	dma.local [hbm:s9], $0x200  }
0x75: {  	_ =	swait.ge [sflag:s1], $0x200  }
0x76: {  	[sflag:s1] =	ssyncset.done $0x0;
	s9 =	rddreg [dreg:$0xd]  }
0x77: {  	s8 =	rddreg [dreg:$0x12];
	[sflag:s1] =	ssyncadd.s32 $0xFFFFFE00;
	s6 =	sadd.s32 s9, s4  }
0x78: {  	[spmem:s8], [sflag:s15] =	dma.local [hbm:s6], $0x200  }
0x79: {  	_ =	swait.ge [sflag:s1], $0x200  }
0x7a: {  	[sflag:s1] =	ssyncset.done $0x0;
	s8 =	rddreg [dreg:$0xe]  }
0x7b: {  	s9 =	rddreg [dreg:$0x13];
	[sflag:s1] =	ssyncadd.s32 $0xFFFFFE00;
	s6 =	sadd.s32 s8, s4  }
0x7c: {  	[spmem:s9], [sflag:s15] =	dma.local [hbm:s6], $0x200  }
0x7d: {  	_ =	swait.ge [sflag:s1], $0x200  }
0x7e: {  	[sflag:s1] =	ssyncset.done $0x0;
	s8 =	rddreg [dreg:$0xf]  }
0x7f: {  	s9 =	rddreg [dreg:$0x14];
	[sflag:s1] =	ssyncadd.s32 $0xFFFFFE00;
	s6 =	sadd.s32 s8, s4  }
0x80: {  	[spmem:s9], [sflag:s15] =	dma.local [hbm:s6], $0x200  }
0x81: {  	_ =	swait.ge [sflag:s1], $0x200;
	[dreg:$0x1f] =	wrdreg s15  }
0x82: {  	[sflag:s1] =	ssyncset.done $0x0;
	s8 =	rddreg [dreg:$0x10]  }
0x83: {  	s9 =	rddreg [dreg:$0x15];
	[sflag:s1] =	ssyncadd.s32 $0xFFFFFE00;
	s6 =	sadd.s32 s8, s4  }
0x84: {  	[spmem:s9], [sflag:s15] =	dma.local [hbm:s6], $0x200  }
0x85: {  	_ =	swait.ge [sflag:s1], $0x200  }
0x86: {  	[sflag:s1] =	ssyncset.done $0x0  }
0x87: {  	[sflag:s1] =	ssyncadd.s32 $0xFFFFFE00  }
0x88: {  	[bflag:$0x0] =	sbarrier.arrive $0xFFFF  }
0x89: {  	s15 =	simm.s32 $0x0;
	s6 =	rddreg [dreg:$0x8]  }
0x8a: {  	[tilespmem:s15], [sflag:$0x11] =	stream.linear.gather [hbm4b:s6+s15], $0x5000, $0x38;
	[tilespmem:$0x1C000] =	vst v63  }
0x8b: {  	_ =	swait.ge [sflag:s1], $0x5000  }
0x8c: {  	[sflag:s1] =	ssyncset.done $0x0  }
0x8d: {  	s6 =	simm.s32 $0x5000;
	s8 =	rddreg [dreg:$0x9];
	[sflag:s1] =	ssyncadd.s32 $0xFFFFB000  }
0x8e: {  	[tilespmem:s6], [sflag:$0x11] =	stream.linear.gather [hbm4b:s8+s15], $0x5000, $0x38;
	[tilespmem:$0x1C000] =	vst v63  }
0x8f: {  	_ =	swait.ge [sflag:s1], $0x5000  }
0x90: {  	[sflag:s1] =	ssyncset.done $0x0  }
0x91: {  	[sflag:s1] =	ssyncadd.s32 $0xFFFFB000  }
0x92: {  	[tilespmem:s14], [sflag:$0x1] =	stream.indirect.gather [spmem:s3], $0x20, s15, s7, $0xb8;
	[tilespmem:$0x1C000] =	vst v63  }
0x93: {  	s4 =	simm.s32 $0xB000  }
0x94: {  	[tilespmem:s4], [sflag:$0x2] =	stream.indirect.gather [spmem:s3], $0x20, s7, s7, $0xb8;
	[tilespmem:$0x1C000] =	vst v63  }
0x95: {  	s9 =	simm.s32 $0x100  }
0x96: {  	[tilespmem:s11], [sflag:$0x3] =	stream.indirect.gather [spmem:s3], $0x20, s9, s7, $0xb8;
	[tilespmem:$0x1C000] =	vst v63  }
0x97: {  	s1 =	simm.s32 $0x180  }
0x98: {  	[tilespmem:s16], [sflag:$0x4] =	stream.indirect.gather [spmem:s3], $0x20, s1, s7, $0xb8;
	[tilespmem:$0x1C000] =	vst v63  }
0x99: {  	_ =	swait.ge [sflag:s17], $0x1000  }
0x9a: {  	[sflag:s17] =	ssyncset.done $0x0  }
0x9b: {  	[sflag:s17] =	ssyncadd.s32 $0xFFFFF000  }
0x9c: {  	[spmem:s2] =	stream.indirect.scatter.add.f32 [tilespmem:s14], [sflag:$0x9], $0x20, s6, s7, $0xb8;
	[tilespmem:$0x1C000] =	vst v63  }
0x9d: {  	s8 =	simm.s32 $0x200  }
0x9e: {  	[tilespmem:s18], [sflag:$0x5] =	stream.indirect.gather [spmem:s3], $0x20, s8, s7, $0xb8;
	[tilespmem:$0x1C000] =	vst v63  }
0x9f: {  	_ =	swait.ge [sflag:s19], $0x1000  }
0xa0: {  	[sflag:s19] =	ssyncset.done $0x0  }
0xa1: {  	s9 =	simm.s32 $0x5080;
	[sflag:s19] =	ssyncadd.s32 $0xFFFFF000  }
0xa2: {  	[spmem:s2] =	stream.indirect.scatter.add.f32 [tilespmem:s4], [sflag:$0xA], $0x20, s9, s7, $0xb8;
	[tilespmem:$0x1C000] =	vst v63  }
0xa3: {  	s1 =	simm.s32 $0x280;
	s8 =	simm.s32 $0xF000  }
0xa4: {  	[tilespmem:s8], [sflag:$0x6] =	stream.indirect.gather [spmem:s3], $0x20, s1, s7, $0xb8;
	[tilespmem:$0x1C000] =	vst v63  }
0xa5: {  	_ =	swait.ge [sflag:s21], $0x1000  }
0xa6: {  	[sflag:s21] =	ssyncset.done $0x0  }
0xa7: {  	s6 =	simm.s32 $0x5100;
	[sflag:s21] =	ssyncadd.s32 $0xFFFFF000  }
0xa8: {  	[spmem:s2] =	stream.indirect.scatter.add.f32 [tilespmem:s11], [sflag:$0xB], $0x20, s6, s7, $0xb8;
	[tilespmem:$0x1C000] =	vst v63  }
0xa9: {  	s9 =	simm.s32 $0x300  }
0xaa: {  	[tilespmem:s22], [sflag:$0x7] =	stream.indirect.gather [spmem:s3], $0x20, s9, s7, $0xb8;
	[tilespmem:$0x1C000] =	vst v63  }
0xab: {  	_ =	swait.ge [sflag:s23], $0x1000  }
0xac: {  	[sflag:s23] =	ssyncset.done $0x0  }
0xad: {  	s6 =	simm.s32 $0x5180;
	[sflag:s23] =	ssyncadd.s32 $0xFFFFF000  }
0xae: {  	[spmem:s2] =	stream.indirect.scatter.add.f32 [tilespmem:s16], [sflag:$0xC], $0x20, s6, s7, $0xb8;
	[tilespmem:$0x1C000] =	vst v63  }
0xaf: {  	s9 =	simm.s32 $0x380  }
0xb0: {  	[tilespmem:s24], [sflag:$0x8] =	stream.indirect.gather [spmem:s3], $0x20, s9, s7, $0xb8;
	[tilespmem:$0x1C000] =	vst v63  }
0xb1: {  	_ =	swait.ge [sflag:s25], $0x1000  }
0xb2: {  	[sflag:s25] =	ssyncset.done $0x0  }
0xb3: {  	s6 =	simm.s32 $0x5200;
	[sflag:s25] =	ssyncadd.s32 $0xFFFFF000  }
0xb4: {  	[spmem:s2] =	stream.indirect.scatter.add.f32 [tilespmem:s18], [sflag:$0xD], $0x20, s6, s7, $0xb8;
	[tilespmem:$0x1C000] =	vst v63  }
0xb5: {  	_ =	swait.ge [sflag:s26], $0x1000  }
0xb6: {  	[sflag:s26] =	ssyncset.done $0x0  }
0xb7: {  	s9 =	simm.s32 $0x400;
	[sflag:s26] =	ssyncadd.s32 $0xFFFFF000  }
0xb8: {  	[tilespmem:s14], [sflag:$0x1] =	stream.indirect.gather [spmem:s3], $0x20, s9, s7, $0xb8;
	[tilespmem:$0x1C000] =	vst v63  }
0xb9: {  	s9 =	simm.s32 $0x6  }
0xba: {  	_ =	swait.ge [sflag:s9], $0x1000  }
0xbb: {  	[sflag:s9] =	ssyncset.done $0x0  }
0xbc: {  	s14 =	simm.s32 $0x5280;
	[sflag:s9] =	ssyncadd.s32 $0xFFFFF000;
	s9 =	simm.s32 $0xA  }
0xbd: {  	[spmem:s2] =	stream.indirect.scatter.add.f32 [tilespmem:s8], [sflag:$0xE], $0x20, s14, s7, $0xb8;
	[tilespmem:$0x1C000] =	vst v63  }
0xbe: {  	_ =	swait.ge [sflag:s9], $0x1000  }
0xbf: {  	[sflag:s9] =	ssyncset.done $0x0  }
0xc0: {  	s14 =	simm.s32 $0x480;
	[sflag:s9] =	ssyncadd.s32 $0xFFFFF000  }
0xc1: {  	[tilespmem:s4], [sflag:$0x2] =	stream.indirect.gather [spmem:s3], $0x20, s14, s7, $0xb8;
	[tilespmem:$0x1C000] =	vst v63  }
0xc2: {  	_ =	swait.ge [sflag:s29], $0x1000  }
0xc3: {  	[sflag:s29] =	ssyncset.done $0x0  }
0xc4: {  	s6 =	simm.s32 $0x5300;
	[sflag:s29] =	ssyncadd.s32 $0xFFFFF000  }
0xc5: {  	[spmem:s2] =	stream.indirect.scatter.add.f32 [tilespmem:s22], [sflag:$0xF], $0x20, s6, s7, $0xb8;
	[tilespmem:$0x1C000] =	vst v63  }
0xc6: {  	_ =	swait.ge [sflag:s30], $0x1000  }
0xc7: {  	[sflag:s30] =	ssyncset.done $0x0  }
0xc8: {  	s8 =	simm.s32 $0x500;
	[sflag:s30] =	ssyncadd.s32 $0xFFFFF000  }
0xc9: {  	[tilespmem:s11], [sflag:$0x3] =	stream.indirect.gather [spmem:s3], $0x20, s8, s7, $0xb8;
	[tilespmem:$0x1C000] =	vst v63  }
0xca: {  	_ =	swait.ge [sflag:s5], $0x1000  }
0xcb: {  	[sflag:s5] =	ssyncset.done $0x0  }
0xcc: {  	s9 =	simm.s32 $0x5380;
	[sflag:s5] =	ssyncadd.s32 $0xFFFFF000  }
0xcd: {  	[spmem:s2] =	stream.indirect.scatter.add.f32 [tilespmem:s24], [sflag:$0x10], $0x20, s9, s7, $0xb8;
	[tilespmem:$0x1C000] =	vst v63  }
0xce: {  	_ =	swait.ge [sflag:s0], $0x1000  }
0xcf: {  	[sflag:s0] =	ssyncset.done $0x0  }
0xd0: {  	s1 =	simm.s32 $0xA000;
	s14 =	simm.s32 $0x580;
	[sflag:s0] =	ssyncadd.s32 $0xFFFFF000  }
0xd1: {  	[tilespmem:s16], [sflag:$0x4] =	stream.indirect.gather [spmem:s3], $0x20, s14, s7, $0xb8;
	[tilespmem:$0x1C000] =	vst v63  }
.LBB2_4:
0xd2: {  	_ =	swait.ge [sflag:s17], $0x1000  }
0xd3: {  	s6 =	sshra.s32 s15, $0x2;
	[sflag:s17] =	ssyncset.done $0x0  }
0xd4: {  	s9 =	sadd.s32 $0x5400, s6;
	[sflag:s17] =	ssyncadd.s32 $0xFFFFF000  }
0xd5: {  	[spmem:s2] =	stream.indirect.scatter.add.f32 [tilespmem:s1], [sflag:$0x9], $0x20, s9, s7, $0xb8;
	[tilespmem:$0x1C000] =	vst v63  }
0xd6: {  	_ =	swait.ge [sflag:s28], $0x1000  }
0xd7: {  	[sflag:s28] =	ssyncset.done $0x0  }
0xd8: {  	s4 =	sadd.s32 $0x600, s6;
	[sflag:s28] =	ssyncadd.s32 $0xFFFFF000  }
0xd9: {  	[tilespmem:s18], [sflag:$0x5] =	stream.indirect.gather [spmem:s3], $0x20, s4, s7, $0xb8;
	[tilespmem:$0x1C000] =	vst v63  }
0xda: {  	_ =	swait.ge [sflag:s19], $0x1000  }
0xdb: {  	[sflag:s19] =	ssyncset.done $0x0  }
0xdc: {  	s8 =	sadd.s32 $0x5480, s6;
	[sflag:s19] =	ssyncadd.s32 $0xFFFFF000  }
0xdd: {  	[spmem:s2] =	stream.indirect.scatter.add.f32 [tilespmem:s20], [sflag:$0xA], $0x20, s8, s7, $0xb8;
	[tilespmem:$0x1C000] =	vst v63  }
0xde: {  	_ =	swait.ge [sflag:s10], $0x1000  }
0xdf: {  	[sflag:s10] =	ssyncset.done $0x0  }
0xe0: {  	s14 =	sadd.s32 $0x680, s6;
	[sflag:s10] =	ssyncadd.s32 $0xFFFFF000  }
0xe1: {  	[tilespmem:s31], [sflag:$0x6] =	stream.indirect.gather [spmem:s3], $0x20, s14, s7, $0xb8;
	[tilespmem:$0x1C000] =	vst v63  }
0xe2: {  	_ =	swait.ge [sflag:s21], $0x1000  }
0xe3: {  	[sflag:s21] =	ssyncset.done $0x0  }
0xe4: {  	s4 =	sadd.s32 $0x5500, s6;
	[sflag:s21] =	ssyncadd.s32 $0xFFFFF000  }
0xe5: {  	[spmem:s2] =	stream.indirect.scatter.add.f32 [tilespmem:s11], [sflag:$0xB], $0x20, s4, s7, $0xb8;
	[tilespmem:$0x1C000] =	vst v63  }
0xe6: {  	_ =	swait.ge [sflag:s12], $0x1000  }
0xe7: {  	[sflag:s12] =	ssyncset.done $0x0  }
0xe8: {  	s8 =	sadd.s32 $0x700, s6;
	[sflag:s12] =	ssyncadd.s32 $0xFFFFF000  }
0xe9: {  	[tilespmem:s22], [sflag:$0x7] =	stream.indirect.gather [spmem:s3], $0x20, s8, s7, $0xb8;
	[tilespmem:$0x1C000] =	vst v63  }
0xea: {  	_ =	swait.ge [sflag:s23], $0x1000  }
0xeb: {  	[sflag:s23] =	ssyncset.done $0x0  }
0xec: {  	s14 =	sadd.s32 $0x5580, s6;
	[sflag:s23] =	ssyncadd.s32 $0xFFFFF000  }
0xed: {  	[spmem:s2] =	stream.indirect.scatter.add.f32 [tilespmem:s16], [sflag:$0xC], $0x20, s14, s7, $0xb8;
	[tilespmem:$0x1C000] =	vst v63  }
0xee: {  	_ =	swait.ge [sflag:s13], $0x1000  }
0xef: {  	[sflag:s13] =	ssyncset.done $0x0  }
0xf0: {  	s4 =	sadd.s32 $0x780, s6;
	[sflag:s13] =	ssyncadd.s32 $0xFFFFF000  }
0xf1: {  	[tilespmem:s24], [sflag:$0x8] =	stream.indirect.gather [spmem:s3], $0x20, s4, s7, $0xb8;
	[tilespmem:$0x1C000] =	vst v63  }
0xf2: {  	_ =	swait.ge [sflag:s25], $0x1000  }
0xf3: {  	[sflag:s25] =	ssyncset.done $0x0  }
0xf4: {  	s8 =	sadd.s32 $0x5600, s6;
	[sflag:s25] =	ssyncadd.s32 $0xFFFFF000  }
0xf5: {  	[spmem:s2] =	stream.indirect.scatter.add.f32 [tilespmem:s18], [sflag:$0xD], $0x20, s8, s7, $0xb8;
	[tilespmem:$0x1C000] =	vst v63  }
0xf6: {  	_ =	swait.ge [sflag:s26], $0x1000  }
0xf7: {  	p0 =	seq.s32 s15, $0x12000;
	[sflag:s26] =	ssyncset.done $0x0  }
0xf8: {  	s9 =	simm.s32 @p0 $0x6;
	[sflag:s26] =	ssyncadd.s32 $0xFFFFF000  }
0xf9: {  	_ =	swait.ge @p0 [sflag:s9], $0x1000  }
0xfa: {  	[sflag:s9] =	ssyncset.done @p0 $0x0  }
0xfb: {  	[sflag:s9] =	ssyncadd.s32 @p0 $0xFFFFF000;
	s9 =	sshra.s32 @p0 s15, $0x2  }
0xfc: {  	s14 =	simm.s32 @p0 $0xF000;
	s4 =	simm.s32 @p0 $0x80;
	s9 =	sadd.s32 @p0 $0x5680, s9  }
0xfd: {  	[spmem:s2] =	stream.indirect.scatter.add.f32 @p0 [tilespmem:s14], [sflag:$0xE], $0x20, s9, s4, $0xb8;
	[tilespmem:$0x1C000] =	vst v63  }
0xfe: {  	s4 =	simm.s32 @p0 $0xA  }
0xff: {  	_ =	swait.ge @p0 [sflag:s4], $0x1000  }
0x100: {  	[sflag:s4] =	ssyncset.done @p0 $0x0  }
0x101: {  	[sflag:s4] =	ssyncadd.s32 @p0 $0xFFFFF000;
	s4 =	sshra.s32 @!p0 s15, $0x2  }
0x102: {  	s8 =	simm.s32 @!p0 $0xA000;
	s14 =	simm.s32 @!p0 $0x80;
	s9 =	sadd.s32 @!p0 $0x800, s4  }
0x103: {  	[tilespmem:s8], [sflag:$0x1] =	stream.indirect.gather @!p0 [spmem:s3], $0x20, s9, s14, $0xb8;
	[tilespmem:$0x1C000] =	vst v63  }
0x104: {  	s8 =	simm.s32 @!p0 $0x6  }
0x105: {  	_ =	swait.ge @!p0 [sflag:s8], $0x1000  }
0x106: {  	[sflag:s8] =	ssyncset.done @!p0 $0x0  }
0x107: {  	s9 =	simm.s32 @!p0 $0xF000;
	[sflag:s8] =	ssyncadd.s32 @!p0 $0xFFFFF000;
	s8 =	sadd.s32 @!p0 $0x5680, s4  }
0x108: {  	[spmem:s2] =	stream.indirect.scatter.add.f32 @!p0 [tilespmem:s9], [sflag:$0xE], $0x20, s8, s14, $0xb8;
	[tilespmem:$0x1C000] =	vst v63  }
0x109: {  	s8 =	simm.s32 @!p0 $0xA  }
0x10a: {  	_ =	swait.ge @!p0 [sflag:s8], $0x1000  }
0x10b: {  	[sflag:s8] =	ssyncset.done @!p0 $0x0  }
0x10c: {  	s4 =	sadd.s32 @!p0 $0x880, s4;
	[sflag:s8] =	ssyncadd.s32 @!p0 $0xFFFFF000;
	s8 =	simm.s32 @!p0 $0xB000  }
0x10d: {  	[tilespmem:s8], [sflag:$0x2] =	stream.indirect.gather @!p0 [spmem:s3], $0x20, s4, s14, $0xb8;
	[tilespmem:$0x1C000] =	vst v63  }
0x10e: {  	_ =	swait.ge [sflag:s29], $0x1000  }
0x10f: {  	[sflag:s29] =	ssyncset.done $0x0  }
.Ltmp3:
0x110: {  	s14 =	sadd.s32 $0x5700, s6;
	[sflag:s29] =	ssyncadd.s32 $0xFFFFF000;
	(pc) =	sbr.rel @p0 .LBB2_6-.Ltmp3, $4  }
0x111: {  	[spmem:s2] =	stream.indirect.scatter.add.f32 [tilespmem:s22], [sflag:$0xF], $0x20, s14, s7, $0xb8;
	[tilespmem:$0x1C000] =	vst v63  }
0x112: {  	_ =	swait.ge [sflag:s30], $0x1000  }
0x113: {  	[sflag:s30] =	ssyncset.done $0x0  }
0x114: {  	s9 =	sadd.s32 $0x5780, s6;
	[sflag:s30] =	ssyncadd.s32 $0xFFFFF000  }
0x115: {  	s4 =	sadd.s32 $0x900, s6  }
0x116: {  	[tilespmem:s11], [sflag:$0x3] =	stream.indirect.gather [spmem:s3], $0x20, s4, s7, $0xb8;
	[tilespmem:$0x1C000] =	vst v63  }
0x117: {  	_ =	swait.ge [sflag:s5], $0x1000  }
0x118: {  	[sflag:s5] =	ssyncset.done $0x0  }
0x119: {  	[sflag:s5] =	ssyncadd.s32 $0xFFFFF000  }
0x11a: {  	[spmem:s2] =	stream.indirect.scatter.add.f32 [tilespmem:s24], [sflag:$0x10], $0x20, s9, s7, $0xb8;
	[tilespmem:$0x1C000] =	vst v63  }
.Ltmp4:
0x11b: {  	_ = 	snop;
	(pc) =	sbr.rel .LBB2_4-.Ltmp4, $4  }
0x11c: {  	_ =	swait.ge [sflag:s0], $0x1000  }
0x11d: {  	[sflag:s0] =	ssyncset.done $0x0  }
0x11e: {  	s14 =	sadd.s32 $0x980, s6;
	s15 =	sadd.s32 $0x1000, s15;
	[sflag:s0] =	ssyncadd.s32 $0xFFFFF000  }
0x11f: {  	[tilespmem:s16], [sflag:$0x4] =	stream.indirect.gather [spmem:s3], $0x20, s14, s7, $0xb8;
	[tilespmem:$0x1C000] =	vst v63  }
.LBB2_7:
0x120: {  	_ =	sfence.sel $0x180000  }
0x121: {  	[bflag:$0x0] =	sbarrier.arrive $0xFFFF  }
0x122: {  	_ =	strace $0x9000004A  }
0x123: {  	s0 =	stileid.u32;
	[bflag:$0x2] =	sbarrier.arrive $0xFFFF  }
0x124: {  	p0 =	sne.s32 s0, $0x0;
	s0 =	rddreg [dreg:$0x4]  }
0x125: {  	s0 =	sadd.s32 @!p0 $0x100000, s0  }
0x126: {  	[sflag:s0] =	ssyncadd.tile.s32 @!p0 $0x1;
	_ =	shalt  }
.Lfunc_end2:
_tile_overlayer_lowered:
.L_overlay_start_2:
0x127: {  	(tag) =	ssettag $0x2  }
0x128: {  	s0 =	rddreg [dreg:$0x0];
	s2 =	stileid.u32  }
0x129: {  	s1 =	rddreg [dreg:$0x1];
	p0 =	sne.s32 s2, $0x0  }
0x12a: {  	s3 =	rddreg [dreg:$0x2];
	[bflag:$0x3] =	sbarrier.arrive $0xFFFF;
	s2 =	simm.s32 @!p0 $0x1C11  }
0x12b: {  	[timem:s3], [sflag:s2] =	dma.local @!p0 [hbm:s0], s1  }
0x12c: {  	s0 =	simm.s32 @!p0 $0x11  }
0x12d: {  	_ =	swait.ge @!p0 [sflag:s0], s1  }
0x12e: {  	s1 =	ssub.s32 @!p0 $0x0, s1;
	[sflag:s0] =	ssyncset.done @!p0 $0x0  }
0x12f: {  	[sflag:s0] =	ssyncadd.s32 @!p0 s1  }
0x130: {  	[bflag:$0x3] =	sbarrier.arrive $0xFFFF  }
0x131: {  	_ =	shalt  }

// kernel: _run.8.cloned.1.call-start
scs
__scs_entry_jumppad:
0x0: {  	(pc) =	sbr.rel $0x88, $3  }
0x1: {  	(tag) =	ssettag $0x0;
	lr =	simm.s32 $0x1  }
0x2: {  	[smem:$0x3F9B] =	sst lr;
	_ =	strace $0xD0000000  }
0x3: {  	_ = 	snop  }
0x4: {  	_ = 	snop  }
0x5: {  	_ = 	snop  }
0x6: {  	_ = 	snop  }
0x7: {  	_ = 	snop  }
__scs_overlays_trampoline_lowered:
0x8: {  	[smem:$0x3FAA] =	sst s0  }
0x9: {  	[smem:$0x3FAB] =	sst s1  }
0xa: {  	[smem:$0x3FAC] =	sst s2  }
0xb: {  	[smem:$0x3FAD] =	sst s3  }
0xc: {  	[smem:$0x3FAE] =	sst s4  }
0xd: {  	[smem:$0x3FAF] =	sst s5  }
0xe: {  	[smem:$0x3FB0] =	sst s6  }
0xf: {  	[smem:$0x3FB1] =	sst s7  }
0x10: {  	[smem:$0x3FB2] =	sst s8  }
0x11: {  	[smem:$0x3FB3] =	sst s9;
	s0 =	simm.s32 @!p0 $0x0  }
0x12: {  	s1 =	sld [smem:$0x3F99];
	s0 =	simm.s32 @p0 $0x1  }
0x13: {  	[smem:$0x3FB4] =	sst s0;
	s0 =	simm.s32 @!p1 $0x0  }
0x14: {  	s2 =	sld [smem:$0x3F98];
	s0 =	simm.s32 @p1 $0x1  }
0x15: {  	[smem:$0x3FB5] =	sst s0;
	s0 =	simm.s32 @!p2 $0x0  }
0x16: {  	s3 =	sld [smem:$0x3FDB];
	s0 =	simm.s32 @p2 $0x1  }
0x17: {  	s4 =	simm.s32 $0x1BF5;
	[smem:$0x3FB7] =	sst s0  }
0x18: {  	s0 =	sld [smem:$0x3F9A];
	_ =	swait.ge [sflag:s4], $0x0  }
0x19: {  	s7 =	sld [smem:$0x3F9B]  }
0x1a: {  	s8 =	sadd.s32 $0xFFFFE003, lr  }
0x1b: {  	s9 =	sadd.s32 $0xFFFFFEF7, lr;
	s5 =	simm.s32 $0xFFFFFFFF;
	p2 =	slt.u32 s8, $0xFFFFF086  }
0x1c: {  	p1 =	slt.u32 s9, $0xF7A;
	s5 =	simm.s32 @!p2 $0x0  }
0x1d: {  	s5 =	simm.s32 @p1 $0x1;
	p0 =	seq.s32 s7, s2  }
0x1e: {  	s7 =	smul.u32 @!p0 $0xF7A, s2;
	p2 =	seq.s32 @!p0 s5, $0x0  }
0x1f: {  	s9 =	smul.u32 $0xF7A, s1;
	s8 =	simm.s32 @!p0 $0x1BF5;
	p2 =	por !p2, p0  }
0x20: {  	[sflag:s8] =	ssyncset.s32 @!p0 $0xFFFFF086;
	s6 =	sadd.s32 @!p0 s3, s7;
	s7 =	simm.s32 @!p0 $0x108  }
0x21: {  	s3 =	sadd.s32 s3, s9;
	s6 =	sadd.s32 @!p0 $0x88, s6;
	s7 =	simm.s32 @p2 $0x1082  }
0x22: {  	[simem:s7], [sflag:s8] =	dma.local @!p0 [hbm:s6], $0xF7A  }
0x23: {  	s9 =	sor.u32 $0xD0000000, s2;
	s6 =	simm.s32 $0x108;
	_ =	swait.ge @!p0 [sflag:s8], $0x0  }
0x24: {  	s3 =	sadd.s32 $0x88, s3;
	s6 =	simm.s32 @!p1 $0x1082;
	[sflag:s4] =	ssyncset.s32 $0xFFFFF086  }
0x25: {  	[simem:s6], [sflag:s4] =	dma.local [hbm:s3], $0xF7A  }
0x26: {  	[smem:$0x3F9B] =	sst s1;
	(tag) =	ssettag s2;
	_ =	strace s9  }
0x27: {  	s1 =	sld [smem:$0x3FAB]  }
0x28: {  	s2 =	sld [smem:$0x3FAC]  }
0x29: {  	s4 =	sld [smem:$0x3FAE]  }
0x2a: {  	p0 =	seq.s32 s5, $0x0;
	s5 =	sld [smem:$0x3FAF]  }
0x2b: {  	s6 =	sld [smem:$0x3FB0]  }
0x2c: {  	s7 =	sld [smem:$0x3FB1]  }
0x2d: {  	s3 =	simm.s32 $0x108;
	s8 =	sld [smem:$0x3FB2]  }
0x2e: {  	s3 =	simm.s32 @!p0 $0x1082;
	s9 =	sld [smem:$0x3FB3]  }
0x2f: {  	lr =	sadd.s32 s0, s3;
	s0 =	sld [smem:$0x3FAA]  }
0x30: {  	s3 =	sld [smem:$0x3FAD]  }
0x31: {  	[smem:$0x3FB6] =	sst s10  }
0x32: {  	s10 =	sld [smem:$0x3FB4];
	_ =	sdelay $0x3  }
0x33: {  	p0 =	seq.s32 s10, $0x1;
	s10 =	sld [smem:$0x3FB6];
	_ =	sdelay $0x3  }
0x34: {  	[smem:$0x3FB6] =	sst s10  }
0x35: {  	s10 =	sld [smem:$0x3FB5];
	_ =	sdelay $0x3  }
0x36: {  	p1 =	seq.s32 s10, $0x1;
	s10 =	sld [smem:$0x3FB6];
	_ =	sdelay $0x3  }
0x37: {  	[smem:$0x3FB6] =	sst s10  }
0x38: {  	s10 =	sld [smem:$0x3FB7]  }
0x39: {  	_ = 	snop;
	(pc) =	sbr.ind lr, $3  }
0x3a: {  	_ = 	snop  }
0x3b: {  	_ = 	snop  }
0x3c: {  	p2 =	seq.s32 s10, $0x1;
	s10 =	sld [smem:$0x3FB6]  }
0x3d: {  	_ =	shalt  }
0x3e: {  	_ =	shalt  }
0x3f: {  	_ =	shalt  }
0x40: {  	_ =	shalt  }
0x41: {  	_ =	shalt  }
0x42: {  	_ =	shalt  }
0x43: {  	_ =	shalt  }
0x44: {  	_ =	shalt  }
0x45: {  	_ =	shalt  }
0x46: {  	_ =	shalt  }
0x47: {  	_ =	shalt  }
0x48: {  	_ =	shalt  }
0x49: {  	_ =	shalt  }
0x4a: {  	_ =	shalt  }
0x4b: {  	_ =	shalt  }
0x4c: {  	_ =	shalt  }
0x4d: {  	_ =	shalt  }
0x4e: {  	_ =	shalt  }
0x4f: {  	_ =	shalt  }
0x50: {  	_ =	shalt  }
0x51: {  	_ =	shalt  }
0x52: {  	_ =	shalt  }
0x53: {  	_ =	shalt  }
0x54: {  	_ =	shalt  }
0x55: {  	_ =	shalt  }
0x56: {  	_ =	shalt  }
0x57: {  	_ =	shalt  }
0x58: {  	_ =	shalt  }
0x59: {  	_ =	shalt  }
0x5a: {  	_ =	shalt  }
0x5b: {  	_ =	shalt  }
0x5c: {  	_ =	shalt  }
0x5d: {  	_ =	shalt  }
0x5e: {  	_ =	shalt  }
0x5f: {  	_ =	shalt  }
0x60: {  	_ =	shalt  }
0x61: {  	_ =	shalt  }
0x62: {  	_ =	shalt  }
0x63: {  	_ =	shalt  }
0x64: {  	_ =	shalt  }
0x65: {  	_ =	shalt  }
0x66: {  	_ =	shalt  }
0x67: {  	_ =	shalt  }
0x68: {  	_ =	shalt  }
0x69: {  	_ =	shalt  }
0x6a: {  	_ =	shalt  }
0x6b: {  	_ =	shalt  }
0x6c: {  	_ =	shalt  }
0x6d: {  	_ =	shalt  }
0x6e: {  	_ =	shalt  }
0x6f: {  	_ =	shalt  }
0x70: {  	_ =	shalt  }
0x71: {  	_ =	shalt  }
0x72: {  	_ =	shalt  }
0x73: {  	_ =	shalt  }
0x74: {  	_ =	shalt  }
0x75: {  	_ =	shalt  }
0x76: {  	_ =	shalt  }
0x77: {  	_ =	shalt  }
0x78: {  	_ =	shalt  }
0x79: {  	_ =	shalt  }
0x7a: {  	_ =	shalt  }
0x7b: {  	_ =	shalt  }
0x7c: {  	_ =	shalt  }
0x7d: {  	_ =	shalt  }
0x7e: {  	_ =	shalt  }
0x7f: {  	_ =	shalt  }
0x80: {  	_ =	shalt  }
0x81: {  	_ =	shalt  }
0x82: {  	_ =	shalt  }
0x83: {  	_ =	shalt  }
0x84: {  	_ =	shalt  }
0x85: {  	_ =	shalt  }
0x86: {  	_ =	shalt  }
0x87: {  	_ =	shalt  }
.Lfunc_end0:
.L_simem_size_0:
called_computation_lowered:
.L_overlay_start_0:
0x88: {  	s0 =	sld [smem:$0x3FD9]  }
0x89: {  	s1 =	sld [smem:$0x3FFE];
	_ =	sdelay $0x3  }
0x8a: {  	s0 =	sadd.s32 s1, s0  }
0x8b: {  	[smem:$0x3FC2] =	sst s0  }
0x8c: {  	_ = 	snop  }
0x8d: {  	s0 =	sld [smem:$0x3FD0];
	(tm) =	ssettm $0x1  }
0x8e: {  	s16 =	sld [smem:$0x3FFB];
	_ =	sdelay $0x3  }
0x8f: {  	_ =	strace s16  }
0x90: {  	s1 =	sld [smem:$0x3FFC];
	_ =	sdelay $0x3  }
0x91: {  	_ =	strace s1  }
0x92: {  	s1 =	sld [smem:$0x3FFD];
	_ =	sdelay $0x3  }
0x93: {  	_ =	strace s1  }
0x94: {  	_ =	strace $0x8FFFFFFF  }
0x95: {  	s17 =	sld [smem:$0x3FDB];
	_ =	sdelay $0x1  }
0x96: {  	s2 =	simm.s32 $_scs_section_size  }
0x97: {  	s3 =	simm.s32 $_size__tile_overlayer_lowered;
	s4 =	simm.s32 $_tile_overlayer_lowered  }
0x98: {  	s20 =	simm.s32 $0x1BFF;
	s19 =	sshll.u32 s4, $0x1;
	s1 =	sadd.s32 s2, s17  }
0x99: {  	s5 =	simm.s32 $0x0;
	s18 =	sshll.u32 s3, $0x1;
	s3 =	sadd.s32 s19, s1  }
0x9a: {  	[timem:s5], [sflag:s20] =	dma.local [hbm:s3], s18  }
0x9b: {  	_ =	swait.ge [sflag:s20], s18  }
0x9c: {  	s2 =	ssub.s32 $0x0, s18;
	[sflag:s20] =	ssyncset.done $0x0  }
0x9d: {  	[sflag:s20] =	ssyncadd.s32 s2;
	_ =	sdelay $0x1  }
0x9e: {  	s21 =	simm.s32 $0x1B8B  }
0x9f: {  	_ =	swait.ge [sflag:s21], $0x1  }
0xa0: {  	[sflag:s21] =	ssyncset.done $0x0  }
0xa1: {  	s23 =	simm.s32 $0x1B8E;
	s22 =	sld [smem:$0x3FFE];
	[sflag:s21] =	ssyncadd.s32 $0xFFFFFFFF  }
0xa2: {  	s24 =	simm.s32 $execute0_lowered;
	[smem:$0x3FD2] =	sst s23  }
0xa3: {  	s3 =	sshll.u32 s24, $0x1;
	_ =	strace $0x80000046;
	[dreg:$0x1] =	wrdreg $0xFFFFFFFF  }
0xa4: {  	s25 =	simm.s32 $_size_execute0_lowered;
	s1 =	sadd.s32 s1, s3;
	[dreg:$0x0] =	wrdreg $0x0  }
0xa5: {  	s3 =	sshll.u32 s25, $0x1;
	[dreg:$0x2] =	wrdreg s1  }
0xa6: {  	[dreg:$0x3] =	wrdreg s3  }
0xa7: {  	[dreg:$0x4] =	wrdreg $0xC0  }
0xa8: {  	_ =	task [dreg:s5], $0x5FFFF  }
0xa9: {  	[dreg:$0x1] =	wrdreg $0xFFFFFFFF  }
0xaa: {  	[dreg:$0x0] =	wrdreg $0x60  }
0xab: {  	[dreg:$0x2] =	wrdreg s0  }
0xac: {  	[dreg:$0x3] =	wrdreg s22  }
0xad: {  	[dreg:$0x4] =	wrdreg $0x9  }
0xae: {  	_ =	task.clear_ibuf [dreg:s5], $0x5FFFF;
	_ =	strace $0x90000046  }
0xaf: {  	s26 =	simm.s32 $0x9;
	_ =	strace $0x80000048  }
0xb0: {  	_ =	swait.ge [sflag:s26], $0x1  }
0xb1: {  	[sflag:s26] =	ssyncadd.s32 $0xFFFFFFFF  }
0xb2: {  	_ =	strace $0x90000048  }
0xb3: {  	_ =	sfence  }
0xb4: {  	s28 =	sld [smem:$0x0];
	_ =	sdelay $0x1  }
0xb5: {  	s29 =	srdreg.scid  }
0xb6: {  	s30 =	sshll.u32 s29, $0xD;
	s31 =	sshrl.u32 s29, $0x2  }
0xb7: {  	s2 =	sand.u32 $0x4000, s30;
	s1 =	sand.u32 $0x1, s29;
	s0 =	sadd.s32 s31, s28  }
0xb8: {  	s1 =	sor.u32 s2, s1;
	s0 =	sshll.u32 s0, $0x11  }
0xb9: {  	s0 =	sor.u32 s0, s1  }
0xba: {  	s0 =	sadd.s32 $0x8F2B, s0  }
0xbb: {  	[sflag:s0] =	ssyncadd.remote.s32 $0x1  }
0xbc: {  	_ =	sfence.sel $0xFFFF  }
0xbd: {  	[dreg:$0x0] =	wrdreg $0xFFFFFFFF;
	(pc) =	sbr.abs _section_cstart, $3  }
0xbe: {  	[dreg:$0x1] =	wrdreg $0xFFFFFFFF  }
0xbf: {  	_ =	task.clear_ibuf [dreg:s5], $0x2FFFF;
	_ =	strace $0x9FFFFFFF  }
0xc0: {  	(tm) =	ssettm $0x7FFFFFFF  }
0xc1: {  	_ =	shalt  }
tec
execute0_lowered:
.L_overlay_start_1:
0x0: {  	(tag) =	ssettag $0x1  }
0x1: {  	s3 =	rddreg [dreg:$0x0]  }
0x2: {  	s2 =	rddreg [dreg:$0x1];
	s1 =	stileid.u32  }
0x3: {  	s0 =	rddreg [dreg:$0x2];
	s4 =	simm.s32 $0x0;
	s31 =	smul.u32 $0xA00, s1  }
0x4: {  	s5 =	simm.s32 $0x0;
	[smem:$0x7FF] =	sst s4;
	s2 =	sadd.s32 $0x1400, s2  }
0x5: {  	v0 =	vimm.f32 $0.0e+00;
	s4 =	simm.s32 $0x40;
	_ =	strace $0x80000047;
	s3 =	sadd.s32 s3, s31  }
.LBB2_1:
0x6: {  	p0 =	sne.s32 s4, $0x9C40;
	[tilespmem:s5+$0x5000] =	vst v0;
	s5 =	smov.u32 s4;
	s4 =	sadd.s32 $0x40, s4  }
.Ltmp0:
0x7: {  	(pc) =	sbr.rel @p0 .LBB2_1-.Ltmp0, $2  }
0x8: {  	_ =	sdelay $0x2  }
0x9: {  	s5 =	sshra.s32 s5, $0x2  }
0xa: {  	[tilespmem:s5+$0x5000] =	vst v0;
	s4 =	simm.s32 $0x0;
	s31 =	simm.s32 $0x1  }
0xb: {  	[tilespmem:s4], [sflag:$0x1] =	stream.linear.gather [hbm4b:s3+s4], $0x5000, $0x38;
	[tilespmem:$0x7720] =	vst v63  }
0xc: {  	_ =	swait.ge [sflag:s31], $0x5000  }
0xd: {  	[sflag:s31] =	ssyncset.done $0x0  }
0xe: {  	v0 =	vimm.f32 $1.000000000e+00;
	s3 =	simm.s32 $0x1C0;
	s4 =	simm.s32 $0x5000;
	[sflag:s31] =	ssyncadd.s32 $0xFFFFB000  }
.LBB2_3:
0xf: {  	s5 =	sshra.s32 s3, $0x2  }
0x10: {  	v1 =	vld [tilespmem:s5+$0xFFFFFF90];
	_ =	sdelay $0x7  }
0x11: {  	[tilespmem:v1+s4+$0x0] =	vst.idx.add.f32.msk $0xffff, v0  }
0x12: {  	v1 =	vld [tilespmem:s5+$0xFFFFFFA0];
	_ =	sdelay $0x7  }
0x13: {  	[tilespmem:v1+s4+$0x0] =	vst.idx.add.f32.msk $0xffff, v0  }
0x14: {  	v1 =	vld [tilespmem:s5+$0xFFFFFFB0];
	_ =	sdelay $0x7  }
0x15: {  	[tilespmem:v1+s4+$0x0] =	vst.idx.add.f32.msk $0xffff, v0  }
0x16: {  	v1 =	vld [tilespmem:s5+$0xFFFFFFC0];
	_ =	sdelay $0x7  }
0x17: {  	[tilespmem:v1+s4+$0x0] =	vst.idx.add.f32.msk $0xffff, v0  }
0x18: {  	v1 =	vld [tilespmem:s5+$0xFFFFFFD0];
	_ =	sdelay $0x7  }
0x19: {  	[tilespmem:v1+s4+$0x0] =	vst.idx.add.f32.msk $0xffff, v0  }
0x1a: {  	v1 =	vld [tilespmem:s5+$0xFFFFFFE0];
	_ =	sdelay $0x7  }
0x1b: {  	[tilespmem:v1+s4+$0x0] =	vst.idx.add.f32.msk $0xffff, v0  }
0x1c: {  	v1 =	vld [tilespmem:s5+$0xFFFFFFF0];
	_ =	sdelay $0x7  }
0x1d: {  	[tilespmem:v1+s4+$0x0] =	vst.idx.add.f32.msk $0xffff, v0  }
0x1e: {  	v1 =	vld [tilespmem:s5+$0x0];
	_ =	sdelay $0x2  }
0x1f: {  	p0 =	sne.s32 s3, $0x13FC0  }
.Ltmp1:
0x20: {  	_ = 	snop;
	(pc) =	sbr.rel @p0 .LBB2_3-.Ltmp1, $2  }
0x21: {  	_ =	sdelay $0x2  }
0x22: {  	s3 =	sadd.s32 $0x200, s3;
	[tilespmem:v1+s4+$0x0] =	vst.idx.add.f32.msk $0xffff, v0  }
0x23: {  	s3 =	smul.u32 $0x4E4, s1  }
0x24: {  	s30 =	simm.s32 $0x0  }
0x25: {  	s4 =	simm.s32 $0x5000;
	s31 =	simm.s32 $0x1;
	s2 =	sadd.s32 s2, s3  }
0x26: {  	[hbm4b:s2+s30] =	stream.linear.scatter [tilespmem:s4], [sflag:$0x1], $0x2720, $0x38;
	[tilespmem:$0x7720] =	vst v63  }
0x27: {  	_ =	swait.ge [sflag:s31], $0x2720  }
0x28: {  	[sflag:s31] =	ssyncset.done $0x0  }
0x29: {  	[sflag:s31] =	ssyncadd.s32 $0xFFFFD8E0  }
0x2a: {  	_ =	sfence.sel $0x180000  }
0x2b: {  	[bflag:$0x0] =	sbarrier.arrive $0xFFFF  }
0x2c: {  	p0 =	sne.s32 s1, $0x0;
	_ =	strace $0x90000047  }
0x2d: {  	s0 =	sadd.s32 @!p0 $0x100000, s0;
	[bflag:$0x2] =	sbarrier.arrive $0xFFFF  }
0x2e: {  	[sflag:s0] =	ssyncadd.tile.s32 @!p0 $0x1;
	_ =	shalt  }
.Lfunc_end2:
_tile_overlayer_lowered:
.L_overlay_start_2:
0x2f: {  	(tag) =	ssettag $0x2  }
0x30: {  	s0 =	rddreg [dreg:$0x0];
	s2 =	stileid.u32  }
0x31: {  	s1 =	rddreg [dreg:$0x1];
	p0 =	sne.s32 s2, $0x0  }
0x32: {  	s3 =	rddreg [dreg:$0x2];
	[bflag:$0x3] =	sbarrier.arrive $0xFFFF;
	s2 =	simm.s32 @!p0 $0x1C01  }
0x33: {  	[timem:s3], [sflag:s2] =	dma.local @!p0 [hbm:s0], s1  }
0x34: {  	s0 =	simm.s32 @!p0 $0x1  }
0x35: {  	_ =	swait.ge @!p0 [sflag:s0], s1  }
0x36: {  	s1 =	ssub.s32 @!p0 $0x0, s1;
	[sflag:s0] =	ssyncset.done @!p0 $0x0  }
0x37: {  	[sflag:s0] =	ssyncadd.s32 @!p0 s1  }
0x38: {  	[bflag:$0x3] =	sbarrier.arrive $0xFFFF  }
0x39: {  	_ =	shalt  }

</sc_bundles>
